<compile_context>
chip_gen: v7x
topology: tpu7x:2x2x1
jax: 0.10.2.dev20260603
libtpu: 0.0.44.dev20260713+nightly
codegen_flags: <defaults>
</compile_context>

<pallas_src>
import functools

import jax
import jax.numpy as jnp
from jax import lax
from jax.experimental import pallas as pl
from jax.experimental.pallas import tpu as pltpu
from jax.experimental.pallas import tpu_sc as plsc

B = 4096
L = 200
D = 32
NC = 2
NS = 16
NW = NC * NS
BB = B // 128
LA = L // 8
PITCH = 133

_mesh = plsc.VectorSubcoreMesh(core_axis_name="c", subcore_axis_name="s")

V = 1000000
VB = 256
VFULL = V // VB
VTAIL = V - VFULL * VB
ABLK = 124


@functools.partial(
    pl.kernel,
    out_type=jax.ShapeDtypeStruct((V // 4, 128), jnp.float32),
    mesh=_mesh,
    scratch_types=[
        pltpu.VMEM((D, VB + 1), jnp.float32),
        pltpu.VMEM((D, VB + 1), jnp.float32),
        pltpu.VMEM((VB // 4, 136), jnp.float32),
        pltpu.VMEM((VB // 4, 136), jnp.float32),
        pltpu.SemaphoreType.DMA,
        pltpu.SemaphoreType.DMA,
        pltpu.SemaphoreType.DMA,
        pltpu.SemaphoreType.DMA,
    ],
    compiler_params=pltpu.CompilerParams(
        needs_layout_passes=False,
        disable_bounds_checks=True,
        disable_semaphore_checks=True,
    ),
)
def _sc_table_rowmajor(wt2_hbm, tail_hbm, wtr_hbm,
                       inb0, inb1, tpad0, tpad1,
                       gsem0, gsem1, ssem0, ssem1):
    w = lax.axis_index("s") * NC + lax.axis_index("c")

    @pl.when(w == 31)
    def _():
        pltpu.sync_copy(tail_hbm, wtr_hbm.at[pl.ds(VFULL * (VB // 4), 16)])

    inbs = [inb0, inb1]
    tpads = [tpad0, tpad1]
    gsems = [gsem0, gsem1]
    ssems = [ssem0, ssem1]
    iota = jnp.arange(16, dtype=jnp.int32)
    d_lo = iota
    d_hi = iota + 16

    def drain_stores(p):
        pltpu.make_async_copy(
            wtr_hbm.at[pl.ds(0, VB // 4)],
            tpads[p].at[:, pl.ds(0, 128)],
            ssems[p],
        ).wait()

    def fire(k, q):
        blk = k * NW + w

        @pl.when(blk < VFULL)
        def _():
            col = pl.multiple_of(blk * VB, 128)
            pltpu.async_copy(
                wt2_hbm.at[:, pl.ds(col, VB)], inbs[q].at[:, pl.ds(0, VB)], gsems[q]
            )

    fire(jnp.int32(0), 0)

    def step(k, p):
        q = p ^ 1
        fire(k + 1, q)
        blk = k * NW + w

        @pl.when((k >= 2) & ((k - 2) * NW + w < VFULL))
        def _():
            drain_stores(p)

        @pl.when(blk < VFULL)
        def _():
            pltpu.make_async_copy(
                wt2_hbm.at[:, pl.ds(0, VB)], inbs[p].at[:, pl.ds(0, VB)], gsems[p]
            ).wait()

            inb, tpad = inbs[p], tpads[p]

            @plsc.parallel_loop(0, VB, unroll=8)
            def _(s):
                colv = jnp.broadcast_to(s, (16,))
                r = s >> 2
                c = (s & 3) * 32
                tpad[r, pl.ds(c, 16)] = plsc.load_gather(inb, [d_lo, colv])
                tpad[r, pl.ds(c + 16, 16)] = plsc.load_gather(inb, [d_hi, colv])

            pltpu.async_copy(
                tpad.at[:, pl.ds(0, 128)],
                wtr_hbm.at[pl.ds(blk * (VB // 4), VB // 4)],
                ssems[p],
            )

    def body(j, _):
        step(2 * j, 0)
        step(2 * j + 1, 1)
        return 0

    lax.fori_loop(0, ABLK // 2, body, 0)
    @pl.when((ABLK - 2) * NW + w < VFULL)
    def _():
        drain_stores(0)

    @pl.when((ABLK - 1) * NW + w < VFULL)
    def _():
        drain_stores(1)


@functools.partial(
    pl.kernel,
    out_type=jax.ShapeDtypeStruct((L, D // 8, BB, 8, 128), jnp.float32),
    mesh=_mesh,
    scratch_types=[
        pltpu.VMEM((LA, 8, 128), jnp.int32),
        pltpu.VMEM((128, D), jnp.float32),
        pltpu.VMEM((128, D), jnp.float32),
        pltpu.VMEM((128, D), jnp.float32),
        pltpu.VMEM((128, D), jnp.float32),
        pltpu.VMEM((D // 8, 8, PITCH), jnp.float32),
        pltpu.VMEM((D // 8, 8, PITCH), jnp.float32),
        pltpu.VMEM((L, D), jnp.float32),
        pltpu.SemaphoreType.DMA,
        pltpu.SemaphoreType.DMA,
        pltpu.SemaphoreType.DMA,
        pltpu.SemaphoreType.DMA,
        pltpu.SemaphoreType.DMA,
        pltpu.SemaphoreType.DMA,
    ],
    compiler_params=pltpu.CompilerParams(
        use_tc_tiling_on_sc=False,
        needs_layout_passes=False,
        disable_bounds_checks=True,
        disable_semaphore_checks=True,
    ),
)
def _sc_embed(idx_hbm, table_hbm, pos_hbm, out_hbm,
              idxcol, gbuf0, gbuf1, gbuf2, gbuf3, sout0, sout1, posv,
              gsem0, gsem1, gsem2, gsem3, ssem0, ssem1):
    w = lax.axis_index("s") * NC + lax.axis_index("c")
    pltpu.sync_copy(pos_hbm, posv)
    pltpu.sync_copy(idx_hbm.at[:, w], idxcol)

    gbufs = [gbuf0, gbuf1, gbuf2, gbuf3]
    souts = [sout0, sout1]
    gsems = [gsem0, gsem1, gsem2, gsem3]
    ssems = [ssem0, ssem1]
    iota = jnp.arange(16, dtype=jnp.int32)
    r_lo, u_lo = iota // 8, iota % 8
    r_hi, u_hi = (iota + 16) // 8, iota % 8

    def fire_gather(l, q):
        pltpu.async_copy(
            table_hbm.at[idxcol.at[l >> 3, l & 7]], gbufs[q], gsems[q]
        )

    for l0 in range(3):
        fire_gather(jnp.int32(l0), l0)

    def step(l, t):
        nxt = l + 3

        @pl.when(nxt < L)
        def _():
            fire_gather(nxt, (t + 3) % 4)

        pltpu.make_async_copy(table_hbm.at[idxcol.at[0, 0]], gbufs[t], gsems[t]).wait()

        sp = t % 2

        @pl.when(l >= 2)
        def _():
            pltpu.make_async_copy(
                out_hbm.at[0, :, 0], souts[sp].at[:, :, pl.ds(0, 128)], ssems[sp]
            ).wait()

        gb, so = gbufs[t], souts[sp]
        pos_lo = posv[l, pl.ds(0, 16)]
        pos_hi = posv[l, pl.ds(16, 16)]

        @plsc.parallel_loop(0, 128, unroll=8)
        def _(b):
            col = jnp.broadcast_to(b, (16,))
            plsc.store_scatter(so, [r_lo, u_lo, col], gb[b, pl.ds(0, 16)] + pos_lo)
            plsc.store_scatter(so, [r_hi, u_hi, col], gb[b, pl.ds(16, 16)] + pos_hi)
        pltpu.async_copy(
            so.at[:, :, pl.ds(0, 128)], out_hbm.at[l, :, w], ssems[sp]
        )

    def body(j, _):
        for t in range(4):
            step(4 * j + t, t)
        return 0

    lax.fori_loop(0, L // 4, body, 0)
    pltpu.make_async_copy(out_hbm.at[0, :, 0], sout0.at[:, :, pl.ds(0, 128)], ssem0).wait()
    pltpu.make_async_copy(out_hbm.at[0, :, 0], sout1.at[:, :, pl.ds(0, 128)], ssem1).wait()


def kernel(inputs, word_table, pos_table):
    idx4 = (
        inputs.T.astype(jnp.int32)
        .reshape(LA, 8, BB, 128)
        .transpose(0, 2, 1, 3)
    )
    tail = word_table[VFULL * VB :].reshape(16, 128)
    wtr = _sc_table_rowmajor(word_table.T, tail)
    x = _sc_embed(idx4, wtr.reshape(V, D), pos_table)
    return x.transpose(2, 4, 0, 1, 3).reshape(B, L, D)

# --- scband reference (transcript-rebuilt; emitter-appended) ---
"""Pipeline reference for scband-position-embedding-fixed-weights-10471130268159 (READ-ONLY COPY).

The authoritative reference and input builder live on the scoring server;
editing this copy changes nothing except your own understanding.
"""

import jax, jax.numpy as jnp
import numpy as np

SEQ_LEN = 200
VOCAB = 1000000
DIM = 32


def get_position_encoding(seq_len, d, n=10000):
    k = np.arange(seq_len, dtype=np.float64)[:, None]
    i = np.arange(d // 2, dtype=np.float64)[None, :]
    denom = np.power(float(n), 2.0 * i / d)
    P = np.zeros((seq_len, d), dtype=np.float64)
    P[:, 0::2] = np.sin(k / denom)
    P[:, 1::2] = np.cos(k / denom)
    return jnp.asarray(P, dtype=jnp.float32)


def setup_inputs(seed: int = 0) -> dict:
    key = jax.random.key(seed)
    inputs = jax.random.randint(key, (4096, SEQ_LEN), 0, VOCAB, dtype=jnp.int64)
    word_table = get_position_encoding(VOCAB, DIM)
    pos_table = get_position_encoding(SEQ_LEN, DIM)
    return {"inputs": inputs, "word_table": word_table, "pos_table": pos_table}


def reference(inputs, word_table, pos_table):
    L = inputs.shape[-1]
    position_indices = jnp.arange(L)
    embedded_words = jnp.take(word_table, inputs, axis=0)
    embedded_indices = jnp.take(pos_table, position_indices, axis=0)
    return embedded_words + embedded_indices

if __name__ == "__main__":
    import jax
    _d = setup_inputs()
    print(jax.jit(kernel)(*tuple(_d.values())))

</pallas_src>

<mosaic_0001>
#map = affine_map<(d0, d1) -> (0, 0)>
module attributes {stable_mosaic.version = 14 : i64} {
  func.func @_sc_table_rowmajor(%arg0: i32, %arg1: i32, %arg2: memref<32x1000000xf32, #tpu.memory_space<hbm>>, %arg3: memref<16x128xf32, #tpu.memory_space<hbm>>, %arg4: memref<250000x128xf32, #tpu.memory_space<hbm>>, %arg5: memref<32x257xf32, #tpu.memory_space<vmem>>, %arg6: memref<32x257xf32, #tpu.memory_space<vmem>>, %arg7: memref<64x136xf32, #tpu.memory_space<vmem>>, %arg8: memref<64x136xf32, #tpu.memory_space<vmem>>, %arg9: memref<!tpu.dma_semaphore, #tpu.memory_space<semaphore_mem>>, %arg10: memref<!tpu.dma_semaphore, #tpu.memory_space<semaphore_mem>>, %arg11: memref<!tpu.dma_semaphore, #tpu.memory_space<semaphore_mem>>, %arg12: memref<!tpu.dma_semaphore, #tpu.memory_space<semaphore_mem>>) attributes {dimension_semantics = [#tpu.dimension_semantics<core_parallel>, #tpu.dimension_semantics<subcore_parallel>], iteration_bounds = array<i64: 2, 16>, scalar_prefetch = 0 : i64, scratch_operands = 8 : i64, tpu.core_type = #tpu.core_type<sc_vector_subcore>, window_params = [{transform_indices = #map}, {transform_indices = #map}, {transform_indices = #map}]} {
    %mul3A = arith.constant 2 : i32
    %mul3A_0 = arith.muli %arg1, %mul3A : i32
    %add3A = arith.addi %mul3A_0, %arg0 : i32
    %eq3A = arith.constant 31 : i32
    %eq3A_1 = arith.cmpi eq, %add3A, %eq3A : i32
    %convert_element_type3A = arith.extui %eq3A_1 : i1 to i32
    %cond3A = arith.constant 0 : i32
    %cond3A_2 = arith.cmpi ne, %convert_element_type3A, %cond3A : i32
    scf.if %cond3A_2 {
      "tpu.region"() ({
        %run_scoped3A = tpu.sem_alloc : memref<!tpu.dma_semaphore, #tpu.memory_space<semaphore_mem>>
        %dma_start3A = arith.constant 249984 : i32
        %dma_start3A_34 = arith.constant 0 : i32
        %dma_start3A_35 = tpu.memref_slice %arg4[%dma_start3A, %dma_start3A_34] : memref<250000x128xf32, #tpu.memory_space<hbm>> -> memref<16x128xf32, #tpu.memory_space<hbm>>
        tpu.enqueue_dma source(%arg3 : memref<16x128xf32, #tpu.memory_space<hbm>>) target(%dma_start3A_35 : memref<16x128xf32, #tpu.memory_space<hbm>>) target_semaphore(%run_scoped3A : memref<!tpu.dma_semaphore, #tpu.memory_space<semaphore_mem>>)
        %dma_wait3A = arith.constant 249984 : i32
        %dma_wait3A_36 = arith.constant 0 : i32
        %dma_wait3A_37 = tpu.memref_slice %arg4[%dma_wait3A, %dma_wait3A_36] : memref<250000x128xf32, #tpu.memory_space<hbm>> -> memref<16x128xf32, #tpu.memory_space<hbm>>
        tpu.wait_dma2 semaphore(%run_scoped3A : memref<!tpu.dma_semaphore, #tpu.memory_space<semaphore_mem>>) src(%arg3 : memref<16x128xf32, #tpu.memory_space<hbm>>) dst(%dma_wait3A_37 : memref<16x128xf32, #tpu.memory_space<hbm>>)
        tpu.yield
      }) : () -> ()
    } else {
    }
    %iota3A = tpu.iota {dimensions = array<i32: 0>} : vector<16xi32>
    %add3A_3 = arith.constant 16 : i32
    %add3A_4 = vector.broadcast %add3A_3 : i32 to vector<16xi32>
    %add3A_5 = arith.addi %iota3A, %add3A_4 : vector<16xi32>
    %mul3A_6 = arith.constant 0 : i32
    %mul3A_7 = arith.constant 32 : i32
    %mul3A_8 = arith.muli %mul3A_6, %mul3A_7 : i32
    %add3A_9 = arith.addi %mul3A_8, %add3A : i32
    %lt3A = arith.constant 3906 : i32
    %lt3A_10 = arith.cmpi slt, %add3A_9, %lt3A : i32
    %convert_element_type3A_11 = arith.extui %lt3A_10 : i1 to i32
    %cond3A_12 = arith.constant 0 : i32
    %cond3A_13 = arith.cmpi ne, %convert_element_type3A_11, %cond3A_12 : i32
    scf.if %cond3A_13 {
      %mul3A_34 = arith.constant 256 : i32
      %mul3A_35 = arith.muli %add3A_9, %mul3A_34 : i32
      %multiple_of3A = tpu.assume_multiple %mul3A_35, 128 : i32
      %dma_start3A = arith.constant 0 : i32
      %dma_start3A_36 = arith.constant 0 : i32
      %dma_start3A_37 = tpu.memref_slice %arg5[%dma_start3A, %dma_start3A_36] : memref<32x257xf32, #tpu.memory_space<vmem>> -> memref<32x256xf32, #tpu.memory_space<vmem>>
      %dma_start3A_38 = arith.constant 0 : i32
      %dma_start3A_39 = tpu.memref_slice %arg2[%dma_start3A_38, %multiple_of3A] : memref<32x1000000xf32, #tpu.memory_space<hbm>> -> memref<32x256xf32, #tpu.memory_space<hbm>>
      %dma_start3A_40 = arith.constant 0 : i32
      %dma_start3A_41 = arith.constant 0 : i32
      %dma_start3A_42 = tpu.memref_slice %arg5[%dma_start3A_40, %dma_start3A_41] : memref<32x257xf32, #tpu.memory_space<vmem>> -> memref<32x256xf32, #tpu.memory_space<vmem>>
      %dma_start3A_43 = arith.constant 0 : i32
      %dma_start3A_44 = tpu.memref_slice %arg2[%dma_start3A_43, %multiple_of3A] : memref<32x1000000xf32, #tpu.memory_space<hbm>> -> memref<32x256xf32, #tpu.memory_space<hbm>>
      tpu.enqueue_dma source(%dma_start3A_44 : memref<32x256xf32, #tpu.memory_space<hbm>>) target(%dma_start3A_42 : memref<32x256xf32, #tpu.memory_space<vmem>>) target_semaphore(%arg9 : memref<!tpu.dma_semaphore, #tpu.memory_space<semaphore_mem>>)
    } else {
    }
    %scan3A = arith.constant 0 : i32
    %scan3A_14 = arith.constant 0 : i32
    %scan3A_15 = arith.constant 62 : i32
    %scan3A_16 = arith.addi %scan3A_14, %scan3A_15 : i32
    %scan3A_17 = arith.constant 1 : i32
    %scan3A_18 = scf.for %scan3A_34 = %scan3A_14 to %scan3A_16 step %scan3A_17 iter_args(%scan3A_35 = %scan3A) -> (i32)  : i32 {
      %mul3A_36 = arith.constant 2 : i32
      %mul3A_37 = arith.muli %mul3A_36, %scan3A_34 : i32
      %add3A_38 = arith.constant 1 : i32
      %add3A_39 = arith.addi %mul3A_37, %add3A_38 : i32
      %mul3A_40 = arith.constant 32 : i32
      %mul3A_41 = arith.muli %add3A_39, %mul3A_40 : i32
      %add3A_42 = arith.addi %mul3A_41, %add3A : i32
      %lt3A_43 = arith.constant 3906 : i32
      %lt3A_44 = arith.cmpi slt, %add3A_42, %lt3A_43 : i32
      %convert_element_type3A_45 = arith.extui %lt3A_44 : i1 to i32
      %cond3A_46 = arith.constant 0 : i32
      %cond3A_47 = arith.cmpi ne, %convert_element_type3A_45, %cond3A_46 : i32
      scf.if %cond3A_47 {
        %mul3A_102 = arith.constant 256 : i32
        %mul3A_103 = arith.muli %add3A_42, %mul3A_102 : i32
        %multiple_of3A = tpu.assume_multiple %mul3A_103, 128 : i32
        %dma_start3A = arith.constant 0 : i32
        %dma_start3A_104 = arith.constant 0 : i32
        %dma_start3A_105 = tpu.memref_slice %arg6[%dma_start3A, %dma_start3A_104] : memref<32x257xf32, #tpu.memory_space<vmem>> -> memref<32x256xf32, #tpu.memory_space<vmem>>
        %dma_start3A_106 = arith.constant 0 : i32
        %dma_start3A_107 = tpu.memref_slice %arg2[%dma_start3A_106, %multiple_of3A] : memref<32x1000000xf32, #tpu.memory_space<hbm>> -> memref<32x256xf32, #tpu.memory_space<hbm>>
        %dma_start3A_108 = arith.constant 0 : i32
        %dma_start3A_109 = arith.constant 0 : i32
        %dma_start3A_110 = tpu.memref_slice %arg6[%dma_start3A_108, %dma_start3A_109] : memref<32x257xf32, #tpu.memory_space<vmem>> -> memref<32x256xf32, #tpu.memory_space<vmem>>
        %dma_start3A_111 = arith.constant 0 : i32
        %dma_start3A_112 = tpu.memref_slice %arg2[%dma_start3A_111, %multiple_of3A] : memref<32x1000000xf32, #tpu.memory_space<hbm>> -> memref<32x256xf32, #tpu.memory_space<hbm>>
        tpu.enqueue_dma source(%dma_start3A_112 : memref<32x256xf32, #tpu.memory_space<hbm>>) target(%dma_start3A_110 : memref<32x256xf32, #tpu.memory_space<vmem>>) target_semaphore(%arg10 : memref<!tpu.dma_semaphore, #tpu.memory_space<semaphore_mem>>)
      } else {
      }
      %mul3A_48 = arith.constant 32 : i32
      %mul3A_49 = arith.muli %mul3A_37, %mul3A_48 : i32
      %add3A_50 = arith.addi %mul3A_49, %add3A : i32
      %ge3A = arith.constant 2 : i32
      %ge3A_51 = arith.cmpi sge, %mul3A_37, %ge3A : i32
      %sub3A = arith.constant 2 : i32
      %sub3A_52 = arith.subi %mul3A_37, %sub3A : i32
      %mul3A_53 = arith.constant 32 : i32
      %mul3A_54 = arith.muli %sub3A_52, %mul3A_53 : i32
      %add3A_55 = arith.addi %mul3A_54, %add3A : i32
      %lt3A_56 = arith.constant 3906 : i32
      %lt3A_57 = arith.cmpi slt, %add3A_55, %lt3A_56 : i32
      %and3A = arith.andi %ge3A_51, %lt3A_57 : i1
      %convert_element_type3A_58 = arith.extui %and3A : i1 to i32
      %cond3A_59 = arith.constant 0 : i32
      %cond3A_60 = arith.cmpi ne, %convert_element_type3A_58, %cond3A_59 : i32
      scf.if %cond3A_60 {
        %dma_wait3A = arith.constant 0 : i32
        %dma_wait3A_102 = arith.constant 0 : i32
        %dma_wait3A_103 = tpu.memref_slice %arg7[%dma_wait3A, %dma_wait3A_102] : memref<64x136xf32, #tpu.memory_space<vmem>> -> memref<64x128xf32, #tpu.memory_space<vmem>>
        %dma_wait3A_104 = arith.constant 0 : i32
        %dma_wait3A_105 = arith.constant 0 : i32
        %dma_wait3A_106 = tpu.memref_slice %arg4[%dma_wait3A_104, %dma_wait3A_105] : memref<250000x128xf32, #tpu.memory_space<hbm>> -> memref<64x128xf32, #tpu.memory_space<hbm>>
        %dma_wait3A_107 = arith.constant 0 : i32
        %dma_wait3A_108 = arith.constant 0 : i32
        %dma_wait3A_109 = tpu.memref_slice %arg7[%dma_wait3A_107, %dma_wait3A_108] : memref<64x136xf32, #tpu.memory_space<vmem>> -> memref<64x128xf32, #tpu.memory_space<vmem>>
        %dma_wait3A_110 = arith.constant 0 : i32
        %dma_wait3A_111 = arith.constant 0 : i32
        %dma_wait3A_112 = tpu.memref_slice %arg4[%dma_wait3A_110, %dma_wait3A_111] : memref<250000x128xf32, #tpu.memory_space<hbm>> -> memref<64x128xf32, #tpu.memory_space<hbm>>
        tpu.wait_dma2 semaphore(%arg11 : memref<!tpu.dma_semaphore, #tpu.memory_space<semaphore_mem>>) src(%dma_wait3A_112 : memref<64x128xf32, #tpu.memory_space<hbm>>) dst(%dma_wait3A_109 : memref<64x128xf32, #tpu.memory_space<vmem>>)
      } else {
      }
      %lt3A_61 = arith.constant 3906 : i32
      %lt3A_62 = arith.cmpi slt, %add3A_50, %lt3A_61 : i32
      %convert_element_type3A_63 = arith.extui %lt3A_62 : i1 to i32
      %cond3A_64 = arith.constant 0 : i32
      %cond3A_65 = arith.cmpi ne, %convert_element_type3A_63, %cond3A_64 : i32
      scf.if %cond3A_65 {
        %dma_wait3A = arith.constant 0 : i32
        %dma_wait3A_102 = arith.constant 0 : i32
        %dma_wait3A_103 = tpu.memref_slice %arg5[%dma_wait3A, %dma_wait3A_102] : memref<32x257xf32, #tpu.memory_space<vmem>> -> memref<32x256xf32, #tpu.memory_space<vmem>>
        %dma_wait3A_104 = arith.constant 0 : i32
        %dma_wait3A_105 = arith.constant 0 : i32
        %dma_wait3A_106 = tpu.memref_slice %arg2[%dma_wait3A_104, %dma_wait3A_105] : memref<32x1000000xf32, #tpu.memory_space<hbm>> -> memref<32x256xf32, #tpu.memory_space<hbm>>
        %dma_wait3A_107 = arith.constant 0 : i32
        %dma_wait3A_108 = arith.constant 0 : i32
        %dma_wait3A_109 = tpu.memref_slice %arg5[%dma_wait3A_107, %dma_wait3A_108] : memref<32x257xf32, #tpu.memory_space<vmem>> -> memref<32x256xf32, #tpu.memory_space<vmem>>
        %dma_wait3A_110 = arith.constant 0 : i32
        %dma_wait3A_111 = arith.constant 0 : i32
        %dma_wait3A_112 = tpu.memref_slice %arg2[%dma_wait3A_110, %dma_wait3A_111] : memref<32x1000000xf32, #tpu.memory_space<hbm>> -> memref<32x256xf32, #tpu.memory_space<hbm>>
        tpu.wait_dma2 semaphore(%arg9 : memref<!tpu.dma_semaphore, #tpu.memory_space<semaphore_mem>>) src(%dma_wait3A_112 : memref<32x256xf32, #tpu.memory_space<hbm>>) dst(%dma_wait3A_109 : memref<32x256xf32, #tpu.memory_space<vmem>>)
        %parallel_loop3A = arith.constant 0 : i32
        %parallel_loop3A_113 = arith.constant 256 : i32
        %parallel_loop3A_114 = arith.constant 1 : i32
        scf.for %parallel_loop3A_126 = %parallel_loop3A to %parallel_loop3A_113 step %parallel_loop3A_114  : i32 {
          %parallel_loop3A_127 = vector.broadcast %parallel_loop3A_126 : i32 to vector<16xi32>
          %parallel_loop3A_128 = arith.constant 2 : i32
          %parallel_loop3A_129 = arith.shrsi %parallel_loop3A_126, %parallel_loop3A_128 : i32
          %parallel_loop3A_130 = arith.constant 3 : i32
          %parallel_loop3A_131 = arith.andi %parallel_loop3A_126, %parallel_loop3A_130 : i32
          %parallel_loop3A_132 = arith.constant 32 : i32
          %parallel_loop3A_133 = arith.muli %parallel_loop3A_131, %parallel_loop3A_132 : i32
          %parallel_loop3A_134 = tpu.vector_load_idx %arg5[%iota3A, %parallel_loop3A_127] : memref<32x257xf32, #tpu.memory_space<vmem>>[vector<16xi32>, vector<16xi32>], vector<16xf32>,
          %parallel_loop3A_135 = arith.index_cast %parallel_loop3A_129 : i32 to index
          %parallel_loop3A_136 = arith.index_cast %parallel_loop3A_133 : i32 to index
          %parallel_loop3A_137 = tpu.vector_load %arg7[%parallel_loop3A_135, %parallel_loop3A_136] {strides = array<i32>} : memref<64x136xf32, #tpu.memory_space<vmem>>, vector<16xf32>,
          tpu.vector_store %arg7[%parallel_loop3A_135, %parallel_loop3A_136], %parallel_loop3A_134 {strides = array<i32>} : memref<64x136xf32, #tpu.memory_space<vmem>>, vector<16xf32>,
          %parallel_loop3A_138 = tpu.vector_load_idx %arg5[%add3A_5, %parallel_loop3A_127] : memref<32x257xf32, #tpu.memory_space<vmem>>[vector<16xi32>, vector<16xi32>], vector<16xf32>,
          %parallel_loop3A_139 = arith.constant 16 : i32
          %parallel_loop3A_140 = arith.addi %parallel_loop3A_133, %parallel_loop3A_139 : i32
          %parallel_loop3A_141 = arith.index_cast %parallel_loop3A_129 : i32 to index
          %parallel_loop3A_142 = arith.index_cast %parallel_loop3A_140 : i32 to index
          %parallel_loop3A_143 = tpu.vector_load %arg7[%parallel_loop3A_141, %parallel_loop3A_142] {strides = array<i32>} : memref<64x136xf32, #tpu.memory_space<vmem>>, vector<16xf32>,
          tpu.vector_store %arg7[%parallel_loop3A_141, %parallel_loop3A_142], %parallel_loop3A_138 {strides = array<i32>} : memref<64x136xf32, #tpu.memory_space<vmem>>, vector<16xf32>,
        } {sc.loop_unroll_factor = 8 : i64, sc.parallel_access}
        %mul3A_115 = arith.constant 64 : i32
        %mul3A_116 = arith.muli %add3A_50, %mul3A_115 : i32
        %dma_start3A = arith.constant 0 : i32
        %dma_start3A_117 = arith.constant 0 : i32
        %dma_start3A_118 = tpu.memref_slice %arg7[%dma_start3A, %dma_start3A_117] : memref<64x136xf32, #tpu.memory_space<vmem>> -> memref<64x128xf32, #tpu.memory_space<vmem>>
        %dma_start3A_119 = arith.constant 0 : i32
        %dma_start3A_120 = tpu.memref_slice %arg4[%mul3A_116, %dma_start3A_119] : memref<250000x128xf32, #tpu.memory_space<hbm>> -> memref<64x128xf32, #tpu.memory_space<hbm>>
        %dma_start3A_121 = arith.constant 0 : i32
        %dma_start3A_122 = tpu.memref_slice %arg4[%mul3A_116, %dma_start3A_121] : memref<250000x128xf32, #tpu.memory_space<hbm>> -> memref<64x128xf32, #tpu.memory_space<hbm>>
        %dma_start3A_123 = arith.constant 0 : i32
        %dma_start3A_124 = arith.constant 0 : i32
        %dma_start3A_125 = tpu.memref_slice %arg7[%dma_start3A_123, %dma_start3A_124] : memref<64x136xf32, #tpu.memory_space<vmem>> -> memref<64x128xf32, #tpu.memory_space<vmem>>
        tpu.enqueue_dma source(%dma_start3A_125 : memref<64x128xf32, #tpu.memory_space<vmem>>) target(%dma_start3A_122 : memref<64x128xf32, #tpu.memory_space<hbm>>) target_semaphore(%arg11 : memref<!tpu.dma_semaphore, #tpu.memory_space<semaphore_mem>>)
      } else {
      }
      %mul3A_66 = arith.constant 2 : i32
      %mul3A_67 = arith.muli %mul3A_66, %scan3A_34 : i32
      %add3A_68 = arith.constant 1 : i32
      %add3A_69 = arith.addi %mul3A_67, %add3A_68 : i32
      %add3A_70 = arith.constant 1 : i32
      %add3A_71 = arith.addi %add3A_69, %add3A_70 : i32
      %mul3A_72 = arith.constant 32 : i32
      %mul3A_73 = arith.muli %add3A_71, %mul3A_72 : i32
      %add3A_74 = arith.addi %mul3A_73, %add3A : i32
      %lt3A_75 = arith.constant 3906 : i32
      %lt3A_76 = arith.cmpi slt, %add3A_74, %lt3A_75 : i32
      %convert_element_type3A_77 = arith.extui %lt3A_76 : i1 to i32
      %cond3A_78 = arith.constant 0 : i32
      %cond3A_79 = arith.cmpi ne, %convert_element_type3A_77, %cond3A_78 : i32
      scf.if %cond3A_79 {
        %mul3A_102 = arith.constant 256 : i32
        %mul3A_103 = arith.muli %add3A_74, %mul3A_102 : i32
        %multiple_of3A = tpu.assume_multiple %mul3A_103, 128 : i32
        %dma_start3A = arith.constant 0 : i32
        %dma_start3A_104 = arith.constant 0 : i32
        %dma_start3A_105 = tpu.memref_slice %arg5[%dma_start3A, %dma_start3A_104] : memref<32x257xf32, #tpu.memory_space<vmem>> -> memref<32x256xf32, #tpu.memory_space<vmem>>
        %dma_start3A_106 = arith.constant 0 : i32
        %dma_start3A_107 = tpu.memref_slice %arg2[%dma_start3A_106, %multiple_of3A] : memref<32x1000000xf32, #tpu.memory_space<hbm>> -> memref<32x256xf32, #tpu.memory_space<hbm>>
        %dma_start3A_108 = arith.constant 0 : i32
        %dma_start3A_109 = arith.constant 0 : i32
        %dma_start3A_110 = tpu.memref_slice %arg5[%dma_start3A_108, %dma_start3A_109] : memref<32x257xf32, #tpu.memory_space<vmem>> -> memref<32x256xf32, #tpu.memory_space<vmem>>
        %dma_start3A_111 = arith.constant 0 : i32
        %dma_start3A_112 = tpu.memref_slice %arg2[%dma_start3A_111, %multiple_of3A] : memref<32x1000000xf32, #tpu.memory_space<hbm>> -> memref<32x256xf32, #tpu.memory_space<hbm>>
        tpu.enqueue_dma source(%dma_start3A_112 : memref<32x256xf32, #tpu.memory_space<hbm>>) target(%dma_start3A_110 : memref<32x256xf32, #tpu.memory_space<vmem>>) target_semaphore(%arg9 : memref<!tpu.dma_semaphore, #tpu.memory_space<semaphore_mem>>)
      } else {
      }
      %mul3A_80 = arith.constant 32 : i32
      %mul3A_81 = arith.muli %add3A_69, %mul3A_80 : i32
      %add3A_82 = arith.addi %mul3A_81, %add3A : i32
      %ge3A_83 = arith.constant 2 : i32
      %ge3A_84 = arith.cmpi sge, %add3A_69, %ge3A_83 : i32
      %sub3A_85 = arith.constant 2 : i32
      %sub3A_86 = arith.subi %add3A_69, %sub3A_85 : i32
      %mul3A_87 = arith.constant 32 : i32
      %mul3A_88 = arith.muli %sub3A_86, %mul3A_87 : i32
      %add3A_89 = arith.addi %mul3A_88, %add3A : i32
      %lt3A_90 = arith.constant 3906 : i32
      %lt3A_91 = arith.cmpi slt, %add3A_89, %lt3A_90 : i32
      %and3A_92 = arith.andi %ge3A_84, %lt3A_91 : i1
      %convert_element_type3A_93 = arith.extui %and3A_92 : i1 to i32
      %cond3A_94 = arith.constant 0 : i32
      %cond3A_95 = arith.cmpi ne, %convert_element_type3A_93, %cond3A_94 : i32
      scf.if %cond3A_95 {
        %dma_wait3A = arith.constant 0 : i32
        %dma_wait3A_102 = arith.constant 0 : i32
        %dma_wait3A_103 = tpu.memref_slice %arg8[%dma_wait3A, %dma_wait3A_102] : memref<64x136xf32, #tpu.memory_space<vmem>> -> memref<64x128xf32, #tpu.memory_space<vmem>>
        %dma_wait3A_104 = arith.constant 0 : i32
        %dma_wait3A_105 = arith.constant 0 : i32
        %dma_wait3A_106 = tpu.memref_slice %arg4[%dma_wait3A_104, %dma_wait3A_105] : memref<250000x128xf32, #tpu.memory_space<hbm>> -> memref<64x128xf32, #tpu.memory_space<hbm>>
        %dma_wait3A_107 = arith.constant 0 : i32
        %dma_wait3A_108 = arith.constant 0 : i32
        %dma_wait3A_109 = tpu.memref_slice %arg8[%dma_wait3A_107, %dma_wait3A_108] : memref<64x136xf32, #tpu.memory_space<vmem>> -> memref<64x128xf32, #tpu.memory_space<vmem>>
        %dma_wait3A_110 = arith.constant 0 : i32
        %dma_wait3A_111 = arith.constant 0 : i32
        %dma_wait3A_112 = tpu.memref_slice %arg4[%dma_wait3A_110, %dma_wait3A_111] : memref<250000x128xf32, #tpu.memory_space<hbm>> -> memref<64x128xf32, #tpu.memory_space<hbm>>
        tpu.wait_dma2 semaphore(%arg12 : memref<!tpu.dma_semaphore, #tpu.memory_space<semaphore_mem>>) src(%dma_wait3A_112 : memref<64x128xf32, #tpu.memory_space<hbm>>) dst(%dma_wait3A_109 : memref<64x128xf32, #tpu.memory_space<vmem>>)
      } else {
      }
      %lt3A_96 = arith.constant 3906 : i32
      %lt3A_97 = arith.cmpi slt, %add3A_82, %lt3A_96 : i32
      %convert_element_type3A_98 = arith.extui %lt3A_97 : i1 to i32
      %cond3A_99 = arith.constant 0 : i32
      %cond3A_100 = arith.cmpi ne, %convert_element_type3A_98, %cond3A_99 : i32
      scf.if %cond3A_100 {
        %dma_wait3A = arith.constant 0 : i32
        %dma_wait3A_102 = arith.constant 0 : i32
        %dma_wait3A_103 = tpu.memref_slice %arg6[%dma_wait3A, %dma_wait3A_102] : memref<32x257xf32, #tpu.memory_space<vmem>> -> memref<32x256xf32, #tpu.memory_space<vmem>>
        %dma_wait3A_104 = arith.constant 0 : i32
        %dma_wait3A_105 = arith.constant 0 : i32
        %dma_wait3A_106 = tpu.memref_slice %arg2[%dma_wait3A_104, %dma_wait3A_105] : memref<32x1000000xf32, #tpu.memory_space<hbm>> -> memref<32x256xf32, #tpu.memory_space<hbm>>
        %dma_wait3A_107 = arith.constant 0 : i32
        %dma_wait3A_108 = arith.constant 0 : i32
        %dma_wait3A_109 = tpu.memref_slice %arg6[%dma_wait3A_107, %dma_wait3A_108] : memref<32x257xf32, #tpu.memory_space<vmem>> -> memref<32x256xf32, #tpu.memory_space<vmem>>
        %dma_wait3A_110 = arith.constant 0 : i32
        %dma_wait3A_111 = arith.constant 0 : i32
        %dma_wait3A_112 = tpu.memref_slice %arg2[%dma_wait3A_110, %dma_wait3A_111] : memref<32x1000000xf32, #tpu.memory_space<hbm>> -> memref<32x256xf32, #tpu.memory_space<hbm>>
        tpu.wait_dma2 semaphore(%arg10 : memref<!tpu.dma_semaphore, #tpu.memory_space<semaphore_mem>>) src(%dma_wait3A_112 : memref<32x256xf32, #tpu.memory_space<hbm>>) dst(%dma_wait3A_109 : memref<32x256xf32, #tpu.memory_space<vmem>>)
        %parallel_loop3A = arith.constant 0 : i32
        %parallel_loop3A_113 = arith.constant 256 : i32
        %parallel_loop3A_114 = arith.constant 1 : i32
        scf.for %parallel_loop3A_126 = %parallel_loop3A to %parallel_loop3A_113 step %parallel_loop3A_114  : i32 {
          %parallel_loop3A_127 = vector.broadcast %parallel_loop3A_126 : i32 to vector<16xi32>
          %parallel_loop3A_128 = arith.constant 2 : i32
          %parallel_loop3A_129 = arith.shrsi %parallel_loop3A_126, %parallel_loop3A_128 : i32
          %parallel_loop3A_130 = arith.constant 3 : i32
          %parallel_loop3A_131 = arith.andi %parallel_loop3A_126, %parallel_loop3A_130 : i32
          %parallel_loop3A_132 = arith.constant 32 : i32
          %parallel_loop3A_133 = arith.muli %parallel_loop3A_131, %parallel_loop3A_132 : i32
          %parallel_loop3A_134 = tpu.vector_load_idx %arg6[%iota3A, %parallel_loop3A_127] : memref<32x257xf32, #tpu.memory_space<vmem>>[vector<16xi32>, vector<16xi32>], vector<16xf32>,
          %parallel_loop3A_135 = arith.index_cast %parallel_loop3A_129 : i32 to index
          %parallel_loop3A_136 = arith.index_cast %parallel_loop3A_133 : i32 to index
          %parallel_loop3A_137 = tpu.vector_load %arg8[%parallel_loop3A_135, %parallel_loop3A_136] {strides = array<i32>} : memref<64x136xf32, #tpu.memory_space<vmem>>, vector<16xf32>,
          tpu.vector_store %arg8[%parallel_loop3A_135, %parallel_loop3A_136], %parallel_loop3A_134 {strides = array<i32>} : memref<64x136xf32, #tpu.memory_space<vmem>>, vector<16xf32>,
          %parallel_loop3A_138 = tpu.vector_load_idx %arg6[%add3A_5, %parallel_loop3A_127] : memref<32x257xf32, #tpu.memory_space<vmem>>[vector<16xi32>, vector<16xi32>], vector<16xf32>,
          %parallel_loop3A_139 = arith.constant 16 : i32
          %parallel_loop3A_140 = arith.addi %parallel_loop3A_133, %parallel_loop3A_139 : i32
          %parallel_loop3A_141 = arith.index_cast %parallel_loop3A_129 : i32 to index
          %parallel_loop3A_142 = arith.index_cast %parallel_loop3A_140 : i32 to index
          %parallel_loop3A_143 = tpu.vector_load %arg8[%parallel_loop3A_141, %parallel_loop3A_142] {strides = array<i32>} : memref<64x136xf32, #tpu.memory_space<vmem>>, vector<16xf32>,
          tpu.vector_store %arg8[%parallel_loop3A_141, %parallel_loop3A_142], %parallel_loop3A_138 {strides = array<i32>} : memref<64x136xf32, #tpu.memory_space<vmem>>, vector<16xf32>,
        } {sc.loop_unroll_factor = 8 : i64, sc.parallel_access}
        %mul3A_115 = arith.constant 64 : i32
        %mul3A_116 = arith.muli %add3A_82, %mul3A_115 : i32
        %dma_start3A = arith.constant 0 : i32
        %dma_start3A_117 = arith.constant 0 : i32
        %dma_start3A_118 = tpu.memref_slice %arg8[%dma_start3A, %dma_start3A_117] : memref<64x136xf32, #tpu.memory_space<vmem>> -> memref<64x128xf32, #tpu.memory_space<vmem>>
        %dma_start3A_119 = arith.constant 0 : i32
        %dma_start3A_120 = tpu.memref_slice %arg4[%mul3A_116, %dma_start3A_119] : memref<250000x128xf32, #tpu.memory_space<hbm>> -> memref<64x128xf32, #tpu.memory_space<hbm>>
        %dma_start3A_121 = arith.constant 0 : i32
        %dma_start3A_122 = tpu.memref_slice %arg4[%mul3A_116, %dma_start3A_121] : memref<250000x128xf32, #tpu.memory_space<hbm>> -> memref<64x128xf32, #tpu.memory_space<hbm>>
        %dma_start3A_123 = arith.constant 0 : i32
        %dma_start3A_124 = arith.constant 0 : i32
        %dma_start3A_125 = tpu.memref_slice %arg8[%dma_start3A_123, %dma_start3A_124] : memref<64x136xf32, #tpu.memory_space<vmem>> -> memref<64x128xf32, #tpu.memory_space<vmem>>
        tpu.enqueue_dma source(%dma_start3A_125 : memref<64x128xf32, #tpu.memory_space<vmem>>) target(%dma_start3A_122 : memref<64x128xf32, #tpu.memory_space<hbm>>) target_semaphore(%arg12 : memref<!tpu.dma_semaphore, #tpu.memory_space<semaphore_mem>>)
      } else {
      }
      %scan3A_101 = arith.constant 0 : i32
      scf.yield %scan3A_101 : i32
    }
    %scan3A_19 = arith.constant 62 : i32
    %add3A_20 = arith.constant 3904 : i32
    %add3A_21 = arith.addi %add3A_20, %add3A : i32
    %lt3A_22 = arith.constant 3906 : i32
    %lt3A_23 = arith.cmpi slt, %add3A_21, %lt3A_22 : i32
    %convert_element_type3A_24 = arith.extui %lt3A_23 : i1 to i32
    %cond3A_25 = arith.constant 0 : i32
    %cond3A_26 = arith.cmpi ne, %convert_element_type3A_24, %cond3A_25 : i32
    scf.if %cond3A_26 {
      %dma_wait3A = arith.constant 0 : i32
      %dma_wait3A_34 = arith.constant 0 : i32
      %dma_wait3A_35 = tpu.memref_slice %arg7[%dma_wait3A, %dma_wait3A_34] : memref<64x136xf32, #tpu.memory_space<vmem>> -> memref<64x128xf32, #tpu.memory_space<vmem>>
      %dma_wait3A_36 = arith.constant 0 : i32
      %dma_wait3A_37 = arith.constant 0 : i32
      %dma_wait3A_38 = tpu.memref_slice %arg4[%dma_wait3A_36, %dma_wait3A_37] : memref<250000x128xf32, #tpu.memory_space<hbm>> -> memref<64x128xf32, #tpu.memory_space<hbm>>
      %dma_wait3A_39 = arith.constant 0 : i32
      %dma_wait3A_40 = arith.constant 0 : i32
      %dma_wait3A_41 = tpu.memref_slice %arg7[%dma_wait3A_39, %dma_wait3A_40] : memref<64x136xf32, #tpu.memory_space<vmem>> -> memref<64x128xf32, #tpu.memory_space<vmem>>
      %dma_wait3A_42 = arith.constant 0 : i32
      %dma_wait3A_43 = arith.constant 0 : i32
      %dma_wait3A_44 = tpu.memref_slice %arg4[%dma_wait3A_42, %dma_wait3A_43] : memref<250000x128xf32, #tpu.memory_space<hbm>> -> memref<64x128xf32, #tpu.memory_space<hbm>>
      tpu.wait_dma2 semaphore(%arg11 : memref<!tpu.dma_semaphore, #tpu.memory_space<semaphore_mem>>) src(%dma_wait3A_44 : memref<64x128xf32, #tpu.memory_space<hbm>>) dst(%dma_wait3A_41 : memref<64x128xf32, #tpu.memory_space<vmem>>)
    } else {
    }
    %add3A_27 = arith.constant 3936 : i32
    %add3A_28 = arith.addi %add3A_27, %add3A : i32
    %lt3A_29 = arith.constant 3906 : i32
    %lt3A_30 = arith.cmpi slt, %add3A_28, %lt3A_29 : i32
    %convert_element_type3A_31 = arith.extui %lt3A_30 : i1 to i32
    %cond3A_32 = arith.constant 0 : i32
    %cond3A_33 = arith.cmpi ne, %convert_element_type3A_31, %cond3A_32 : i32
    scf.if %cond3A_33 {
      %dma_wait3A = arith.constant 0 : i32
      %dma_wait3A_34 = arith.constant 0 : i32
      %dma_wait3A_35 = tpu.memref_slice %arg8[%dma_wait3A, %dma_wait3A_34] : memref<64x136xf32, #tpu.memory_space<vmem>> -> memref<64x128xf32, #tpu.memory_space<vmem>>
      %dma_wait3A_36 = arith.constant 0 : i32
      %dma_wait3A_37 = arith.constant 0 : i32
      %dma_wait3A_38 = tpu.memref_slice %arg4[%dma_wait3A_36, %dma_wait3A_37] : memref<250000x128xf32, #tpu.memory_space<hbm>> -> memref<64x128xf32, #tpu.memory_space<hbm>>
      %dma_wait3A_39 = arith.constant 0 : i32
      %dma_wait3A_40 = arith.constant 0 : i32
      %dma_wait3A_41 = tpu.memref_slice %arg8[%dma_wait3A_39, %dma_wait3A_40] : memref<64x136xf32, #tpu.memory_space<vmem>> -> memref<64x128xf32, #tpu.memory_space<vmem>>
      %dma_wait3A_42 = arith.constant 0 : i32
      %dma_wait3A_43 = arith.constant 0 : i32
      %dma_wait3A_44 = tpu.memref_slice %arg4[%dma_wait3A_42, %dma_wait3A_43] : memref<250000x128xf32, #tpu.memory_space<hbm>> -> memref<64x128xf32, #tpu.memory_space<hbm>>
      tpu.wait_dma2 semaphore(%arg12 : memref<!tpu.dma_semaphore, #tpu.memory_space<semaphore_mem>>) src(%dma_wait3A_44 : memref<64x128xf32, #tpu.memory_space<hbm>>) dst(%dma_wait3A_41 : memref<64x128xf32, #tpu.memory_space<vmem>>)
    } else {
    }
    return
  }
}

#map = affine_map<(d0, d1) -> (0, 0, 0, 0)>
#map1 = affine_map<(d0, d1) -> (0, 0)>
#map2 = affine_map<(d0, d1) -> (0, 0, 0, 0, 0)>
module attributes {stable_mosaic.version = 14 : i64} {
  func.func @_sc_embed(%arg0: i32, %arg1: i32, %arg2: memref<25x32x8x128xi32, #tpu.memory_space<hbm>>, %arg3: memref<1000000x32xf32, #tpu.memory_space<hbm>>, %arg4: memref<200x32xf32, #tpu.memory_space<hbm>>, %arg5: memref<200x4x32x8x128xf32, #tpu.memory_space<hbm>>, %arg6: memref<25x8x128xi32, #tpu.memory_space<vmem>>, %arg7: memref<128x32xf32, #tpu.memory_space<vmem>>, %arg8: memref<128x32xf32, #tpu.memory_space<vmem>>, %arg9: memref<128x32xf32, #tpu.memory_space<vmem>>, %arg10: memref<128x32xf32, #tpu.memory_space<vmem>>, %arg11: memref<4x8x133xf32, #tpu.memory_space<vmem>>, %arg12: memref<4x8x133xf32, #tpu.memory_space<vmem>>, %arg13: memref<200x32xf32, #tpu.memory_space<vmem>>, %arg14: memref<!tpu.dma_semaphore, #tpu.memory_space<semaphore_mem>>, %arg15: memref<!tpu.dma_semaphore, #tpu.memory_space<semaphore_mem>>, %arg16: memref<!tpu.dma_semaphore, #tpu.memory_space<semaphore_mem>>, %arg17: memref<!tpu.dma_semaphore, #tpu.memory_space<semaphore_mem>>, %arg18: memref<!tpu.dma_semaphore, #tpu.memory_space<semaphore_mem>>, %arg19: memref<!tpu.dma_semaphore, #tpu.memory_space<semaphore_mem>>) attributes {dimension_semantics = [#tpu.dimension_semantics<core_parallel>, #tpu.dimension_semantics<subcore_parallel>], iteration_bounds = array<i64: 2, 16>, scalar_prefetch = 0 : i64, scratch_operands = 14 : i64, tpu.core_type = #tpu.core_type<sc_vector_subcore>, window_params = [{transform_indices = #map}, {transform_indices = #map1}, {transform_indices = #map1}, {transform_indices = #map2}]} {
    %mul3A = arith.constant 2 : i32
    %mul3A_0 = arith.muli %arg1, %mul3A : i32
    %add3A = arith.addi %mul3A_0, %arg0 : i32
    "tpu.region"() ({
      %run_scoped3A = tpu.sem_alloc : memref<!tpu.dma_semaphore, #tpu.memory_space<semaphore_mem>>
      tpu.enqueue_dma source(%arg4 : memref<200x32xf32, #tpu.memory_space<hbm>>) target(%arg13 : memref<200x32xf32, #tpu.memory_space<vmem>>) target_semaphore(%run_scoped3A : memref<!tpu.dma_semaphore, #tpu.memory_space<semaphore_mem>>)
      tpu.wait_dma2 semaphore(%run_scoped3A : memref<!tpu.dma_semaphore, #tpu.memory_space<semaphore_mem>>) src(%arg4 : memref<200x32xf32, #tpu.memory_space<hbm>>) dst(%arg13 : memref<200x32xf32, #tpu.memory_space<vmem>>)
      tpu.yield
    }) : () -> ()
    "tpu.region"() ({
      %run_scoped3A = tpu.sem_alloc : memref<!tpu.dma_semaphore, #tpu.memory_space<semaphore_mem>>
      %dma_start3A_179 = arith.constant 0 : i32
      %dma_start3A_180 = arith.constant 0 : i32
      %dma_start3A_181 = arith.constant 0 : i32
      %dma_start3A_182 = tpu.memref_slice %arg2[%dma_start3A_179, %add3A, %dma_start3A_180, %dma_start3A_181] : memref<25x32x8x128xi32, #tpu.memory_space<hbm>> -> memref<25x1x8x128xi32, #tpu.memory_space<hbm>>
      %dma_start3A_183 = tpu.memref_squeeze %dma_start3A_182 : memref<25x1x8x128xi32, #tpu.memory_space<hbm>> -> memref<25x8x128xi32, #tpu.memory_space<hbm>>
      %dma_start3A_184 = arith.constant 0 : i32
      %dma_start3A_185 = arith.constant 0 : i32
      %dma_start3A_186 = arith.constant 0 : i32
      %dma_start3A_187 = tpu.memref_slice %arg2[%dma_start3A_184, %add3A, %dma_start3A_185, %dma_start3A_186] : memref<25x32x8x128xi32, #tpu.memory_space<hbm>> -> memref<25x1x8x128xi32, #tpu.memory_space<hbm>>
      %dma_start3A_188 = tpu.memref_squeeze %dma_start3A_187 : memref<25x1x8x128xi32, #tpu.memory_space<hbm>> -> memref<25x8x128xi32, #tpu.memory_space<hbm>>
      tpu.enqueue_dma source(%dma_start3A_188 : memref<25x8x128xi32, #tpu.memory_space<hbm>>) target(%arg6 : memref<25x8x128xi32, #tpu.memory_space<vmem>>) target_semaphore(%run_scoped3A : memref<!tpu.dma_semaphore, #tpu.memory_space<semaphore_mem>>)
      %dma_wait3A_189 = arith.constant 0 : i32
      %dma_wait3A_190 = arith.constant 0 : i32
      %dma_wait3A_191 = arith.constant 0 : i32
      %dma_wait3A_192 = tpu.memref_slice %arg2[%dma_wait3A_189, %add3A, %dma_wait3A_190, %dma_wait3A_191] : memref<25x32x8x128xi32, #tpu.memory_space<hbm>> -> memref<25x1x8x128xi32, #tpu.memory_space<hbm>>
      %dma_wait3A_193 = tpu.memref_squeeze %dma_wait3A_192 : memref<25x1x8x128xi32, #tpu.memory_space<hbm>> -> memref<25x8x128xi32, #tpu.memory_space<hbm>>
      %dma_wait3A_194 = arith.constant 0 : i32
      %dma_wait3A_195 = arith.constant 0 : i32
      %dma_wait3A_196 = arith.constant 0 : i32
      %dma_wait3A_197 = tpu.memref_slice %arg2[%dma_wait3A_194, %add3A, %dma_wait3A_195, %dma_wait3A_196] : memref<25x32x8x128xi32, #tpu.memory_space<hbm>> -> memref<25x1x8x128xi32, #tpu.memory_space<hbm>>
      %dma_wait3A_198 = tpu.memref_squeeze %dma_wait3A_197 : memref<25x1x8x128xi32, #tpu.memory_space<hbm>> -> memref<25x8x128xi32, #tpu.memory_space<hbm>>
      tpu.wait_dma2 semaphore(%run_scoped3A : memref<!tpu.dma_semaphore, #tpu.memory_space<semaphore_mem>>) src(%dma_wait3A_198 : memref<25x8x128xi32, #tpu.memory_space<hbm>>) dst(%arg6 : memref<25x8x128xi32, #tpu.memory_space<vmem>>)
      tpu.yield
    }) : () -> ()
    %iota3A = tpu.iota {dimensions = array<i32: 0>} : vector<16xi32>
    %jit3A = arith.constant 8 : i32
    %div3A = vector.broadcast %jit3A : i32 to vector<16xi32>
    %div3A_1 = arith.divsi %iota3A, %div3A : vector<16xi32>
    %sign3A = arith.constant 0 : i32
    %sign3A_2 = vector.broadcast %sign3A : i32 to vector<16xi32>
    %sign3A_3 = arith.cmpi sgt, %iota3A, %sign3A_2 : vector<16xi32>
    %sign3A_4 = arith.extui %sign3A_3 : vector<16xi1> to vector<16xi32>
    %sign3A_5 = arith.constant 0 : i32
    %sign3A_6 = vector.broadcast %sign3A_5 : i32 to vector<16xi32>
    %sign3A_7 = arith.cmpi slt, %iota3A, %sign3A_6 : vector<16xi32>
    %sign3A_8 = arith.extui %sign3A_7 : vector<16xi1> to vector<16xi32>
    %sign3A_9 = arith.subi %sign3A_4, %sign3A_8 : vector<16xi32>
    %sign3A_10 = arith.constant 0 : i32
    %sign3A_11 = arith.cmpi sgt, %jit3A, %sign3A_10 : i32
    %sign3A_12 = arith.extui %sign3A_11 : i1 to i32
    %sign3A_13 = arith.constant 0 : i32
    %sign3A_14 = arith.cmpi slt, %jit3A, %sign3A_13 : i32
    %sign3A_15 = arith.extui %sign3A_14 : i1 to i32
    %sign3A_16 = arith.subi %sign3A_12, %sign3A_15 : i32
    %ne3A = vector.broadcast %sign3A_16 : i32 to vector<16xi32>
    %ne3A_17 = arith.cmpi ne, %sign3A_9, %ne3A : vector<16xi32>
    %rem3A = vector.broadcast %jit3A : i32 to vector<16xi32>
    %rem3A_18 = arith.remsi %iota3A, %rem3A : vector<16xi32>
    %ne3A_19 = arith.constant 0 : i32
    %ne3A_20 = vector.broadcast %ne3A_19 : i32 to vector<16xi32>
    %ne3A_21 = arith.cmpi ne, %rem3A_18, %ne3A_20 : vector<16xi32>
    %and3A = arith.andi %ne3A_17, %ne3A_21 : vector<16xi1>
    %sub3A = arith.constant 1 : i32
    %sub3A_22 = vector.broadcast %sub3A : i32 to vector<16xi32>
    %sub3A_23 = arith.subi %div3A_1, %sub3A_22 : vector<16xi32>
    %select_n3A = arith.select %and3A, %sub3A_23, %div3A_1 : vector<16xi1>, vector<16xi32>
    %jit3A_24 = arith.constant 8 : i32
    %eq3A = arith.constant 0 : i32
    %eq3A_25 = arith.cmpi eq, %jit3A_24, %eq3A : i32
    %jit3A_26 = arith.constant 1 : i32
    %select_n3A_27 = arith.select %eq3A_25, %jit3A_26, %jit3A_24 : i32
    %rem3A_28 = vector.broadcast %select_n3A_27 : i32 to vector<16xi32>
    %rem3A_29 = arith.remsi %iota3A, %rem3A_28 : vector<16xi32>
    %ne3A_30 = arith.constant 0 : i32
    %ne3A_31 = vector.broadcast %ne3A_30 : i32 to vector<16xi32>
    %ne3A_32 = arith.cmpi ne, %rem3A_29, %ne3A_31 : vector<16xi32>
    %lt3A = arith.constant 0 : i32
    %lt3A_33 = vector.broadcast %lt3A : i32 to vector<16xi32>
    %lt3A_34 = arith.cmpi slt, %rem3A_29, %lt3A_33 : vector<16xi32>
    %lt3A_35 = arith.constant 0 : i32
    %lt3A_36 = arith.cmpi slt, %select_n3A_27, %lt3A_35 : i32
    %ne3A_37 = vector.broadcast %lt3A_36 : i1 to vector<16xi1>
    %ne3A_38 = vector.broadcast %ne3A_37 : vector<16xi1> to vector<16xi1>
    %ne3A_39 = arith.xori %lt3A_34, %ne3A_38 : vector<16xi1>
    %and3A_40 = arith.andi %ne3A_39, %ne3A_32 : vector<16xi1>
    %add3A_41 = vector.broadcast %select_n3A_27 : i32 to vector<16xi32>
    %add3A_42 = arith.addi %rem3A_29, %add3A_41 : vector<16xi32>
    %select_n3A_43 = arith.select %and3A_40, %add3A_42, %rem3A_29 : vector<16xi1>, vector<16xi32>
    %add3A_44 = arith.constant 16 : i32
    %add3A_45 = vector.broadcast %add3A_44 : i32 to vector<16xi32>
    %add3A_46 = arith.addi %iota3A, %add3A_45 : vector<16xi32>
    %jit3A_47 = arith.constant 8 : i32
    %div3A_48 = vector.broadcast %jit3A_47 : i32 to vector<16xi32>
    %div3A_49 = arith.divsi %add3A_46, %div3A_48 : vector<16xi32>
    %sign3A_50 = arith.constant 0 : i32
    %sign3A_51 = vector.broadcast %sign3A_50 : i32 to vector<16xi32>
    %sign3A_52 = arith.cmpi sgt, %add3A_46, %sign3A_51 : vector<16xi32>
    %sign3A_53 = arith.extui %sign3A_52 : vector<16xi1> to vector<16xi32>
    %sign3A_54 = arith.constant 0 : i32
    %sign3A_55 = vector.broadcast %sign3A_54 : i32 to vector<16xi32>
    %sign3A_56 = arith.cmpi slt, %add3A_46, %sign3A_55 : vector<16xi32>
    %sign3A_57 = arith.extui %sign3A_56 : vector<16xi1> to vector<16xi32>
    %sign3A_58 = arith.subi %sign3A_53, %sign3A_57 : vector<16xi32>
    %sign3A_59 = arith.constant 0 : i32
    %sign3A_60 = arith.cmpi sgt, %jit3A_47, %sign3A_59 : i32
    %sign3A_61 = arith.extui %sign3A_60 : i1 to i32
    %sign3A_62 = arith.constant 0 : i32
    %sign3A_63 = arith.cmpi slt, %jit3A_47, %sign3A_62 : i32
    %sign3A_64 = arith.extui %sign3A_63 : i1 to i32
    %sign3A_65 = arith.subi %sign3A_61, %sign3A_64 : i32
    %ne3A_66 = vector.broadcast %sign3A_65 : i32 to vector<16xi32>
    %ne3A_67 = arith.cmpi ne, %sign3A_58, %ne3A_66 : vector<16xi32>
    %rem3A_68 = vector.broadcast %jit3A_47 : i32 to vector<16xi32>
    %rem3A_69 = arith.remsi %add3A_46, %rem3A_68 : vector<16xi32>
    %ne3A_70 = arith.constant 0 : i32
    %ne3A_71 = vector.broadcast %ne3A_70 : i32 to vector<16xi32>
    %ne3A_72 = arith.cmpi ne, %rem3A_69, %ne3A_71 : vector<16xi32>
    %and3A_73 = arith.andi %ne3A_67, %ne3A_72 : vector<16xi1>
    %sub3A_74 = arith.constant 1 : i32
    %sub3A_75 = vector.broadcast %sub3A_74 : i32 to vector<16xi32>
    %sub3A_76 = arith.subi %div3A_49, %sub3A_75 : vector<16xi32>
    %select_n3A_77 = arith.select %and3A_73, %sub3A_76, %div3A_49 : vector<16xi1>, vector<16xi32>
    %jit3A_78 = arith.constant 8 : i32
    %eq3A_79 = arith.constant 0 : i32
    %eq3A_80 = arith.cmpi eq, %jit3A_78, %eq3A_79 : i32
    %jit3A_81 = arith.constant 1 : i32
    %select_n3A_82 = arith.select %eq3A_80, %jit3A_81, %jit3A_78 : i32
    %rem3A_83 = vector.broadcast %select_n3A_82 : i32 to vector<16xi32>
    %rem3A_84 = arith.remsi %iota3A, %rem3A_83 : vector<16xi32>
    %ne3A_85 = arith.constant 0 : i32
    %ne3A_86 = vector.broadcast %ne3A_85 : i32 to vector<16xi32>
    %ne3A_87 = arith.cmpi ne, %rem3A_84, %ne3A_86 : vector<16xi32>
    %lt3A_88 = arith.constant 0 : i32
    %lt3A_89 = vector.broadcast %lt3A_88 : i32 to vector<16xi32>
    %lt3A_90 = arith.cmpi slt, %rem3A_84, %lt3A_89 : vector<16xi32>
    %lt3A_91 = arith.constant 0 : i32
    %lt3A_92 = arith.cmpi slt, %select_n3A_82, %lt3A_91 : i32
    %ne3A_93 = vector.broadcast %lt3A_92 : i1 to vector<16xi1>
    %ne3A_94 = vector.broadcast %ne3A_93 : vector<16xi1> to vector<16xi1>
    %ne3A_95 = arith.xori %lt3A_90, %ne3A_94 : vector<16xi1>
    %and3A_96 = arith.andi %ne3A_95, %ne3A_87 : vector<16xi1>
    %add3A_97 = vector.broadcast %select_n3A_82 : i32 to vector<16xi32>
    %add3A_98 = arith.addi %rem3A_84, %add3A_97 : vector<16xi32>
    %select_n3A_99 = arith.select %and3A_96, %add3A_98, %rem3A_84 : vector<16xi1>, vector<16xi32>
    %shift_right_arithmetic3A = arith.constant 0 : i32
    %shift_right_arithmetic3A_100 = arith.constant 3 : i32
    %shift_right_arithmetic3A_101 = arith.shrsi %shift_right_arithmetic3A, %shift_right_arithmetic3A_100 : i32
    %and3A_102 = arith.constant 0 : i32
    %and3A_103 = arith.constant 7 : i32
    %and3A_104 = arith.andi %and3A_102, %and3A_103 : i32
    %dma_start3A = arith.constant 0 : i32
    %dma_start3A_105 = tpu.memref_slice %arg6[%shift_right_arithmetic3A_101, %and3A_104, %dma_start3A] : memref<25x8x128xi32, #tpu.memory_space<vmem>> -> memref<1x1x128xi32, #tpu.memory_space<vmem>>
    %dma_start3A_106 = tpu.memref_squeeze %dma_start3A_105 : memref<1x1x128xi32, #tpu.memory_space<vmem>> -> memref<128xi32, #tpu.memory_space<vmem>>
    %dma_start3A_107 = arith.constant 0 : i32
    %dma_start3A_108 = arith.constant 0 : i32
    %dma_start3A_109 = tpu.memref_slice %arg3[%dma_start3A_107, %dma_start3A_108] : memref<1000000x32xf32, #tpu.memory_space<hbm>> -> memref<1000000x32xf32, #tpu.memory_space<hbm>>
    tpu.enqueue_indirect_dma source(%dma_start3A_109 : memref<1000000x32xf32, #tpu.memory_space<hbm>>) target(%arg7 : memref<128x32xf32, #tpu.memory_space<vmem>>) offsets(%dma_start3A_106 : memref<128xi32, #tpu.memory_space<vmem>>) semaphore(%arg14 : memref<!tpu.dma_semaphore, #tpu.memory_space<semaphore_mem>>)
    %shift_right_arithmetic3A_110 = arith.constant 1 : i32
    %shift_right_arithmetic3A_111 = arith.constant 3 : i32
    %shift_right_arithmetic3A_112 = arith.shrsi %shift_right_arithmetic3A_110, %shift_right_arithmetic3A_111 : i32
    %and3A_113 = arith.constant 1 : i32
    %and3A_114 = arith.constant 7 : i32
    %and3A_115 = arith.andi %and3A_113, %and3A_114 : i32
    %dma_start3A_116 = arith.constant 0 : i32
    %dma_start3A_117 = tpu.memref_slice %arg6[%shift_right_arithmetic3A_112, %and3A_115, %dma_start3A_116] : memref<25x8x128xi32, #tpu.memory_space<vmem>> -> memref<1x1x128xi32, #tpu.memory_space<vmem>>
    %dma_start3A_118 = tpu.memref_squeeze %dma_start3A_117 : memref<1x1x128xi32, #tpu.memory_space<vmem>> -> memref<128xi32, #tpu.memory_space<vmem>>
    %dma_start3A_119 = arith.constant 0 : i32
    %dma_start3A_120 = arith.constant 0 : i32
    %dma_start3A_121 = tpu.memref_slice %arg3[%dma_start3A_119, %dma_start3A_120] : memref<1000000x32xf32, #tpu.memory_space<hbm>> -> memref<1000000x32xf32, #tpu.memory_space<hbm>>
    tpu.enqueue_indirect_dma source(%dma_start3A_121 : memref<1000000x32xf32, #tpu.memory_space<hbm>>) target(%arg8 : memref<128x32xf32, #tpu.memory_space<vmem>>) offsets(%dma_start3A_118 : memref<128xi32, #tpu.memory_space<vmem>>) semaphore(%arg15 : memref<!tpu.dma_semaphore, #tpu.memory_space<semaphore_mem>>)
    %shift_right_arithmetic3A_122 = arith.constant 2 : i32
    %shift_right_arithmetic3A_123 = arith.constant 3 : i32
    %shift_right_arithmetic3A_124 = arith.shrsi %shift_right_arithmetic3A_122, %shift_right_arithmetic3A_123 : i32
    %and3A_125 = arith.constant 2 : i32
    %and3A_126 = arith.constant 7 : i32
    %and3A_127 = arith.andi %and3A_125, %and3A_126 : i32
    %dma_start3A_128 = arith.constant 0 : i32
    %dma_start3A_129 = tpu.memref_slice %arg6[%shift_right_arithmetic3A_124, %and3A_127, %dma_start3A_128] : memref<25x8x128xi32, #tpu.memory_space<vmem>> -> memref<1x1x128xi32, #tpu.memory_space<vmem>>
    %dma_start3A_130 = tpu.memref_squeeze %dma_start3A_129 : memref<1x1x128xi32, #tpu.memory_space<vmem>> -> memref<128xi32, #tpu.memory_space<vmem>>
    %dma_start3A_131 = arith.constant 0 : i32
    %dma_start3A_132 = arith.constant 0 : i32
    %dma_start3A_133 = tpu.memref_slice %arg3[%dma_start3A_131, %dma_start3A_132] : memref<1000000x32xf32, #tpu.memory_space<hbm>> -> memref<1000000x32xf32, #tpu.memory_space<hbm>>
    tpu.enqueue_indirect_dma source(%dma_start3A_133 : memref<1000000x32xf32, #tpu.memory_space<hbm>>) target(%arg9 : memref<128x32xf32, #tpu.memory_space<vmem>>) offsets(%dma_start3A_130 : memref<128xi32, #tpu.memory_space<vmem>>) semaphore(%arg16 : memref<!tpu.dma_semaphore, #tpu.memory_space<semaphore_mem>>)
    %scan3A = arith.constant 0 : i32
    %scan3A_134 = arith.constant 0 : i32
    %scan3A_135 = arith.constant 50 : i32
    %scan3A_136 = arith.addi %scan3A_134, %scan3A_135 : i32
    %scan3A_137 = arith.constant 1 : i32
    %scan3A_138 = scf.for %scan3A_179 = %scan3A_134 to %scan3A_136 step %scan3A_137 iter_args(%scan3A_180 = %scan3A) -> (i32)  : i32 {
      %mul3A_181 = arith.constant 4 : i32
      %mul3A_182 = arith.muli %mul3A_181, %scan3A_179 : i32
      %add3A_183 = arith.constant 0 : i32
      %add3A_184 = arith.addi %mul3A_182, %add3A_183 : i32
      %add3A_185 = arith.constant 3 : i32
      %add3A_186 = arith.addi %add3A_184, %add3A_185 : i32
      %lt3A_187 = arith.constant 200 : i32
      %lt3A_188 = arith.cmpi slt, %add3A_186, %lt3A_187 : i32
      %convert_element_type3A = arith.extui %lt3A_188 : i1 to i32
      %cond3A = arith.constant 0 : i32
      %cond3A_189 = arith.cmpi ne, %convert_element_type3A, %cond3A : i32
      scf.if %cond3A_189 {
        %shift_right_arithmetic3A_381 = arith.constant 3 : i32
        %shift_right_arithmetic3A_382 = arith.shrsi %add3A_186, %shift_right_arithmetic3A_381 : i32
        %and3A_383 = arith.constant 7 : i32
        %and3A_384 = arith.andi %add3A_186, %and3A_383 : i32
        %dma_start3A_385 = arith.constant 0 : i32
        %dma_start3A_386 = tpu.memref_slice %arg6[%shift_right_arithmetic3A_382, %and3A_384, %dma_start3A_385] : memref<25x8x128xi32, #tpu.memory_space<vmem>> -> memref<1x1x128xi32, #tpu.memory_space<vmem>>
        %dma_start3A_387 = tpu.memref_squeeze %dma_start3A_386 : memref<1x1x128xi32, #tpu.memory_space<vmem>> -> memref<128xi32, #tpu.memory_space<vmem>>
        %dma_start3A_388 = arith.constant 0 : i32
        %dma_start3A_389 = arith.constant 0 : i32
        %dma_start3A_390 = tpu.memref_slice %arg3[%dma_start3A_388, %dma_start3A_389] : memref<1000000x32xf32, #tpu.memory_space<hbm>> -> memref<1000000x32xf32, #tpu.memory_space<hbm>>
        tpu.enqueue_indirect_dma source(%dma_start3A_390 : memref<1000000x32xf32, #tpu.memory_space<hbm>>) target(%arg10 : memref<128x32xf32, #tpu.memory_space<vmem>>) offsets(%dma_start3A_387 : memref<128xi32, #tpu.memory_space<vmem>>) semaphore(%arg17 : memref<!tpu.dma_semaphore, #tpu.memory_space<semaphore_mem>>)
      } else {
      }
      %dma_wait3A_190 = arith.constant 0 : i32
      %dma_wait3A_191 = arith.constant 0 : i32
      %dma_wait3A_192 = arith.constant 0 : i32
      %dma_wait3A_193 = tpu.memref_slice %arg6[%dma_wait3A_190, %dma_wait3A_191, %dma_wait3A_192] : memref<25x8x128xi32, #tpu.memory_space<vmem>> -> memref<1x1x128xi32, #tpu.memory_space<vmem>>
      %dma_wait3A_194 = tpu.memref_squeeze %dma_wait3A_193 : memref<1x1x128xi32, #tpu.memory_space<vmem>> -> memref<128xi32, #tpu.memory_space<vmem>>
      %dma_wait3A_195 = arith.constant 0 : i32
      %dma_wait3A_196 = arith.constant 0 : i32
      %dma_wait3A_197 = tpu.memref_slice %arg3[%dma_wait3A_195, %dma_wait3A_196] : memref<1000000x32xf32, #tpu.memory_space<hbm>> -> memref<1000000x32xf32, #tpu.memory_space<hbm>>
      tpu.wait_indirect_dma semaphore(%arg14 : memref<!tpu.dma_semaphore, #tpu.memory_space<semaphore_mem>>) src(%dma_wait3A_197 : memref<1000000x32xf32, #tpu.memory_space<hbm>>) dst(%arg7 : memref<128x32xf32, #tpu.memory_space<vmem>>)
      %ge3A = arith.constant 2 : i32
      %ge3A_198 = arith.cmpi sge, %add3A_184, %ge3A : i32
      %convert_element_type3A_199 = arith.extui %ge3A_198 : i1 to i32
      %cond3A_200 = arith.constant 0 : i32
      %cond3A_201 = arith.cmpi ne, %convert_element_type3A_199, %cond3A_200 : i32
      scf.if %cond3A_201 {
        %dma_wait3A_381 = arith.constant 0 : i32
        %dma_wait3A_382 = arith.constant 0 : i32
        %dma_wait3A_383 = arith.constant 0 : i32
        %dma_wait3A_384 = arith.constant 0 : i32
        %dma_wait3A_385 = arith.constant 0 : i32
        %dma_wait3A_386 = tpu.memref_slice %arg11[%dma_wait3A_383, %dma_wait3A_384, %dma_wait3A_385] : memref<4x8x133xf32, #tpu.memory_space<vmem>> -> memref<4x8x128xf32, #tpu.memory_space<vmem>>
        %dma_wait3A_387 = arith.constant 0 : i32
        %dma_wait3A_388 = arith.constant 0 : i32
        %dma_wait3A_389 = arith.constant 0 : i32
        %dma_wait3A_390 = tpu.memref_slice %arg5[%dma_wait3A_381, %dma_wait3A_387, %dma_wait3A_382, %dma_wait3A_388, %dma_wait3A_389] : memref<200x4x32x8x128xf32, #tpu.memory_space<hbm>> -> memref<1x4x1x8x128xf32, #tpu.memory_space<hbm>>
        %dma_wait3A_391 = tpu.memref_squeeze %dma_wait3A_390 : memref<1x4x1x8x128xf32, #tpu.memory_space<hbm>> -> memref<4x8x128xf32, #tpu.memory_space<hbm>>
        %dma_wait3A_392 = arith.constant 0 : i32
        %dma_wait3A_393 = arith.constant 0 : i32
        %dma_wait3A_394 = arith.constant 0 : i32
        %dma_wait3A_395 = tpu.memref_slice %arg11[%dma_wait3A_392, %dma_wait3A_393, %dma_wait3A_394] : memref<4x8x133xf32, #tpu.memory_space<vmem>> -> memref<4x8x128xf32, #tpu.memory_space<vmem>>
        %dma_wait3A_396 = arith.constant 0 : i32
        %dma_wait3A_397 = arith.constant 0 : i32
        %dma_wait3A_398 = arith.constant 0 : i32
        %dma_wait3A_399 = tpu.memref_slice %arg5[%dma_wait3A_381, %dma_wait3A_396, %dma_wait3A_382, %dma_wait3A_397, %dma_wait3A_398] : memref<200x4x32x8x128xf32, #tpu.memory_space<hbm>> -> memref<1x4x1x8x128xf32, #tpu.memory_space<hbm>>
        %dma_wait3A_400 = tpu.memref_squeeze %dma_wait3A_399 : memref<1x4x1x8x128xf32, #tpu.memory_space<hbm>> -> memref<4x8x128xf32, #tpu.memory_space<hbm>>
        tpu.wait_dma2 semaphore(%arg18 : memref<!tpu.dma_semaphore, #tpu.memory_space<semaphore_mem>>) src(%dma_wait3A_400 : memref<4x8x128xf32, #tpu.memory_space<hbm>>) dst(%dma_wait3A_395 : memref<4x8x128xf32, #tpu.memory_space<vmem>>)
      } else {
      }
      %get3A = arith.index_cast %add3A_184 : i32 to index
      %get3A_202 = arith.constant 0 : index
      %get3A_203 = tpu.vector_load %arg13[%get3A, %get3A_202] {strides = array<i32>} : memref<200x32xf32, #tpu.memory_space<vmem>>, vector<16xf32>,
      %get3A_204 = arith.index_cast %add3A_184 : i32 to index
      %get3A_205 = arith.constant 16 : index
      %get3A_206 = tpu.vector_load %arg13[%get3A_204, %get3A_205] {strides = array<i32>} : memref<200x32xf32, #tpu.memory_space<vmem>>, vector<16xf32>,
      %parallel_loop3A = arith.constant 0 : i32
      %parallel_loop3A_207 = arith.constant 128 : i32
      %parallel_loop3A_208 = arith.constant 1 : i32
      scf.for %parallel_loop3A_381 = %parallel_loop3A to %parallel_loop3A_207 step %parallel_loop3A_208  : i32 {
        %parallel_loop3A_382 = vector.broadcast %parallel_loop3A_381 : i32 to vector<16xi32>
        %parallel_loop3A_383 = arith.index_cast %parallel_loop3A_381 : i32 to index
        %parallel_loop3A_384 = arith.constant 0 : index
        %parallel_loop3A_385 = tpu.vector_load %arg7[%parallel_loop3A_383, %parallel_loop3A_384] {strides = array<i32>} : memref<128x32xf32, #tpu.memory_space<vmem>>, vector<16xf32>,
        %parallel_loop3A_386 = arith.addf %parallel_loop3A_385, %get3A_203 : vector<16xf32>
        tpu.vector_store_idx %arg11[%select_n3A, %select_n3A_43, %parallel_loop3A_382], %parallel_loop3A_386 : memref<4x8x133xf32, #tpu.memory_space<vmem>>[vector<16xi32>, vector<16xi32>, vector<16xi32>], vector<16xf32>,
        %parallel_loop3A_387 = arith.index_cast %parallel_loop3A_381 : i32 to index
        %parallel_loop3A_388 = arith.constant 16 : index
        %parallel_loop3A_389 = tpu.vector_load %arg7[%parallel_loop3A_387, %parallel_loop3A_388] {strides = array<i32>} : memref<128x32xf32, #tpu.memory_space<vmem>>, vector<16xf32>,
        %parallel_loop3A_390 = arith.addf %parallel_loop3A_389, %get3A_206 : vector<16xf32>
        tpu.vector_store_idx %arg11[%select_n3A_77, %select_n3A_99, %parallel_loop3A_382], %parallel_loop3A_390 : memref<4x8x133xf32, #tpu.memory_space<vmem>>[vector<16xi32>, vector<16xi32>, vector<16xi32>], vector<16xf32>,
      } {sc.loop_unroll_factor = 8 : i64, sc.parallel_access}
      %dma_start3A_209 = arith.constant 0 : i32
      %dma_start3A_210 = arith.constant 0 : i32
      %dma_start3A_211 = arith.constant 0 : i32
      %dma_start3A_212 = tpu.memref_slice %arg11[%dma_start3A_209, %dma_start3A_210, %dma_start3A_211] : memref<4x8x133xf32, #tpu.memory_space<vmem>> -> memref<4x8x128xf32, #tpu.memory_space<vmem>>
      %dma_start3A_213 = arith.constant 0 : i32
      %dma_start3A_214 = arith.constant 0 : i32
      %dma_start3A_215 = arith.constant 0 : i32
      %dma_start3A_216 = tpu.memref_slice %arg5[%add3A_184, %dma_start3A_213, %add3A, %dma_start3A_214, %dma_start3A_215] : memref<200x4x32x8x128xf32, #tpu.memory_space<hbm>> -> memref<1x4x1x8x128xf32, #tpu.memory_space<hbm>>
      %dma_start3A_217 = tpu.memref_squeeze %dma_start3A_216 : memref<1x4x1x8x128xf32, #tpu.memory_space<hbm>> -> memref<4x8x128xf32, #tpu.memory_space<hbm>>
      %dma_start3A_218 = arith.constant 0 : i32
      %dma_start3A_219 = arith.constant 0 : i32
      %dma_start3A_220 = arith.constant 0 : i32
      %dma_start3A_221 = tpu.memref_slice %arg5[%add3A_184, %dma_start3A_218, %add3A, %dma_start3A_219, %dma_start3A_220] : memref<200x4x32x8x128xf32, #tpu.memory_space<hbm>> -> memref<1x4x1x8x128xf32, #tpu.memory_space<hbm>>
      %dma_start3A_222 = tpu.memref_squeeze %dma_start3A_221 : memref<1x4x1x8x128xf32, #tpu.memory_space<hbm>> -> memref<4x8x128xf32, #tpu.memory_space<hbm>>
      %dma_start3A_223 = arith.constant 0 : i32
      %dma_start3A_224 = arith.constant 0 : i32
      %dma_start3A_225 = arith.constant 0 : i32
      %dma_start3A_226 = tpu.memref_slice %arg11[%dma_start3A_223, %dma_start3A_224, %dma_start3A_225] : memref<4x8x133xf32, #tpu.memory_space<vmem>> -> memref<4x8x128xf32, #tpu.memory_space<vmem>>
      tpu.enqueue_dma source(%dma_start3A_226 : memref<4x8x128xf32, #tpu.memory_space<vmem>>) target(%dma_start3A_222 : memref<4x8x128xf32, #tpu.memory_space<hbm>>) target_semaphore(%arg18 : memref<!tpu.dma_semaphore, #tpu.memory_space<semaphore_mem>>)
      %mul3A_227 = arith.constant 4 : i32
      %mul3A_228 = arith.muli %mul3A_227, %scan3A_179 : i32
      %add3A_229 = arith.constant 1 : i32
      %add3A_230 = arith.addi %mul3A_228, %add3A_229 : i32
      %add3A_231 = arith.constant 3 : i32
      %add3A_232 = arith.addi %add3A_230, %add3A_231 : i32
      %lt3A_233 = arith.constant 200 : i32
      %lt3A_234 = arith.cmpi slt, %add3A_232, %lt3A_233 : i32
      %convert_element_type3A_235 = arith.extui %lt3A_234 : i1 to i32
      %cond3A_236 = arith.constant 0 : i32
      %cond3A_237 = arith.cmpi ne, %convert_element_type3A_235, %cond3A_236 : i32
      scf.if %cond3A_237 {
        %shift_right_arithmetic3A_381 = arith.constant 3 : i32
        %shift_right_arithmetic3A_382 = arith.shrsi %add3A_232, %shift_right_arithmetic3A_381 : i32
        %and3A_383 = arith.constant 7 : i32
        %and3A_384 = arith.andi %add3A_232, %and3A_383 : i32
        %dma_start3A_385 = arith.constant 0 : i32
        %dma_start3A_386 = tpu.memref_slice %arg6[%shift_right_arithmetic3A_382, %and3A_384, %dma_start3A_385] : memref<25x8x128xi32, #tpu.memory_space<vmem>> -> memref<1x1x128xi32, #tpu.memory_space<vmem>>
        %dma_start3A_387 = tpu.memref_squeeze %dma_start3A_386 : memref<1x1x128xi32, #tpu.memory_space<vmem>> -> memref<128xi32, #tpu.memory_space<vmem>>
        %dma_start3A_388 = arith.constant 0 : i32
        %dma_start3A_389 = arith.constant 0 : i32
        %dma_start3A_390 = tpu.memref_slice %arg3[%dma_start3A_388, %dma_start3A_389] : memref<1000000x32xf32, #tpu.memory_space<hbm>> -> memref<1000000x32xf32, #tpu.memory_space<hbm>>
        tpu.enqueue_indirect_dma source(%dma_start3A_390 : memref<1000000x32xf32, #tpu.memory_space<hbm>>) target(%arg7 : memref<128x32xf32, #tpu.memory_space<vmem>>) offsets(%dma_start3A_387 : memref<128xi32, #tpu.memory_space<vmem>>) semaphore(%arg14 : memref<!tpu.dma_semaphore, #tpu.memory_space<semaphore_mem>>)
      } else {
      }
      %dma_wait3A_238 = arith.constant 0 : i32
      %dma_wait3A_239 = arith.constant 0 : i32
      %dma_wait3A_240 = arith.constant 0 : i32
      %dma_wait3A_241 = tpu.memref_slice %arg6[%dma_wait3A_238, %dma_wait3A_239, %dma_wait3A_240] : memref<25x8x128xi32, #tpu.memory_space<vmem>> -> memref<1x1x128xi32, #tpu.memory_space<vmem>>
      %dma_wait3A_242 = tpu.memref_squeeze %dma_wait3A_241 : memref<1x1x128xi32, #tpu.memory_space<vmem>> -> memref<128xi32, #tpu.memory_space<vmem>>
      %dma_wait3A_243 = arith.constant 0 : i32
      %dma_wait3A_244 = arith.constant 0 : i32
      %dma_wait3A_245 = tpu.memref_slice %arg3[%dma_wait3A_243, %dma_wait3A_244] : memref<1000000x32xf32, #tpu.memory_space<hbm>> -> memref<1000000x32xf32, #tpu.memory_space<hbm>>
      tpu.wait_indirect_dma semaphore(%arg15 : memref<!tpu.dma_semaphore, #tpu.memory_space<semaphore_mem>>) src(%dma_wait3A_245 : memref<1000000x32xf32, #tpu.memory_space<hbm>>) dst(%arg8 : memref<128x32xf32, #tpu.memory_space<vmem>>)
      %ge3A_246 = arith.constant 2 : i32
      %ge3A_247 = arith.cmpi sge, %add3A_230, %ge3A_246 : i32
      %convert_element_type3A_248 = arith.extui %ge3A_247 : i1 to i32
      %cond3A_249 = arith.constant 0 : i32
      %cond3A_250 = arith.cmpi ne, %convert_element_type3A_248, %cond3A_249 : i32
      scf.if %cond3A_250 {
        %dma_wait3A_381 = arith.constant 0 : i32
        %dma_wait3A_382 = arith.constant 0 : i32
        %dma_wait3A_383 = arith.constant 0 : i32
        %dma_wait3A_384 = arith.constant 0 : i32
        %dma_wait3A_385 = arith.constant 0 : i32
        %dma_wait3A_386 = tpu.memref_slice %arg12[%dma_wait3A_383, %dma_wait3A_384, %dma_wait3A_385] : memref<4x8x133xf32, #tpu.memory_space<vmem>> -> memref<4x8x128xf32, #tpu.memory_space<vmem>>
        %dma_wait3A_387 = arith.constant 0 : i32
        %dma_wait3A_388 = arith.constant 0 : i32
        %dma_wait3A_389 = arith.constant 0 : i32
        %dma_wait3A_390 = tpu.memref_slice %arg5[%dma_wait3A_381, %dma_wait3A_387, %dma_wait3A_382, %dma_wait3A_388, %dma_wait3A_389] : memref<200x4x32x8x128xf32, #tpu.memory_space<hbm>> -> memref<1x4x1x8x128xf32, #tpu.memory_space<hbm>>
        %dma_wait3A_391 = tpu.memref_squeeze %dma_wait3A_390 : memref<1x4x1x8x128xf32, #tpu.memory_space<hbm>> -> memref<4x8x128xf32, #tpu.memory_space<hbm>>
        %dma_wait3A_392 = arith.constant 0 : i32
        %dma_wait3A_393 = arith.constant 0 : i32
        %dma_wait3A_394 = arith.constant 0 : i32
        %dma_wait3A_395 = tpu.memref_slice %arg12[%dma_wait3A_392, %dma_wait3A_393, %dma_wait3A_394] : memref<4x8x133xf32, #tpu.memory_space<vmem>> -> memref<4x8x128xf32, #tpu.memory_space<vmem>>
        %dma_wait3A_396 = arith.constant 0 : i32
        %dma_wait3A_397 = arith.constant 0 : i32
        %dma_wait3A_398 = arith.constant 0 : i32
        %dma_wait3A_399 = tpu.memref_slice %arg5[%dma_wait3A_381, %dma_wait3A_396, %dma_wait3A_382, %dma_wait3A_397, %dma_wait3A_398] : memref<200x4x32x8x128xf32, #tpu.memory_space<hbm>> -> memref<1x4x1x8x128xf32, #tpu.memory_space<hbm>>
        %dma_wait3A_400 = tpu.memref_squeeze %dma_wait3A_399 : memref<1x4x1x8x128xf32, #tpu.memory_space<hbm>> -> memref<4x8x128xf32, #tpu.memory_space<hbm>>
        tpu.wait_dma2 semaphore(%arg19 : memref<!tpu.dma_semaphore, #tpu.memory_space<semaphore_mem>>) src(%dma_wait3A_400 : memref<4x8x128xf32, #tpu.memory_space<hbm>>) dst(%dma_wait3A_395 : memref<4x8x128xf32, #tpu.memory_space<vmem>>)
      } else {
      }
      %get3A_251 = arith.index_cast %add3A_230 : i32 to index
      %get3A_252 = arith.constant 0 : index
      %get3A_253 = tpu.vector_load %arg13[%get3A_251, %get3A_252] {strides = array<i32>} : memref<200x32xf32, #tpu.memory_space<vmem>>, vector<16xf32>,
      %get3A_254 = arith.index_cast %add3A_230 : i32 to index
      %get3A_255 = arith.constant 16 : index
      %get3A_256 = tpu.vector_load %arg13[%get3A_254, %get3A_255] {strides = array<i32>} : memref<200x32xf32, #tpu.memory_space<vmem>>, vector<16xf32>,
      %parallel_loop3A_257 = arith.constant 0 : i32
      %parallel_loop3A_258 = arith.constant 128 : i32
      %parallel_loop3A_259 = arith.constant 1 : i32
      scf.for %parallel_loop3A_381 = %parallel_loop3A_257 to %parallel_loop3A_258 step %parallel_loop3A_259  : i32 {
        %parallel_loop3A_382 = vector.broadcast %parallel_loop3A_381 : i32 to vector<16xi32>
        %parallel_loop3A_383 = arith.index_cast %parallel_loop3A_381 : i32 to index
        %parallel_loop3A_384 = arith.constant 0 : index
        %parallel_loop3A_385 = tpu.vector_load %arg8[%parallel_loop3A_383, %parallel_loop3A_384] {strides = array<i32>} : memref<128x32xf32, #tpu.memory_space<vmem>>, vector<16xf32>,
        %parallel_loop3A_386 = arith.addf %parallel_loop3A_385, %get3A_253 : vector<16xf32>
        tpu.vector_store_idx %arg12[%select_n3A, %select_n3A_43, %parallel_loop3A_382], %parallel_loop3A_386 : memref<4x8x133xf32, #tpu.memory_space<vmem>>[vector<16xi32>, vector<16xi32>, vector<16xi32>], vector<16xf32>,
        %parallel_loop3A_387 = arith.index_cast %parallel_loop3A_381 : i32 to index
        %parallel_loop3A_388 = arith.constant 16 : index
        %parallel_loop3A_389 = tpu.vector_load %arg8[%parallel_loop3A_387, %parallel_loop3A_388] {strides = array<i32>} : memref<128x32xf32, #tpu.memory_space<vmem>>, vector<16xf32>,
        %parallel_loop3A_390 = arith.addf %parallel_loop3A_389, %get3A_256 : vector<16xf32>
        tpu.vector_store_idx %arg12[%select_n3A_77, %select_n3A_99, %parallel_loop3A_382], %parallel_loop3A_390 : memref<4x8x133xf32, #tpu.memory_space<vmem>>[vector<16xi32>, vector<16xi32>, vector<16xi32>], vector<16xf32>,
      } {sc.loop_unroll_factor = 8 : i64, sc.parallel_access}
      %dma_start3A_260 = arith.constant 0 : i32
      %dma_start3A_261 = arith.constant 0 : i32
      %dma_start3A_262 = arith.constant 0 : i32
      %dma_start3A_263 = tpu.memref_slice %arg12[%dma_start3A_260, %dma_start3A_261, %dma_start3A_262] : memref<4x8x133xf32, #tpu.memory_space<vmem>> -> memref<4x8x128xf32, #tpu.memory_space<vmem>>
      %dma_start3A_264 = arith.constant 0 : i32
      %dma_start3A_265 = arith.constant 0 : i32
      %dma_start3A_266 = arith.constant 0 : i32
      %dma_start3A_267 = tpu.memref_slice %arg5[%add3A_230, %dma_start3A_264, %add3A, %dma_start3A_265, %dma_start3A_266] : memref<200x4x32x8x128xf32, #tpu.memory_space<hbm>> -> memref<1x4x1x8x128xf32, #tpu.memory_space<hbm>>
      %dma_start3A_268 = tpu.memref_squeeze %dma_start3A_267 : memref<1x4x1x8x128xf32, #tpu.memory_space<hbm>> -> memref<4x8x128xf32, #tpu.memory_space<hbm>>
      %dma_start3A_269 = arith.constant 0 : i32
      %dma_start3A_270 = arith.constant 0 : i32
      %dma_start3A_271 = arith.constant 0 : i32
      %dma_start3A_272 = tpu.memref_slice %arg5[%add3A_230, %dma_start3A_269, %add3A, %dma_start3A_270, %dma_start3A_271] : memref<200x4x32x8x128xf32, #tpu.memory_space<hbm>> -> memref<1x4x1x8x128xf32, #tpu.memory_space<hbm>>
      %dma_start3A_273 = tpu.memref_squeeze %dma_start3A_272 : memref<1x4x1x8x128xf32, #tpu.memory_space<hbm>> -> memref<4x8x128xf32, #tpu.memory_space<hbm>>
      %dma_start3A_274 = arith.constant 0 : i32
      %dma_start3A_275 = arith.constant 0 : i32
      %dma_start3A_276 = arith.constant 0 : i32
      %dma_start3A_277 = tpu.memref_slice %arg12[%dma_start3A_274, %dma_start3A_275, %dma_start3A_276] : memref<4x8x133xf32, #tpu.memory_space<vmem>> -> memref<4x8x128xf32, #tpu.memory_space<vmem>>
      tpu.enqueue_dma source(%dma_start3A_277 : memref<4x8x128xf32, #tpu.memory_space<vmem>>) target(%dma_start3A_273 : memref<4x8x128xf32, #tpu.memory_space<hbm>>) target_semaphore(%arg19 : memref<!tpu.dma_semaphore, #tpu.memory_space<semaphore_mem>>)
      %mul3A_278 = arith.constant 4 : i32
      %mul3A_279 = arith.muli %mul3A_278, %scan3A_179 : i32
      %add3A_280 = arith.constant 2 : i32
      %add3A_281 = arith.addi %mul3A_279, %add3A_280 : i32
      %add3A_282 = arith.constant 3 : i32
      %add3A_283 = arith.addi %add3A_281, %add3A_282 : i32
      %lt3A_284 = arith.constant 200 : i32
      %lt3A_285 = arith.cmpi slt, %add3A_283, %lt3A_284 : i32
      %convert_element_type3A_286 = arith.extui %lt3A_285 : i1 to i32
      %cond3A_287 = arith.constant 0 : i32
      %cond3A_288 = arith.cmpi ne, %convert_element_type3A_286, %cond3A_287 : i32
      scf.if %cond3A_288 {
        %shift_right_arithmetic3A_381 = arith.constant 3 : i32
        %shift_right_arithmetic3A_382 = arith.shrsi %add3A_283, %shift_right_arithmetic3A_381 : i32
        %and3A_383 = arith.constant 7 : i32
        %and3A_384 = arith.andi %add3A_283, %and3A_383 : i32
        %dma_start3A_385 = arith.constant 0 : i32
        %dma_start3A_386 = tpu.memref_slice %arg6[%shift_right_arithmetic3A_382, %and3A_384, %dma_start3A_385] : memref<25x8x128xi32, #tpu.memory_space<vmem>> -> memref<1x1x128xi32, #tpu.memory_space<vmem>>
        %dma_start3A_387 = tpu.memref_squeeze %dma_start3A_386 : memref<1x1x128xi32, #tpu.memory_space<vmem>> -> memref<128xi32, #tpu.memory_space<vmem>>
        %dma_start3A_388 = arith.constant 0 : i32
        %dma_start3A_389 = arith.constant 0 : i32
        %dma_start3A_390 = tpu.memref_slice %arg3[%dma_start3A_388, %dma_start3A_389] : memref<1000000x32xf32, #tpu.memory_space<hbm>> -> memref<1000000x32xf32, #tpu.memory_space<hbm>>
        tpu.enqueue_indirect_dma source(%dma_start3A_390 : memref<1000000x32xf32, #tpu.memory_space<hbm>>) target(%arg8 : memref<128x32xf32, #tpu.memory_space<vmem>>) offsets(%dma_start3A_387 : memref<128xi32, #tpu.memory_space<vmem>>) semaphore(%arg15 : memref<!tpu.dma_semaphore, #tpu.memory_space<semaphore_mem>>)
      } else {
      }
      %dma_wait3A_289 = arith.constant 0 : i32
      %dma_wait3A_290 = arith.constant 0 : i32
      %dma_wait3A_291 = arith.constant 0 : i32
      %dma_wait3A_292 = tpu.memref_slice %arg6[%dma_wait3A_289, %dma_wait3A_290, %dma_wait3A_291] : memref<25x8x128xi32, #tpu.memory_space<vmem>> -> memref<1x1x128xi32, #tpu.memory_space<vmem>>
      %dma_wait3A_293 = tpu.memref_squeeze %dma_wait3A_292 : memref<1x1x128xi32, #tpu.memory_space<vmem>> -> memref<128xi32, #tpu.memory_space<vmem>>
      %dma_wait3A_294 = arith.constant 0 : i32
      %dma_wait3A_295 = arith.constant 0 : i32
      %dma_wait3A_296 = tpu.memref_slice %arg3[%dma_wait3A_294, %dma_wait3A_295] : memref<1000000x32xf32, #tpu.memory_space<hbm>> -> memref<1000000x32xf32, #tpu.memory_space<hbm>>
      tpu.wait_indirect_dma semaphore(%arg16 : memref<!tpu.dma_semaphore, #tpu.memory_space<semaphore_mem>>) src(%dma_wait3A_296 : memref<1000000x32xf32, #tpu.memory_space<hbm>>) dst(%arg9 : memref<128x32xf32, #tpu.memory_space<vmem>>)
      %ge3A_297 = arith.constant 2 : i32
      %ge3A_298 = arith.cmpi sge, %add3A_281, %ge3A_297 : i32
      %convert_element_type3A_299 = arith.extui %ge3A_298 : i1 to i32
      %cond3A_300 = arith.constant 0 : i32
      %cond3A_301 = arith.cmpi ne, %convert_element_type3A_299, %cond3A_300 : i32
      scf.if %cond3A_301 {
        %dma_wait3A_381 = arith.constant 0 : i32
        %dma_wait3A_382 = arith.constant 0 : i32
        %dma_wait3A_383 = arith.constant 0 : i32
        %dma_wait3A_384 = arith.constant 0 : i32
        %dma_wait3A_385 = arith.constant 0 : i32
        %dma_wait3A_386 = tpu.memref_slice %arg11[%dma_wait3A_383, %dma_wait3A_384, %dma_wait3A_385] : memref<4x8x133xf32, #tpu.memory_space<vmem>> -> memref<4x8x128xf32, #tpu.memory_space<vmem>>
        %dma_wait3A_387 = arith.constant 0 : i32
        %dma_wait3A_388 = arith.constant 0 : i32
        %dma_wait3A_389 = arith.constant 0 : i32
        %dma_wait3A_390 = tpu.memref_slice %arg5[%dma_wait3A_381, %dma_wait3A_387, %dma_wait3A_382, %dma_wait3A_388, %dma_wait3A_389] : memref<200x4x32x8x128xf32, #tpu.memory_space<hbm>> -> memref<1x4x1x8x128xf32, #tpu.memory_space<hbm>>
        %dma_wait3A_391 = tpu.memref_squeeze %dma_wait3A_390 : memref<1x4x1x8x128xf32, #tpu.memory_space<hbm>> -> memref<4x8x128xf32, #tpu.memory_space<hbm>>
        %dma_wait3A_392 = arith.constant 0 : i32
        %dma_wait3A_393 = arith.constant 0 : i32
        %dma_wait3A_394 = arith.constant 0 : i32
        %dma_wait3A_395 = tpu.memref_slice %arg11[%dma_wait3A_392, %dma_wait3A_393, %dma_wait3A_394] : memref<4x8x133xf32, #tpu.memory_space<vmem>> -> memref<4x8x128xf32, #tpu.memory_space<vmem>>
        %dma_wait3A_396 = arith.constant 0 : i32
        %dma_wait3A_397 = arith.constant 0 : i32
        %dma_wait3A_398 = arith.constant 0 : i32
        %dma_wait3A_399 = tpu.memref_slice %arg5[%dma_wait3A_381, %dma_wait3A_396, %dma_wait3A_382, %dma_wait3A_397, %dma_wait3A_398] : memref<200x4x32x8x128xf32, #tpu.memory_space<hbm>> -> memref<1x4x1x8x128xf32, #tpu.memory_space<hbm>>
        %dma_wait3A_400 = tpu.memref_squeeze %dma_wait3A_399 : memref<1x4x1x8x128xf32, #tpu.memory_space<hbm>> -> memref<4x8x128xf32, #tpu.memory_space<hbm>>
        tpu.wait_dma2 semaphore(%arg18 : memref<!tpu.dma_semaphore, #tpu.memory_space<semaphore_mem>>) src(%dma_wait3A_400 : memref<4x8x128xf32, #tpu.memory_space<hbm>>) dst(%dma_wait3A_395 : memref<4x8x128xf32, #tpu.memory_space<vmem>>)
      } else {
      }
      %get3A_302 = arith.index_cast %add3A_281 : i32 to index
      %get3A_303 = arith.constant 0 : index
      %get3A_304 = tpu.vector_load %arg13[%get3A_302, %get3A_303] {strides = array<i32>} : memref<200x32xf32, #tpu.memory_space<vmem>>, vector<16xf32>,
      %get3A_305 = arith.index_cast %add3A_281 : i32 to index
      %get3A_306 = arith.constant 16 : index
      %get3A_307 = tpu.vector_load %arg13[%get3A_305, %get3A_306] {strides = array<i32>} : memref<200x32xf32, #tpu.memory_space<vmem>>, vector<16xf32>,
      %parallel_loop3A_308 = arith.constant 0 : i32
      %parallel_loop3A_309 = arith.constant 128 : i32
      %parallel_loop3A_310 = arith.constant 1 : i32
      scf.for %parallel_loop3A_381 = %parallel_loop3A_308 to %parallel_loop3A_309 step %parallel_loop3A_310  : i32 {
        %parallel_loop3A_382 = vector.broadcast %parallel_loop3A_381 : i32 to vector<16xi32>
        %parallel_loop3A_383 = arith.index_cast %parallel_loop3A_381 : i32 to index
        %parallel_loop3A_384 = arith.constant 0 : index
        %parallel_loop3A_385 = tpu.vector_load %arg9[%parallel_loop3A_383, %parallel_loop3A_384] {strides = array<i32>} : memref<128x32xf32, #tpu.memory_space<vmem>>, vector<16xf32>,
        %parallel_loop3A_386 = arith.addf %parallel_loop3A_385, %get3A_304 : vector<16xf32>
        tpu.vector_store_idx %arg11[%select_n3A, %select_n3A_43, %parallel_loop3A_382], %parallel_loop3A_386 : memref<4x8x133xf32, #tpu.memory_space<vmem>>[vector<16xi32>, vector<16xi32>, vector<16xi32>], vector<16xf32>,
        %parallel_loop3A_387 = arith.index_cast %parallel_loop3A_381 : i32 to index
        %parallel_loop3A_388 = arith.constant 16 : index
        %parallel_loop3A_389 = tpu.vector_load %arg9[%parallel_loop3A_387, %parallel_loop3A_388] {strides = array<i32>} : memref<128x32xf32, #tpu.memory_space<vmem>>, vector<16xf32>,
        %parallel_loop3A_390 = arith.addf %parallel_loop3A_389, %get3A_307 : vector<16xf32>
        tpu.vector_store_idx %arg11[%select_n3A_77, %select_n3A_99, %parallel_loop3A_382], %parallel_loop3A_390 : memref<4x8x133xf32, #tpu.memory_space<vmem>>[vector<16xi32>, vector<16xi32>, vector<16xi32>], vector<16xf32>,
      } {sc.loop_unroll_factor = 8 : i64, sc.parallel_access}
      %dma_start3A_311 = arith.constant 0 : i32
      %dma_start3A_312 = arith.constant 0 : i32
      %dma_start3A_313 = arith.constant 0 : i32
      %dma_start3A_314 = tpu.memref_slice %arg11[%dma_start3A_311, %dma_start3A_312, %dma_start3A_313] : memref<4x8x133xf32, #tpu.memory_space<vmem>> -> memref<4x8x128xf32, #tpu.memory_space<vmem>>
      %dma_start3A_315 = arith.constant 0 : i32
      %dma_start3A_316 = arith.constant 0 : i32
      %dma_start3A_317 = arith.constant 0 : i32
      %dma_start3A_318 = tpu.memref_slice %arg5[%add3A_281, %dma_start3A_315, %add3A, %dma_start3A_316, %dma_start3A_317] : memref<200x4x32x8x128xf32, #tpu.memory_space<hbm>> -> memref<1x4x1x8x128xf32, #tpu.memory_space<hbm>>
      %dma_start3A_319 = tpu.memref_squeeze %dma_start3A_318 : memref<1x4x1x8x128xf32, #tpu.memory_space<hbm>> -> memref<4x8x128xf32, #tpu.memory_space<hbm>>
      %dma_start3A_320 = arith.constant 0 : i32
      %dma_start3A_321 = arith.constant 0 : i32
      %dma_start3A_322 = arith.constant 0 : i32
      %dma_start3A_323 = tpu.memref_slice %arg5[%add3A_281, %dma_start3A_320, %add3A, %dma_start3A_321, %dma_start3A_322] : memref<200x4x32x8x128xf32, #tpu.memory_space<hbm>> -> memref<1x4x1x8x128xf32, #tpu.memory_space<hbm>>
      %dma_start3A_324 = tpu.memref_squeeze %dma_start3A_323 : memref<1x4x1x8x128xf32, #tpu.memory_space<hbm>> -> memref<4x8x128xf32, #tpu.memory_space<hbm>>
      %dma_start3A_325 = arith.constant 0 : i32
      %dma_start3A_326 = arith.constant 0 : i32
      %dma_start3A_327 = arith.constant 0 : i32
      %dma_start3A_328 = tpu.memref_slice %arg11[%dma_start3A_325, %dma_start3A_326, %dma_start3A_327] : memref<4x8x133xf32, #tpu.memory_space<vmem>> -> memref<4x8x128xf32, #tpu.memory_space<vmem>>
      tpu.enqueue_dma source(%dma_start3A_328 : memref<4x8x128xf32, #tpu.memory_space<vmem>>) target(%dma_start3A_324 : memref<4x8x128xf32, #tpu.memory_space<hbm>>) target_semaphore(%arg18 : memref<!tpu.dma_semaphore, #tpu.memory_space<semaphore_mem>>)
      %mul3A_329 = arith.constant 4 : i32
      %mul3A_330 = arith.muli %mul3A_329, %scan3A_179 : i32
      %add3A_331 = arith.constant 3 : i32
      %add3A_332 = arith.addi %mul3A_330, %add3A_331 : i32
      %add3A_333 = arith.constant 3 : i32
      %add3A_334 = arith.addi %add3A_332, %add3A_333 : i32
      %lt3A_335 = arith.constant 200 : i32
      %lt3A_336 = arith.cmpi slt, %add3A_334, %lt3A_335 : i32
      %convert_element_type3A_337 = arith.extui %lt3A_336 : i1 to i32
      %cond3A_338 = arith.constant 0 : i32
      %cond3A_339 = arith.cmpi ne, %convert_element_type3A_337, %cond3A_338 : i32
      scf.if %cond3A_339 {
        %shift_right_arithmetic3A_381 = arith.constant 3 : i32
        %shift_right_arithmetic3A_382 = arith.shrsi %add3A_334, %shift_right_arithmetic3A_381 : i32
        %and3A_383 = arith.constant 7 : i32
        %and3A_384 = arith.andi %add3A_334, %and3A_383 : i32
        %dma_start3A_385 = arith.constant 0 : i32
        %dma_start3A_386 = tpu.memref_slice %arg6[%shift_right_arithmetic3A_382, %and3A_384, %dma_start3A_385] : memref<25x8x128xi32, #tpu.memory_space<vmem>> -> memref<1x1x128xi32, #tpu.memory_space<vmem>>
        %dma_start3A_387 = tpu.memref_squeeze %dma_start3A_386 : memref<1x1x128xi32, #tpu.memory_space<vmem>> -> memref<128xi32, #tpu.memory_space<vmem>>
        %dma_start3A_388 = arith.constant 0 : i32
        %dma_start3A_389 = arith.constant 0 : i32
        %dma_start3A_390 = tpu.memref_slice %arg3[%dma_start3A_388, %dma_start3A_389] : memref<1000000x32xf32, #tpu.memory_space<hbm>> -> memref<1000000x32xf32, #tpu.memory_space<hbm>>
        tpu.enqueue_indirect_dma source(%dma_start3A_390 : memref<1000000x32xf32, #tpu.memory_space<hbm>>) target(%arg9 : memref<128x32xf32, #tpu.memory_space<vmem>>) offsets(%dma_start3A_387 : memref<128xi32, #tpu.memory_space<vmem>>) semaphore(%arg16 : memref<!tpu.dma_semaphore, #tpu.memory_space<semaphore_mem>>)
      } else {
      }
      %dma_wait3A_340 = arith.constant 0 : i32
      %dma_wait3A_341 = arith.constant 0 : i32
      %dma_wait3A_342 = arith.constant 0 : i32
      %dma_wait3A_343 = tpu.memref_slice %arg6[%dma_wait3A_340, %dma_wait3A_341, %dma_wait3A_342] : memref<25x8x128xi32, #tpu.memory_space<vmem>> -> memref<1x1x128xi32, #tpu.memory_space<vmem>>
      %dma_wait3A_344 = tpu.memref_squeeze %dma_wait3A_343 : memref<1x1x128xi32, #tpu.memory_space<vmem>> -> memref<128xi32, #tpu.memory_space<vmem>>
      %dma_wait3A_345 = arith.constant 0 : i32
      %dma_wait3A_346 = arith.constant 0 : i32
      %dma_wait3A_347 = tpu.memref_slice %arg3[%dma_wait3A_345, %dma_wait3A_346] : memref<1000000x32xf32, #tpu.memory_space<hbm>> -> memref<1000000x32xf32, #tpu.memory_space<hbm>>
      tpu.wait_indirect_dma semaphore(%arg17 : memref<!tpu.dma_semaphore, #tpu.memory_space<semaphore_mem>>) src(%dma_wait3A_347 : memref<1000000x32xf32, #tpu.memory_space<hbm>>) dst(%arg10 : memref<128x32xf32, #tpu.memory_space<vmem>>)
      %ge3A_348 = arith.constant 2 : i32
      %ge3A_349 = arith.cmpi sge, %add3A_332, %ge3A_348 : i32
      %convert_element_type3A_350 = arith.extui %ge3A_349 : i1 to i32
      %cond3A_351 = arith.constant 0 : i32
      %cond3A_352 = arith.cmpi ne, %convert_element_type3A_350, %cond3A_351 : i32
      scf.if %cond3A_352 {
        %dma_wait3A_381 = arith.constant 0 : i32
        %dma_wait3A_382 = arith.constant 0 : i32
        %dma_wait3A_383 = arith.constant 0 : i32
        %dma_wait3A_384 = arith.constant 0 : i32
        %dma_wait3A_385 = arith.constant 0 : i32
        %dma_wait3A_386 = tpu.memref_slice %arg12[%dma_wait3A_383, %dma_wait3A_384, %dma_wait3A_385] : memref<4x8x133xf32, #tpu.memory_space<vmem>> -> memref<4x8x128xf32, #tpu.memory_space<vmem>>
        %dma_wait3A_387 = arith.constant 0 : i32
        %dma_wait3A_388 = arith.constant 0 : i32
        %dma_wait3A_389 = arith.constant 0 : i32
        %dma_wait3A_390 = tpu.memref_slice %arg5[%dma_wait3A_381, %dma_wait3A_387, %dma_wait3A_382, %dma_wait3A_388, %dma_wait3A_389] : memref<200x4x32x8x128xf32, #tpu.memory_space<hbm>> -> memref<1x4x1x8x128xf32, #tpu.memory_space<hbm>>
        %dma_wait3A_391 = tpu.memref_squeeze %dma_wait3A_390 : memref<1x4x1x8x128xf32, #tpu.memory_space<hbm>> -> memref<4x8x128xf32, #tpu.memory_space<hbm>>
        %dma_wait3A_392 = arith.constant 0 : i32
        %dma_wait3A_393 = arith.constant 0 : i32
        %dma_wait3A_394 = arith.constant 0 : i32
        %dma_wait3A_395 = tpu.memref_slice %arg12[%dma_wait3A_392, %dma_wait3A_393, %dma_wait3A_394] : memref<4x8x133xf32, #tpu.memory_space<vmem>> -> memref<4x8x128xf32, #tpu.memory_space<vmem>>
        %dma_wait3A_396 = arith.constant 0 : i32
        %dma_wait3A_397 = arith.constant 0 : i32
        %dma_wait3A_398 = arith.constant 0 : i32
        %dma_wait3A_399 = tpu.memref_slice %arg5[%dma_wait3A_381, %dma_wait3A_396, %dma_wait3A_382, %dma_wait3A_397, %dma_wait3A_398] : memref<200x4x32x8x128xf32, #tpu.memory_space<hbm>> -> memref<1x4x1x8x128xf32, #tpu.memory_space<hbm>>
        %dma_wait3A_400 = tpu.memref_squeeze %dma_wait3A_399 : memref<1x4x1x8x128xf32, #tpu.memory_space<hbm>> -> memref<4x8x128xf32, #tpu.memory_space<hbm>>
        tpu.wait_dma2 semaphore(%arg19 : memref<!tpu.dma_semaphore, #tpu.memory_space<semaphore_mem>>) src(%dma_wait3A_400 : memref<4x8x128xf32, #tpu.memory_space<hbm>>) dst(%dma_wait3A_395 : memref<4x8x128xf32, #tpu.memory_space<vmem>>)
      } else {
      }
      %get3A_353 = arith.index_cast %add3A_332 : i32 to index
      %get3A_354 = arith.constant 0 : index
      %get3A_355 = tpu.vector_load %arg13[%get3A_353, %get3A_354] {strides = array<i32>} : memref<200x32xf32, #tpu.memory_space<vmem>>, vector<16xf32>,
      %get3A_356 = arith.index_cast %add3A_332 : i32 to index
      %get3A_357 = arith.constant 16 : index
      %get3A_358 = tpu.vector_load %arg13[%get3A_356, %get3A_357] {strides = array<i32>} : memref<200x32xf32, #tpu.memory_space<vmem>>, vector<16xf32>,
      %parallel_loop3A_359 = arith.constant 0 : i32
      %parallel_loop3A_360 = arith.constant 128 : i32
      %parallel_loop3A_361 = arith.constant 1 : i32
      scf.for %parallel_loop3A_381 = %parallel_loop3A_359 to %parallel_loop3A_360 step %parallel_loop3A_361  : i32 {
        %parallel_loop3A_382 = vector.broadcast %parallel_loop3A_381 : i32 to vector<16xi32>
        %parallel_loop3A_383 = arith.index_cast %parallel_loop3A_381 : i32 to index
        %parallel_loop3A_384 = arith.constant 0 : index
        %parallel_loop3A_385 = tpu.vector_load %arg10[%parallel_loop3A_383, %parallel_loop3A_384] {strides = array<i32>} : memref<128x32xf32, #tpu.memory_space<vmem>>, vector<16xf32>,
        %parallel_loop3A_386 = arith.addf %parallel_loop3A_385, %get3A_355 : vector<16xf32>
        tpu.vector_store_idx %arg12[%select_n3A, %select_n3A_43, %parallel_loop3A_382], %parallel_loop3A_386 : memref<4x8x133xf32, #tpu.memory_space<vmem>>[vector<16xi32>, vector<16xi32>, vector<16xi32>], vector<16xf32>,
        %parallel_loop3A_387 = arith.index_cast %parallel_loop3A_381 : i32 to index
        %parallel_loop3A_388 = arith.constant 16 : index
        %parallel_loop3A_389 = tpu.vector_load %arg10[%parallel_loop3A_387, %parallel_loop3A_388] {strides = array<i32>} : memref<128x32xf32, #tpu.memory_space<vmem>>, vector<16xf32>,
        %parallel_loop3A_390 = arith.addf %parallel_loop3A_389, %get3A_358 : vector<16xf32>
        tpu.vector_store_idx %arg12[%select_n3A_77, %select_n3A_99, %parallel_loop3A_382], %parallel_loop3A_390 : memref<4x8x133xf32, #tpu.memory_space<vmem>>[vector<16xi32>, vector<16xi32>, vector<16xi32>], vector<16xf32>,
      } {sc.loop_unroll_factor = 8 : i64, sc.parallel_access}
      %dma_start3A_362 = arith.constant 0 : i32
      %dma_start3A_363 = arith.constant 0 : i32
      %dma_start3A_364 = arith.constant 0 : i32
      %dma_start3A_365 = tpu.memref_slice %arg12[%dma_start3A_362, %dma_start3A_363, %dma_start3A_364] : memref<4x8x133xf32, #tpu.memory_space<vmem>> -> memref<4x8x128xf32, #tpu.memory_space<vmem>>
      %dma_start3A_366 = arith.constant 0 : i32
      %dma_start3A_367 = arith.constant 0 : i32
      %dma_start3A_368 = arith.constant 0 : i32
      %dma_start3A_369 = tpu.memref_slice %arg5[%add3A_332, %dma_start3A_366, %add3A, %dma_start3A_367, %dma_start3A_368] : memref<200x4x32x8x128xf32, #tpu.memory_space<hbm>> -> memref<1x4x1x8x128xf32, #tpu.memory_space<hbm>>
      %dma_start3A_370 = tpu.memref_squeeze %dma_start3A_369 : memref<1x4x1x8x128xf32, #tpu.memory_space<hbm>> -> memref<4x8x128xf32, #tpu.memory_space<hbm>>
      %dma_start3A_371 = arith.constant 0 : i32
      %dma_start3A_372 = arith.constant 0 : i32
      %dma_start3A_373 = arith.constant 0 : i32
      %dma_start3A_374 = tpu.memref_slice %arg5[%add3A_332, %dma_start3A_371, %add3A, %dma_start3A_372, %dma_start3A_373] : memref<200x4x32x8x128xf32, #tpu.memory_space<hbm>> -> memref<1x4x1x8x128xf32, #tpu.memory_space<hbm>>
      %dma_start3A_375 = tpu.memref_squeeze %dma_start3A_374 : memref<1x4x1x8x128xf32, #tpu.memory_space<hbm>> -> memref<4x8x128xf32, #tpu.memory_space<hbm>>
      %dma_start3A_376 = arith.constant 0 : i32
      %dma_start3A_377 = arith.constant 0 : i32
      %dma_start3A_378 = arith.constant 0 : i32
      %dma_start3A_379 = tpu.memref_slice %arg12[%dma_start3A_376, %dma_start3A_377, %dma_start3A_378] : memref<4x8x133xf32, #tpu.memory_space<vmem>> -> memref<4x8x128xf32, #tpu.memory_space<vmem>>
      tpu.enqueue_dma source(%dma_start3A_379 : memref<4x8x128xf32, #tpu.memory_space<vmem>>) target(%dma_start3A_375 : memref<4x8x128xf32, #tpu.memory_space<hbm>>) target_semaphore(%arg19 : memref<!tpu.dma_semaphore, #tpu.memory_space<semaphore_mem>>)
      %scan3A_380 = arith.constant 0 : i32
      scf.yield %scan3A_380 : i32
    }
    %scan3A_139 = arith.constant 50 : i32
    %dma_wait3A = arith.constant 0 : i32
    %dma_wait3A_140 = arith.constant 0 : i32
    %dma_wait3A_141 = arith.constant 0 : i32
    %dma_wait3A_142 = arith.constant 0 : i32
    %dma_wait3A_143 = arith.constant 0 : i32
    %dma_wait3A_144 = tpu.memref_slice %arg11[%dma_wait3A_141, %dma_wait3A_142, %dma_wait3A_143] : memref<4x8x133xf32, #tpu.memory_space<vmem>> -> memref<4x8x128xf32, #tpu.memory_space<vmem>>
    %dma_wait3A_145 = arith.constant 0 : i32
    %dma_wait3A_146 = arith.constant 0 : i32
    %dma_wait3A_147 = arith.constant 0 : i32
    %dma_wait3A_148 = tpu.memref_slice %arg5[%dma_wait3A, %dma_wait3A_145, %dma_wait3A_140, %dma_wait3A_146, %dma_wait3A_147] : memref<200x4x32x8x128xf32, #tpu.memory_space<hbm>> -> memref<1x4x1x8x128xf32, #tpu.memory_space<hbm>>
    %dma_wait3A_149 = tpu.memref_squeeze %dma_wait3A_148 : memref<1x4x1x8x128xf32, #tpu.memory_space<hbm>> -> memref<4x8x128xf32, #tpu.memory_space<hbm>>
    %dma_wait3A_150 = arith.constant 0 : i32
    %dma_wait3A_151 = arith.constant 0 : i32
    %dma_wait3A_152 = arith.constant 0 : i32
    %dma_wait3A_153 = tpu.memref_slice %arg11[%dma_wait3A_150, %dma_wait3A_151, %dma_wait3A_152] : memref<4x8x133xf32, #tpu.memory_space<vmem>> -> memref<4x8x128xf32, #tpu.memory_space<vmem>>
    %dma_wait3A_154 = arith.constant 0 : i32
    %dma_wait3A_155 = arith.constant 0 : i32
    %dma_wait3A_156 = arith.constant 0 : i32
    %dma_wait3A_157 = tpu.memref_slice %arg5[%dma_wait3A, %dma_wait3A_154, %dma_wait3A_140, %dma_wait3A_155, %dma_wait3A_156] : memref<200x4x32x8x128xf32, #tpu.memory_space<hbm>> -> memref<1x4x1x8x128xf32, #tpu.memory_space<hbm>>
    %dma_wait3A_158 = tpu.memref_squeeze %dma_wait3A_157 : memref<1x4x1x8x128xf32, #tpu.memory_space<hbm>> -> memref<4x8x128xf32, #tpu.memory_space<hbm>>
    tpu.wait_dma2 semaphore(%arg18 : memref<!tpu.dma_semaphore, #tpu.memory_space<semaphore_mem>>) src(%dma_wait3A_158 : memref<4x8x128xf32, #tpu.memory_space<hbm>>) dst(%dma_wait3A_153 : memref<4x8x128xf32, #tpu.memory_space<vmem>>)
    %dma_wait3A_159 = arith.constant 0 : i32
    %dma_wait3A_160 = arith.constant 0 : i32
    %dma_wait3A_161 = arith.constant 0 : i32
    %dma_wait3A_162 = arith.constant 0 : i32
    %dma_wait3A_163 = arith.constant 0 : i32
    %dma_wait3A_164 = tpu.memref_slice %arg12[%dma_wait3A_161, %dma_wait3A_162, %dma_wait3A_163] : memref<4x8x133xf32, #tpu.memory_space<vmem>> -> memref<4x8x128xf32, #tpu.memory_space<vmem>>
    %dma_wait3A_165 = arith.constant 0 : i32
    %dma_wait3A_166 = arith.constant 0 : i32
    %dma_wait3A_167 = arith.constant 0 : i32
    %dma_wait3A_168 = tpu.memref_slice %arg5[%dma_wait3A_159, %dma_wait3A_165, %dma_wait3A_160, %dma_wait3A_166, %dma_wait3A_167] : memref<200x4x32x8x128xf32, #tpu.memory_space<hbm>> -> memref<1x4x1x8x128xf32, #tpu.memory_space<hbm>>
    %dma_wait3A_169 = tpu.memref_squeeze %dma_wait3A_168 : memref<1x4x1x8x128xf32, #tpu.memory_space<hbm>> -> memref<4x8x128xf32, #tpu.memory_space<hbm>>
    %dma_wait3A_170 = arith.constant 0 : i32
    %dma_wait3A_171 = arith.constant 0 : i32
    %dma_wait3A_172 = arith.constant 0 : i32
    %dma_wait3A_173 = tpu.memref_slice %arg12[%dma_wait3A_170, %dma_wait3A_171, %dma_wait3A_172] : memref<4x8x133xf32, #tpu.memory_space<vmem>> -> memref<4x8x128xf32, #tpu.memory_space<vmem>>
    %dma_wait3A_174 = arith.constant 0 : i32
    %dma_wait3A_175 = arith.constant 0 : i32
    %dma_wait3A_176 = arith.constant 0 : i32
    %dma_wait3A_177 = tpu.memref_slice %arg5[%dma_wait3A_159, %dma_wait3A_174, %dma_wait3A_160, %dma_wait3A_175, %dma_wait3A_176] : memref<200x4x32x8x128xf32, #tpu.memory_space<hbm>> -> memref<1x4x1x8x128xf32, #tpu.memory_space<hbm>>
    %dma_wait3A_178 = tpu.memref_squeeze %dma_wait3A_177 : memref<1x4x1x8x128xf32, #tpu.memory_space<hbm>> -> memref<4x8x128xf32, #tpu.memory_space<hbm>>
    tpu.wait_dma2 semaphore(%arg19 : memref<!tpu.dma_semaphore, #tpu.memory_space<semaphore_mem>>) src(%dma_wait3A_178 : memref<4x8x128xf32, #tpu.memory_space<hbm>>) dst(%dma_wait3A_173 : memref<4x8x128xf32, #tpu.memory_space<vmem>>)
    return
  }
}

</mosaic_0001>

<sc_bundles>
// kernel: kernel.4.cloned.1.call-start
scs
__scs_entry_jumppad:
0x0: {  	(pc) =	sbr.rel $0x88, $3  }
0x1: {  	(tag) =	ssettag $0x0;
	lr =	simm.s32 $0x1  }
0x2: {  	[smem:$0x3F9E] =	sst lr;
	_ =	strace $0xD0000000  }
0x3: {  	_ = 	snop  }
0x4: {  	_ = 	snop  }
0x5: {  	_ = 	snop  }
0x6: {  	_ = 	snop  }
0x7: {  	_ = 	snop  }
__scs_overlays_trampoline_lowered:
0x8: {  	[smem:$0x3FAD] =	sst s0  }
0x9: {  	[smem:$0x3FAE] =	sst s1  }
0xa: {  	[smem:$0x3FAF] =	sst s2  }
0xb: {  	[smem:$0x3FB0] =	sst s3  }
0xc: {  	[smem:$0x3FB1] =	sst s4  }
0xd: {  	[smem:$0x3FB2] =	sst s5  }
0xe: {  	[smem:$0x3FB3] =	sst s6  }
0xf: {  	[smem:$0x3FB4] =	sst s7  }
0x10: {  	[smem:$0x3FB5] =	sst s8  }
0x11: {  	[smem:$0x3FB6] =	sst s9;
	s0 =	simm.s32 @!p0 $0x0  }
0x12: {  	s1 =	sld [smem:$0x3F9C];
	s0 =	simm.s32 @p0 $0x1  }
0x13: {  	[smem:$0x3FB7] =	sst s0;
	s0 =	simm.s32 @!p1 $0x0  }
0x14: {  	s2 =	sld [smem:$0x3F9B];
	s0 =	simm.s32 @p1 $0x1  }
0x15: {  	[smem:$0x3FB8] =	sst s0;
	s0 =	simm.s32 @!p2 $0x0  }
0x16: {  	s3 =	sld [smem:$0x3FDB];
	s0 =	simm.s32 @p2 $0x1  }
0x17: {  	s4 =	simm.s32 $0x1BF5;
	[smem:$0x3FBA] =	sst s0  }
0x18: {  	s0 =	sld [smem:$0x3F9D];
	_ =	swait.ge [sflag:s4], $0x0  }
0x19: {  	s7 =	sld [smem:$0x3F9E]  }
0x1a: {  	s8 =	sadd.s32 $0xFFFFE003, lr  }
0x1b: {  	s9 =	sadd.s32 $0xFFFFFEF7, lr;
	s5 =	simm.s32 $0xFFFFFFFF;
	p2 =	slt.u32 s8, $0xFFFFF086  }
0x1c: {  	p1 =	slt.u32 s9, $0xF7A;
	s5 =	simm.s32 @!p2 $0x0  }
0x1d: {  	s5 =	simm.s32 @p1 $0x1;
	p0 =	seq.s32 s7, s2  }
0x1e: {  	s7 =	smul.u32 @!p0 $0xF7A, s2;
	p2 =	seq.s32 @!p0 s5, $0x0  }
0x1f: {  	s9 =	smul.u32 $0xF7A, s1;
	s8 =	simm.s32 @!p0 $0x1BF5;
	p2 =	por !p2, p0  }
0x20: {  	[sflag:s8] =	ssyncset.s32 @!p0 $0xFFFFF086;
	s6 =	sadd.s32 @!p0 s3, s7;
	s7 =	simm.s32 @!p0 $0x108  }
0x21: {  	s3 =	sadd.s32 s3, s9;
	s6 =	sadd.s32 @!p0 $0x88, s6;
	s7 =	simm.s32 @p2 $0x1082  }
0x22: {  	[simem:s7], [sflag:s8] =	dma.local @!p0 [hbm:s6], $0xF7A  }
0x23: {  	s9 =	sor.u32 $0xD0000000, s2;
	s6 =	simm.s32 $0x108;
	_ =	swait.ge @!p0 [sflag:s8], $0x0  }
0x24: {  	s3 =	sadd.s32 $0x88, s3;
	s6 =	simm.s32 @!p1 $0x1082;
	[sflag:s4] =	ssyncset.s32 $0xFFFFF086  }
0x25: {  	[simem:s6], [sflag:s4] =	dma.local [hbm:s3], $0xF7A  }
0x26: {  	[smem:$0x3F9E] =	sst s1;
	(tag) =	ssettag s2;
	_ =	strace s9  }
0x27: {  	s1 =	sld [smem:$0x3FAE]  }
0x28: {  	s2 =	sld [smem:$0x3FAF]  }
0x29: {  	s4 =	sld [smem:$0x3FB1]  }
0x2a: {  	p0 =	seq.s32 s5, $0x0;
	s5 =	sld [smem:$0x3FB2]  }
0x2b: {  	s6 =	sld [smem:$0x3FB3]  }
0x2c: {  	s7 =	sld [smem:$0x3FB4]  }
0x2d: {  	s3 =	simm.s32 $0x108;
	s8 =	sld [smem:$0x3FB5]  }
0x2e: {  	s3 =	simm.s32 @!p0 $0x1082;
	s9 =	sld [smem:$0x3FB6]  }
0x2f: {  	lr =	sadd.s32 s0, s3;
	s0 =	sld [smem:$0x3FAD]  }
0x30: {  	s3 =	sld [smem:$0x3FB0]  }
0x31: {  	[smem:$0x3FB9] =	sst s10  }
0x32: {  	s10 =	sld [smem:$0x3FB7];
	_ =	sdelay $0x3  }
0x33: {  	p0 =	seq.s32 s10, $0x1;
	s10 =	sld [smem:$0x3FB9];
	_ =	sdelay $0x3  }
0x34: {  	[smem:$0x3FB9] =	sst s10  }
0x35: {  	s10 =	sld [smem:$0x3FB8];
	_ =	sdelay $0x3  }
0x36: {  	p1 =	seq.s32 s10, $0x1;
	s10 =	sld [smem:$0x3FB9];
	_ =	sdelay $0x3  }
0x37: {  	[smem:$0x3FB9] =	sst s10  }
0x38: {  	s10 =	sld [smem:$0x3FBA]  }
0x39: {  	_ = 	snop;
	(pc) =	sbr.ind lr, $3  }
0x3a: {  	_ = 	snop  }
0x3b: {  	_ = 	snop  }
0x3c: {  	p2 =	seq.s32 s10, $0x1;
	s10 =	sld [smem:$0x3FB9]  }
0x3d: {  	_ =	shalt  }
0x3e: {  	_ =	shalt  }
0x3f: {  	_ =	shalt  }
0x40: {  	_ =	shalt  }
0x41: {  	_ =	shalt  }
0x42: {  	_ =	shalt  }
0x43: {  	_ =	shalt  }
0x44: {  	_ =	shalt  }
0x45: {  	_ =	shalt  }
0x46: {  	_ =	shalt  }
0x47: {  	_ =	shalt  }
0x48: {  	_ =	shalt  }
0x49: {  	_ =	shalt  }
0x4a: {  	_ =	shalt  }
0x4b: {  	_ =	shalt  }
0x4c: {  	_ =	shalt  }
0x4d: {  	_ =	shalt  }
0x4e: {  	_ =	shalt  }
0x4f: {  	_ =	shalt  }
0x50: {  	_ =	shalt  }
0x51: {  	_ =	shalt  }
0x52: {  	_ =	shalt  }
0x53: {  	_ =	shalt  }
0x54: {  	_ =	shalt  }
0x55: {  	_ =	shalt  }
0x56: {  	_ =	shalt  }
0x57: {  	_ =	shalt  }
0x58: {  	_ =	shalt  }
0x59: {  	_ =	shalt  }
0x5a: {  	_ =	shalt  }
0x5b: {  	_ =	shalt  }
0x5c: {  	_ =	shalt  }
0x5d: {  	_ =	shalt  }
0x5e: {  	_ =	shalt  }
0x5f: {  	_ =	shalt  }
0x60: {  	_ =	shalt  }
0x61: {  	_ =	shalt  }
0x62: {  	_ =	shalt  }
0x63: {  	_ =	shalt  }
0x64: {  	_ =	shalt  }
0x65: {  	_ =	shalt  }
0x66: {  	_ =	shalt  }
0x67: {  	_ =	shalt  }
0x68: {  	_ =	shalt  }
0x69: {  	_ =	shalt  }
0x6a: {  	_ =	shalt  }
0x6b: {  	_ =	shalt  }
0x6c: {  	_ =	shalt  }
0x6d: {  	_ =	shalt  }
0x6e: {  	_ =	shalt  }
0x6f: {  	_ =	shalt  }
0x70: {  	_ =	shalt  }
0x71: {  	_ =	shalt  }
0x72: {  	_ =	shalt  }
0x73: {  	_ =	shalt  }
0x74: {  	_ =	shalt  }
0x75: {  	_ =	shalt  }
0x76: {  	_ =	shalt  }
0x77: {  	_ =	shalt  }
0x78: {  	_ =	shalt  }
0x79: {  	_ =	shalt  }
0x7a: {  	_ =	shalt  }
0x7b: {  	_ =	shalt  }
0x7c: {  	_ =	shalt  }
0x7d: {  	_ =	shalt  }
0x7e: {  	_ =	shalt  }
0x7f: {  	_ =	shalt  }
0x80: {  	_ =	shalt  }
0x81: {  	_ =	shalt  }
0x82: {  	_ =	shalt  }
0x83: {  	_ =	shalt  }
0x84: {  	_ =	shalt  }
0x85: {  	_ =	shalt  }
0x86: {  	_ =	shalt  }
0x87: {  	_ =	shalt  }
.Lfunc_end0:
.L_simem_size_0:
called_computation_lowered:
.L_overlay_start_0:
0x88: {  	s2 =	sld [smem:$0x3FD9]  }
0x89: {  	s3 =	sld [smem:$0x3FFE];
	_ =	sdelay $0x1  }
0x8a: {  	s1 =	srdreg.scid  }
0x8b: {  	s0 =	sand.u32 $0x1, s1  }
0x8c: {  	s17 =	sshll.u32 s0, $0xA;
	s2 =	sadd.s32 s3, s2  }
0x8d: {  	s2 =	sadd.s32 s2, s17  }
0x8e: {  	[smem:$0x3FC5] =	sst s2  }
0x8f: {  	_ = 	snop  }
0x90: {  	s2 =	sld [smem:$0x3FC8]  }
0x91: {  	s18 =	sld [smem:$0x3FD0];
	(tm) =	ssettm $0x1  }
0x92: {  	s4 =	sld [smem:$0x3FFB];
	_ =	sdelay $0x3  }
0x93: {  	_ =	strace s4  }
0x94: {  	s4 =	sld [smem:$0x3FFC];
	_ =	sdelay $0x3  }
0x95: {  	_ =	strace s4  }
0x96: {  	s4 =	sld [smem:$0x3FFD];
	_ =	sdelay $0x3  }
0x97: {  	_ =	strace s4  }
0x98: {  	_ =	strace $0x8FFFFFFF  }
0x99: {  	s19 =	sld [smem:$0x3FDB];
	_ =	sdelay $0x1  }
0x9a: {  	s5 =	simm.s32 $_scs_section_size  }
0x9b: {  	s6 =	simm.s32 $_size__tile_overlayer_lowered;
	s7 =	simm.s32 $_tile_overlayer_lowered  }
0x9c: {  	s22 =	simm.s32 $0x1BFF;
	s21 =	sshll.u32 s7, $0x1;
	s4 =	sadd.s32 s5, s19  }
0x9d: {  	s8 =	simm.s32 $0x0;
	s20 =	sshll.u32 s6, $0x1;
	s6 =	sadd.s32 s21, s4  }
0x9e: {  	[timem:s8], [sflag:s22] =	dma.local [hbm:s6], s20  }
0x9f: {  	_ =	swait.ge [sflag:s22], s20  }
0xa0: {  	s5 =	ssub.s32 $0x0, s20;
	[sflag:s22] =	ssyncset.done $0x0  }
0xa1: {  	[sflag:s22] =	ssyncadd.s32 s5;
	_ =	sdelay $0x1  }
0xa2: {  	s23 =	simm.s32 $0x1B8B  }
0xa3: {  	_ =	swait.ge [sflag:s23], $0x1  }
0xa4: {  	[sflag:s23] =	ssyncset.done $0x0  }
0xa5: {  	s25 =	simm.s32 $0x1B8E;
	s24 =	sld [smem:$0x3FFE];
	[sflag:s23] =	ssyncadd.s32 $0xFFFFFFFF  }
0xa6: {  	s26 =	simm.s32 $execute0_lowered;
	[smem:$0x3FD2] =	sst s25  }
0xa7: {  	s6 =	sshll.u32 s26, $0x1;
	_ =	strace $0x80000046;
	[dreg:$0x1] =	wrdreg $0xFFFFFFFF  }
0xa8: {  	s28 =	simm.s32 $_size_execute0_lowered;
	s4 =	sadd.s32 s4, s6;
	[dreg:$0x0] =	wrdreg $0x0  }
0xa9: {  	s6 =	sshll.u32 s28, $0x1;
	[dreg:$0x2] =	wrdreg s4  }
0xaa: {  	[dreg:$0x3] =	wrdreg s6  }
0xab: {  	[dreg:$0x4] =	wrdreg $0xC0  }
0xac: {  	_ =	task [dreg:s8], $0x5FFFF  }
0xad: {  	[dreg:$0x1] =	wrdreg $0xFFFFFFFF  }
0xae: {  	[dreg:$0x0] =	wrdreg $0x60  }
0xaf: {  	[dreg:$0x2] =	wrdreg s2  }
0xb0: {  	[dreg:$0x3] =	wrdreg s18  }
0xb1: {  	[dreg:$0x4] =	wrdreg s24  }
0xb2: {  	[dreg:$0x5] =	wrdreg $0x9  }
0xb3: {  	_ =	task.clear_ibuf [dreg:s8], $0x6FFFF;
	_ =	strace $0x90000046  }
0xb4: {  	s29 =	simm.s32 $0x9;
	_ =	strace $0x80000048  }
0xb5: {  	_ =	swait.ge [sflag:s29], $0x1  }
0xb6: {  	[sflag:s29] =	ssyncadd.s32 $0xFFFFFFFF  }
0xb7: {  	_ =	strace $0x90000048  }
0xb8: {  	_ =	sfence  }
0xb9: {  	s30 =	sld [smem:$0x0];
	_ =	sdelay $0x2  }
0xba: {  	s31 =	sshll.u32 s1, $0xD;
	s1 =	sshrl.u32 s1, $0x2  }
0xbb: {  	s3 =	sand.u32 $0x4000, s31;
	s1 =	sadd.s32 s1, s30  }
0xbc: {  	s0 =	sor.u32 s3, s0;
	s1 =	sshll.u32 s1, $0x11  }
0xbd: {  	s0 =	sor.u32 s1, s0  }
0xbe: {  	s0 =	sadd.s32 $0x8F2B, s0  }
0xbf: {  	[sflag:s0] =	ssyncadd.remote.s32 $0x1  }
0xc0: {  	_ =	sfence.sel $0xFFFF  }
0xc1: {  	[dreg:$0x0] =	wrdreg $0xFFFFFFFF;
	(pc) =	sbr.abs _section_cstart, $3  }
0xc2: {  	[dreg:$0x1] =	wrdreg $0xFFFFFFFF  }
0xc3: {  	_ =	task.clear_ibuf [dreg:s8], $0x2FFFF;
	_ =	strace $0x9FFFFFFF  }
0xc4: {  	(tm) =	ssettm $0x7FFFFFFF  }
0xc5: {  	_ =	shalt  }
tec
execute0_lowered:
.L_overlay_start_1:
0x0: {  	(tag) =	ssettag $0x1  }
0x1: {  	s1 =	rddreg [dreg:$0x0]  }
0x2: {  	s2 =	rddreg [dreg:$0x2];
	s3 =	simm.s32 $0x0;
	s4 =	srdreg.scid;
	v0 =	vimm.s32 $0xF80;
	vm0 =	vcmask $0x300;
	v1 =	vimm.s32 $0x2780  }
0x3: {  	s0 =	stileid.u32;
	vm1 =	vcmask $0x704;
	s17 =	simm.s32 $0x1;
	s28 =	simm.s32 $0x3000;
	v0 =	vsel vm0, $0x0, v0;
	v1 =	vsel vm0, $0x1800, v1  }
0x4: {  	vm15 =	vcmask $0xB08;
	s29 =	simm.s32 $0xA000;
	s30 =	simm.s32 $0xA800;
	s31 =	simm.s32 $0xB000;
	v0 =	vsel vm1, $0x80, v0;
	v1 =	vsel vm1, $0x1880, v1  }
0x5: {  	vm4 =	vcmask $0xF0C;
	s10 =	simm.s32 $0xC800;
	s13 =	simm.s32 $0xD000;
	s16 =	simm.s32 $0xD800;
	v0 =	vsel vm15, $0x100, v0;
	v1 =	vsel vm15, $0x1900, v1  }
0x6: {  	vm5 =	vcmask $0x1310;
	[smem:$0x7FF] =	sst s3;
	s5 =	sand.u32 $0x1, s4;
	s7 =	sshll.u32 s0, $0x1;
	v0 =	vsel vm4, $0x180, v0;
	v1 =	vsel vm4, $0x1980, v1  }
0x7: {  	vm6 =	vcmask $0x1714;
	s4 =	sadd.s32 $0xA00, s2;
	s2 =	sadd.s32 $0x3D1200, s2;
	p1 =	sne.s32 s0, $0x0;
	v0 =	vsel vm5, $0x200, v0;
	v1 =	vsel vm5, $0x1A00, v1  }
0x8: {  	vm7 =	vcmask $0x1B18;
	_ =	strace $0x80000047;
	s6 =	ssub.s32 $0x2, s5;
	s5 =	sor.u32 s5, s7;
	v0 =	vsel vm6, $0x280, v0;
	v1 =	vsel vm6, $0x1A80, v1  }
0x9: {  	vm8 =	vcmask $0x1F1C;
	[dreg:$0x4] =	wrdreg s2;
	s7 =	sshll.u32 s5, $0x8;
	p0 =	sne.s32 s5, $0x1F;
	v0 =	vsel vm7, $0x300, v0;
	v1 =	vsel vm7, $0x1B00, v1  }
0xa: {  	vm9 =	vcmask $0x2320;
	s8 =	sshrl.u32 s6, $0x1;
	s7 =	sadd.s32 s1, s7;
	s2 =	sshll.u32 @!p0 s0, $0x6;
	v0 =	vsel vm8, $0x380, v0;
	v1 =	vsel vm8, $0x1B80, v1  }
0xb: {  	vm10 =	vcmask $0x2724;
	s11 =	sor.u32 $0x40, s5;
	s2 =	sor.u32 @!p0 $0x1C05, s2;
	[dreg:$0x5] =	wrdreg s7;
	v0 =	vsel vm9, $0xC00, v0;
	v1 =	vsel vm9, $0x2400, v1  }
0xc: {  	vm11 =	vcmask $0x2B28;
	s6 =	ssub.s32 s6, s8;
	s23 =	sadd.s32 $0xF4280, s7;
	[dreg:$0x6] =	wrdreg s2;
	v0 =	vsel vm10, $0xC80, v0;
	v1 =	vsel vm10, $0x2480, v1  }
.Ltmp0:
0xd: {  	vm12 =	vcmask $0x2F2C;
	s24 =	sadd.s32 $0x1E8500, s7;
	[dreg:$0x7] =	wrdreg s23;
	v0 =	vsel vm11, $0xD00, v0;
	v1 =	vsel vm11, $0x2500, v1;
	(pc) =	sbr.rel .LBB2_1-.Ltmp0, $4  }
0xe: {  	vm13 =	vcmask $0x3330;
	s0 =	simm.s32 $0xB800;
	s25 =	smax.u32 s6, $0x1;
	[dreg:$0x8] =	wrdreg s24;
	v0 =	vsel vm12, $0xD80, v0;
	v1 =	vsel vm12, $0x2580, v1  }
0xf: {  	vm14 =	vcmask $0x3734;
	s8 =	simm.s32 $0x0;
	s26 =	sadd.s32 $0x2DC780, s7;
	[dreg:$0x9] =	wrdreg s25;
	v0 =	vsel vm13, $0xE00, v0;
	v1 =	vsel vm13, $0x2600, v1  }
0x10: {  	vm15 =	vcmask $0x3B38;
	[dreg:$0xa] =	wrdreg s26;
	s23 =	simm.s32 $0x8800;
	s24 =	simm.s32 $0x9000;
	v0 =	vsel vm14, $0xE80, v0;
	v1 =	vsel vm14, $0x2680, v1  }
0x11: {  	s25 =	simm.s32 $0x9800;
	s26 =	simm.s32 $0x2;
	s2 =	simm.s32 $0xC000;
	v0 =	vsel vm15, $0xF00, v0;
	v1 =	vsel vm15, $0x2700, v1  }
.LBB2_11:
0x12: {  	s6 =	simm.s32 @!p1 $0x3  }
0x13: {  	_ =	swait.ge @!p1 [sflag:s6], $0x2000  }
0x14: {  	s8 =	rddreg [dreg:$0xb]  }
0x15: {  	s7 =	rddreg [dreg:$0x9];
	s8 =	sadd.s32 $0x1, s8  }
0x16: {  	p2 =	sne.s32 s8, s7  }
.Ltmp1:
0x17: {  	_ = 	snop;
	(pc) =	sbr.rel @!p2 .LBB2_12-.Ltmp1, $3  }
0x18: {  	_ =	sdelay $0x1  }
0x19: {  	[sflag:s6] =	ssyncset.done @!p1 $0x0  }
0x1a: {  	[sflag:s6] =	ssyncadd.s32 @!p1 $0xFFFFE000  }
.LBB2_1:
0x1b: {  	[dreg:$0xb] =	wrdreg s8  }
0x1c: {  	s6 =	rddreg [dreg:$0x1]  }
0x1d: {  	s7 =	rddreg [dreg:$0x4]  }
0x1e: {  	s8 =	rddreg [dreg:$0x6]  }
0x1f: {  	[hbm:s7], [sflag:s8] =	dma.local @!p0 [hbm:s6], $0x100  }
0x20: {  	s6 =	simm.s32 @!p0 $0x5  }
0x21: {  	_ =	swait.ge @!p0 [sflag:s6], $0x100  }
0x22: {  	[sflag:s6] =	ssyncset.done @!p0 $0x0  }
0x23: {  	s14 =	rddreg [dreg:$0x5];
	[sflag:s6] =	ssyncadd.s32 @!p0 $0xFFFFFF00  }
0x24: {  	[tilespmem:s3], [sflag:$0x1] =	stream.linear.gather [hbm4b:s14+s3], $0x800, $0x38;
	[tilespmem:$0xE000] =	vst v63  }
0x25: {  	s18 =	simm.s32 $0xC00;
	s15 =	rddreg [dreg:$0x7]  }
0x26: {  	[tilespmem:s18], [sflag:$0x1] =	stream.linear.gather [hbm4b:s15+s3], $0x800, $0x38;
	[tilespmem:$0xE000] =	vst v63  }
.Ltmp2:
0x27: {  	_ = 	snop;
	(pc) =	sbr.rel .LBB2_2-.Ltmp2, $4  }
0x28: {  	s20 =	simm.s32 $0x1800;
	s19 =	rddreg [dreg:$0x8]  }
0x29: {  	[tilespmem:s20], [sflag:$0x1] =	stream.linear.gather [hbm4b:s19+s3], $0x800, $0x38;
	[tilespmem:$0xE000] =	vst v63  }
0x2a: {  	s22 =	simm.s32 $0x2400;
	s8 =	simm.s32 $0x0;
	s21 =	rddreg [dreg:$0xa]  }
0x2b: {  	[tilespmem:s22], [sflag:$0x1] =	stream.linear.gather [hbm4b:s21+s3], $0x800, $0x38;
	[tilespmem:$0xE000] =	vst v63  }
.LBB2_10:
0x2c: {  	s8 =	sadd.s32 $0x1, s8  }
0x2d: {  	p2 =	sne.s32 s8, $0x3E  }
.Ltmp3:
0x2e: {  	_ = 	snop;
	(pc) =	sbr.rel @!p2 .LBB2_11-.Ltmp3, $1  }
0x2f: {  	_ =	sdelay $0x3  }
.LBB2_2:
0x30: {  	s12 =	sshll.u32 s8, $0x6  }
0x31: {  	s14 =	sor.u32 s5, s12  }
0x32: {  	s9 =	sor.u32 $0x20, s14  }
0x33: {  	p2 =	sgt.u32 s9, $0xF41  }
0x34: {  	s6 =	sshll.u32 @!p2 s9, $0x8  }
0x35: {  	s7 =	simm.s32 @!p2 $0x0;
	s15 =	simm.s32 @!p2 $0x3000;
	s6 =	sadd.s32 @!p2 s1, s6  }
0x36: {  	[tilespmem:s15], [sflag:$0x2] =	stream.linear.gather @!p2 [hbm4b:s6+s7], $0x800, $0x38;
	[tilespmem:$0xE000] =	vst v63  }
0x37: {  	s18 =	simm.s32 @!p2 $0x3C00;
	s15 =	sadd.s32 @!p2 $0xF4280, s6  }
0x38: {  	[tilespmem:s18], [sflag:$0x2] =	stream.linear.gather @!p2 [hbm4b:s15+s7], $0x800, $0x38;
	[tilespmem:$0xE000] =	vst v63  }
0x39: {  	s15 =	sadd.s32 @!p2 $0x1E8500, s6;
	s18 =	simm.s32 @!p2 $0x4800  }
0x3a: {  	[tilespmem:s18], [sflag:$0x2] =	stream.linear.gather @!p2 [hbm4b:s15+s7], $0x800, $0x38;
	[tilespmem:$0xE000] =	vst v63  }
0x3b: {  	p4 =	sgt.u32 s14, $0xF41;
	s6 =	sadd.s32 @!p2 $0x2DC780, s6;
	s15 =	simm.s32 @!p2 $0x5400  }
0x3c: {  	[tilespmem:s15], [sflag:$0x2] =	stream.linear.gather @!p2 [hbm4b:s6+s7], $0x800, $0x38;
	[tilespmem:$0xE000] =	vst v63  }
.Ltmp4:
0x3d: {  	p3 =	seq.s32 s8, $0x0;
	(pc) =	sbr.rel @p4 .LBB2_6-.Ltmp4, $4  }
0x3e: {  	s6 =	simm.s32 @!p3 $0x3  }
0x3f: {  	_ =	swait.ge @!p3 [sflag:s6], $0x2000  }
0x40: {  	[sflag:s6] =	ssyncset.done @!p3 $0x0  }
0x41: {  	[sflag:s6] =	ssyncadd.s32 @!p3 $0xFFFFE000  }
0x42: {  	s6 =	simm.s32 $0x0;
	s21 =	simm.s32 $0x1;
	s7 =	simm.s32 $0x2  }
0x43: {  	s15 =	simm.s32 $0x3;
	s22 =	simm.s32 $0x4;
	s18 =	simm.s32 $0x5;
	v2 =	vmov s6;
	v4 =	vmov s21;
	v5 =	vmov s7  }
0x44: {  	v6 =	vmov s15;
	s15 =	simm.s32 $0x6;
	v7 =	vmov s22;
	v8 =	vmov s18  }
0x45: {  	v3 =	vand.u32 $0x78, v2;
	v2 =	vshll.u32 v2, $0x3;
	v9 =	vmov s15  }
0x46: {  	v10 =	vand.u32 $0x79, v4;
	v11 =	vand.u32 $0x7A, v5;
	v12 =	vand.u32 $0x7B, v6  }
0x47: {  	v13 =	vand.u32 $0x7C, v7;
	v14 =	vand.u32 $0x7D, v8;
	v4 =	vshll.u32 v4, $0x3  }
0x48: {  	s18 =	simm.s32 $0x7;
	v5 =	vshll.u32 v5, $0x3;
	v6 =	vshll.u32 v6, $0x3;
	v7 =	vshll.u32 v7, $0x3  }
0x49: {  	v16 =	vmov s18;
	v8 =	vshll.u32 v8, $0x3;
	v2 =	vand.u32 $0x400, v2  }
0x4a: {  	v15 =	vand.u32 $0x7E, v9;
	v9 =	vshll.u32 v9, $0x3;
	v17 =	vshll.u32 v16, $0x3  }
0x4b: {  	v7 =	vand.u32 $0x400, v7;
	v2 =	vor.u32 v3, v2;
	v3 =	vand.u32 $0x7F, v16  }
0x4c: {  	v16 =	vand.u32 $0x400, v17;
	v7 =	vor.u32 v13, v7;
	v17 =	vadd.s32 v0, v2  }
0x4d: {  	v8 =	vand.u32 $0x400, v8;
	v16 =	vor.u32 v3, v16;
	v20 =	vadd.s32 v0, v7  }
0x4e: {  	_ =	swait.ge [sflag:s17], $0x2000;
	v8 =	vor.u32 v14, v8;
	v3 =	vand.u32 $0x400, v4;
	v4 =	vadd.s32 v0, v16  }
0x4f: {  	[sflag:s17] =	ssyncset.done $0x0;
	v10 =	vor.u32 v10, v3;
	v3 =	vand.u32 $0x400, v5;
	v5 =	vadd.s32 v0, v8  }
0x50: {  	[sflag:s17] =	ssyncadd.s32 $0xFFFFE000;
	v14 =	vadd.s32 v0, v10;
	v11 =	vor.u32 v11, v3;
	v3 =	vand.u32 $0x400, v6  }
0x51: {  	v9 =	vand.u32 $0x400, v9;
	v6 =	vadd.s32 v0, v11;
	v19 =	vor.u32 v12, v3;
	v3 =	vld.idx.msk [tilespmem:v17+s3+$0x0], $0xffff  }
0x52: {  	s20 =	simm.s32 $0x9;
	v24 =	vor.u32 v15, v9;
	v28 =	vadd.s32 v1, v16;
	v17 =	vadd.s32 v0, v19;
	v16 =	vld.idx.msk [tilespmem:v20+s3+$0x0], $0xffff  }
0x53: {  	s21 =	simm.s32 $0xA;
	v26 =	vmov s20;
	s22 =	simm.s32 $0xB;
	v23 =	vadd.s32 v0, v24;
	v22 =	vld.idx.msk [tilespmem:v4+s3+$0x0], $0xffff  }
0x54: {  	s19 =	simm.s32 $0x8;
	v29 =	vmov s21;
	v30 =	vmov s22;
	s18 =	simm.s32 $0xE;
	v32 =	vadd.s32 v1, v8;
	v25 =	vld.idx.msk [tilespmem:v5+s3+$0x0], $0xffff  }
0x55: {  	s7 =	simm.s32 $0x80;
	s15 =	simm.s32 $0x100;
	v15 =	vmov s18;
	v9 =	vand.u32 $0x7A, v29;
	v12 =	vmov s19;
	s19 =	simm.s32 $0xC;
	v27 =	vld.idx.msk [tilespmem:v14+s3+$0x0], $0xffff  }
0x56: {  	s21 =	simm.s32 $0x0;
	s22 =	sand.u32 $0x3800, s15;
	v8 =	vand.u32 $0x7E, v15;
	v33 =	vadd.s32 v1, v10;
	v13 =	vmov s19;
	s19 =	sand.u32 $0x380, s7;
	v31 =	vld.idx.msk [tilespmem:v6+s3+$0x0], $0xffff  }
0x57: {  	s18 =	sand.u32 $0x3800, s21;
	s21 =	simm.s32 $0x0;
	v24 =	vadd.s32 v1, v24;
	v10 =	vand.u32 $0x7B, v30;
	v18 =	vadd.s32 v1, v11;
	s6 =	sor.u32 s19, s22;
	v14 =	vld.idx.msk [tilespmem:v17+s3+$0x0], $0xffff  }
0x58: {  	s21 =	sand.u32 $0x300, s21;
	v11 =	vand.u32 $0x79, v26;
	v21 =	vadd.s32 v1, v19;
	s22 =	sadd.s32 $0x6000, s18;
	v19 =	vshll.u32 v30, $0x3;
	v17 =	vld.idx.msk [tilespmem:v23+s3+$0x0], $0xffff;
	[tilespmem:s6+$0x6060] =	vst v22  }
0x59: {  	s20 =	simm.s32 $0xD;
	v4 =	vand.u32 $0x78, v12;
	v5 =	vshll.u32 v12, $0x3;
	s18 =	sor.u32 s21, s22;
	v23 =	vadd.s32 v1, v7;
	[tilespmem:s6+$0x6020] =	vst v25;
	v20 =	vld.idx.msk [tilespmem:v28+s3+$0x0], $0xffff  }
0x5a: {  	v12 =	vmov s20;
	v5 =	vand.u32 $0x400, v5;
	v6 =	vand.u32 $0x7C, v13;
	[tilespmem:s18+$0x20] =	vst v27;
	v7 =	vld.idx.msk [tilespmem:v32+s3+$0x0], $0xffff  }
0x5b: {  	s20 =	sor.u32 s19, s22;
	s21 =	simm.s32 $0xF;
	s19 =	simm.s32 $0x10;
	v22 =	vand.u32 $0x7D, v12;
	v27 =	vshll.u32 v26, $0x3;
	v26 =	vshll.u32 v29, $0x3;
	v25 =	vld.idx.msk [tilespmem:v33+s3+$0x0], $0xffff;
	[tilespmem:s18+$0x40] =	vst v31  }
.LBB2_4:
0x5c: {  	p4 =	slt.u32 s19, $0xF8;
	v13 =	vshll.u32 v13, $0x3;
	v28 =	vmov s21;
	v29 =	vadd.s32 v1, v2;
	v18 =	vld.idx.msk [tilespmem:v18+s3+$0x0], $0xffff;
	[tilespmem:s18+$0x60] =	vst v14  }
0x5d: {  	v12 =	vshll.u32 v12, $0x3;
	v14 =	vshll.u32 v15, $0x3;
	v15 =	vshll.u32 v28, $0x3;
	v21 =	vld.idx.msk [tilespmem:v21+s3+$0x0], $0xffff;
	[tilespmem:s20+$0x0] =	vst v16  }
0x5e: {  	v2 =	vor.u32 v4, v5;
	v4 =	vand.u32 $0x7F, v28;
	v5 =	vand.u32 $0x400, v15;
	v15 =	vld.idx.msk [tilespmem:v23+s3+$0x0], $0xffff;
	[tilespmem:s6+$0x6040] =	vst v17  }
0x5f: {  	v16 =	vadd.s32 v0, v2;
	v12 =	vand.u32 $0x400, v12;
	v5 =	vor.u32 v4, v5;
	v17 =	vld.idx.msk [tilespmem:v24+s3+$0x0], $0xffff;
	[tilespmem:s6+$0x6070] =	vst v20  }
0x60: {  	v12 =	vor.u32 v22, v12;
	v4 =	vand.u32 $0x400, v27;
	v20 =	vadd.s32 v0, v5;
	[tilespmem:s18+$0x0] =	vst v3  }
0x61: {  	v22 =	vadd.s32 v0, v12;
	v11 =	vor.u32 v11, v4;
	v3 =	vand.u32 $0x400, v26;
	v23 =	vld.idx.msk [tilespmem:v29+s3+$0x0], $0xffff;
	[tilespmem:s18+$0x30] =	vst v25  }
0x62: {  	v24 =	vadd.s32 v0, v11;
	v9 =	vor.u32 v9, v3;
	v3 =	vand.u32 $0x400, v19;
	[tilespmem:s18+$0x50] =	vst v18  }
0x63: {  	v4 =	vand.u32 $0x400, v13;
	v18 =	vadd.s32 v0, v9;
	v10 =	vor.u32 v10, v3;
	[tilespmem:s18+$0x70] =	vst v21  }
0x64: {  	v19 =	vor.u32 v6, v4;
	v4 =	vand.u32 $0x400, v14;
	v3 =	vld.idx.msk [tilespmem:v16+s3+$0x0], $0xffff;
	v16 =	vadd.s32 v0, v10;
	[tilespmem:s20+$0x10] =	vst v15  }
0x65: {  	v6 =	vmov s19;
	v25 =	vor.u32 v8, v4;
	v21 =	vadd.s32 v0, v19;
	v8 =	vld.idx.msk [tilespmem:v20+s3+$0x0], $0xffff;
	[tilespmem:s6+$0x6030] =	vst v7  }
0x66: {  	s21 =	sadd.s32 $0x2, s19;
	s22 =	sadd.s32 $0x5, s19;
	v4 =	vand.u32 $0x78, v6;
	s20 =	sadd.s32 $0x1, s19;
	v20 =	vadd.s32 v0, v25;
	v7 =	vld.idx.msk [tilespmem:v22+s3+$0x0], $0xffff;
	[tilespmem:s6+$0x6050] =	vst v17  }
0x67: {  	s15 =	sadd.s32 $0x200, s15;
	v6 =	vshll.u32 v6, $0x3;
	v26 =	vmov s20;
	s20 =	sadd.s32 $0x4, s19;
	s6 =	sadd.s32 $0x3, s19;
	v22 =	vadd.s32 v1, v5;
	v24 =	vld.idx.msk [tilespmem:v24+s3+$0x0], $0xffff;
	[tilespmem:s18+$0x10] =	vst v23  }
0x68: {  	s7 =	sadd.s32 $0x100, s7;
	v28 =	vmov s21;
	s21 =	sand.u32 $0x3800, s15;
	v27 =	vadd.s32 v1, v12;
	v29 =	vmov s6;
	s6 =	sadd.s32 $0x6, s19;
	v30 =	vld.idx.msk [tilespmem:v18+s3+$0x0], $0xffff  }
0x69: {  	v12 =	vmov s22;
	s22 =	sadd.s32 $0xFFFFFF80, s7;
	v31 =	vadd.s32 v1, v11;
	v13 =	vmov s20;
	s20 =	sand.u32 $0x380, s7;
	s18 =	sadd.s32 $0xFFFFFF00, s15;
	v14 =	vld.idx.msk [tilespmem:v16+s3+$0x0], $0xffff  }
.Ltmp5:
0x6a: {  	v5 =	vand.u32 $0x400, v6;
	v15 =	vmov s6;
	s18 =	sand.u32 $0x3800, s18;
	v18 =	vadd.s32 v1, v9;
	s6 =	sor.u32 s20, s21;
	v16 =	vld.idx.msk [tilespmem:v21+s3+$0x0], $0xffff;
	(pc) =	sbr.rel @p4 .LBB2_4-.Ltmp5, $4  }
0x6b: {  	v11 =	vand.u32 $0x79, v26;
	v9 =	vand.u32 $0x7A, v28;
	s21 =	sand.u32 $0x300, s22;
	s22 =	sadd.s32 $0x6000, s18;
	v21 =	vadd.s32 v1, v10;
	v17 =	vld.idx.msk [tilespmem:v20+s3+$0x0], $0xffff;
	[tilespmem:s6+$0x6060] =	vst v8  }
0x6c: {  	v6 =	vand.u32 $0x7C, v13;
	v23 =	vadd.s32 v1, v19;
	v10 =	vand.u32 $0x7B, v29;
	s18 =	sor.u32 s21, s22;
	s20 =	sor.u32 s20, s22;
	[tilespmem:s6+$0x6020] =	vst v7;
	v20 =	vld.idx.msk [tilespmem:v22+s3+$0x0], $0xffff  }
0x6d: {  	v8 =	vand.u32 $0x7E, v15;
	v22 =	vand.u32 $0x7D, v12;
	[tilespmem:s18+$0x20] =	vst v24;
	v7 =	vld.idx.msk [tilespmem:v27+s3+$0x0], $0xffff;
	v24 =	vadd.s32 v1, v25  }
0x6e: {  	v19 =	vshll.u32 v29, $0x3;
	s21 =	sadd.s32 $0x7, s19;
	s19 =	sadd.s32 $0x8, s19;
	v27 =	vshll.u32 v26, $0x3;
	v26 =	vshll.u32 v28, $0x3;
	v25 =	vld.idx.msk [tilespmem:v31+s3+$0x0], $0xffff;
	[tilespmem:s18+$0x40] =	vst v30  }
0x6f: {  	v28 =	vmov s21  }
0x70: {  	v13 =	vshll.u32 v13, $0x3;
	v2 =	vadd.s32 v1, v2;
	v12 =	vshll.u32 v12, $0x3  }
0x71: {  	[tilespmem:s18+$0x60] =	vst v14;
	v15 =	vshll.u32 v15, $0x3;
	v44 =	vand.u32 $0x400, v27;
	v47 =	vand.u32 $0x400, v26  }
0x72: {  	[tilespmem:s20+$0x0] =	vst v16;
	v49 =	vand.u32 $0x400, v19;
	v29 =	vshll.u32 v28, $0x3;
	v11 =	vor.u32 v11, v44  }
0x73: {  	v18 =	vld.idx.msk [tilespmem:v18+s3+$0x0], $0xffff;
	[tilespmem:s18+$0x0] =	vst v3;
	v41 =	vand.u32 $0x7F, v28;
	v9 =	vor.u32 v9, v47;
	v3 =	vadd.s32 v0, v11  }
0x74: {  	v12 =	vand.u32 $0x400, v12;
	v43 =	vld.idx.msk [tilespmem:v21+s3+$0x0], $0xffff;
	[tilespmem:s6+$0x6040] =	vst v17;
	v10 =	vor.u32 v10, v49;
	v51 =	vadd.s32 v0, v9  }
0x75: {  	v13 =	vand.u32 $0x400, v13;
	v12 =	vor.u32 v22, v12;
	[tilespmem:s6+$0x6070] =	vst v20;
	v50 =	vld.idx.msk [tilespmem:v24+s3+$0x0], $0xffff;
	v17 =	vadd.s32 v0, v10  }
0x76: {  	v46 =	vld.idx.msk [tilespmem:v23+s3+$0x0], $0xffff;
	v52 =	vand.u32 $0x400, v15;
	v6 =	vor.u32 v6, v13;
	v48 =	vadd.s32 v0, v12;
	[tilespmem:s6+$0x6030] =	vst v7  }
0x77: {  	v42 =	vand.u32 $0x400, v29;
	v8 =	vor.u32 v8, v52;
	v53 =	vadd.s32 v0, v6;
	[tilespmem:s18+$0x30] =	vst v25;
	v2 =	vld.idx.msk [tilespmem:v2+s3+$0x0], $0xffff  }
0x78: {  	s15 =	sadd.s32 $0x200, s15;
	v14 =	vor.u32 v41, v42;
	v56 =	vadd.s32 v0, v8;
	[tilespmem:s18+$0x50] =	vst v18;
	v3 =	vld.idx.msk [tilespmem:v3+s3+$0x0], $0xffff  }
0x79: {  	v4 =	vor.u32 v4, v5;
	s7 =	sadd.s32 $0x100, s7;
	s22 =	sadd.s32 $0xFFFFFF00, s15;
	v45 =	vadd.s32 v0, v14;
	[tilespmem:s18+$0x70] =	vst v43;
	v59 =	vld.idx.msk [tilespmem:v51+s3+$0x0], $0xffff  }
0x7a: {  	v58 =	vadd.s32 v0, v4;
	s19 =	sand.u32 $0x380, s7;
	s7 =	sadd.s32 $0xFFFFFF80, s7;
	[tilespmem:s6+$0x6050] =	vst v50;
	v60 =	vld.idx.msk [tilespmem:v17+s3+$0x0], $0xffff;
	s6 =	sand.u32 $0x3800, s22  }
0x7b: {  	v9 =	vadd.s32 v1, v9;
	s7 =	sand.u32 $0x300, s7;
	[tilespmem:s20+$0x10] =	vst v46;
	v55 =	vld.idx.msk [tilespmem:v48+s3+$0x0], $0xffff;
	s6 =	sadd.s32 $0x6000, s6  }
0x7c: {  	v10 =	vadd.s32 v1, v10;
	v15 =	vld.idx.msk [tilespmem:v53+s3+$0x0], $0xffff;
	s7 =	sor.u32 s7, s6;
	[tilespmem:s18+$0x10] =	vst v2  }
0x7d: {  	v61 =	vld.idx.msk [tilespmem:v56+s3+$0x0], $0xffff;
	v2 =	vadd.s32 v1, v11;
	[tilespmem:s7+$0x20] =	vst v3  }
0x7e: {  	s15 =	sand.u32 $0x3800, s15;
	v6 =	vadd.s32 v1, v6;
	v54 =	vld.idx.msk [tilespmem:v45+s3+$0x0], $0xffff;
	[tilespmem:s7+$0x40] =	vst v59  }
0x7f: {  	s15 =	sor.u32 s19, s15;
	v62 =	vadd.s32 v1, v12;
	v3 =	vld.idx.msk [tilespmem:v58+s3+$0x0], $0xffff;
	[tilespmem:s7+$0x60] =	vst v60  }
0x80: {  	v57 =	vadd.s32 v1, v14;
	s6 =	sor.u32 s19, s6;
	[tilespmem:s15+$0x6020] =	vst v55;
	v9 =	vld.idx.msk [tilespmem:v9+s3+$0x0], $0xffff  }
0x81: {  	v8 =	vadd.s32 v1, v8;
	[tilespmem:s6+$0x0] =	vst v15;
	v10 =	vld.idx.msk [tilespmem:v10+s3+$0x0], $0xffff  }
0x82: {  	v4 =	vadd.s32 v1, v4;
	[tilespmem:s15+$0x6040] =	vst v61;
	v2 =	vld.idx.msk [tilespmem:v2+s3+$0x0], $0xffff  }
0x83: {  	[tilespmem:s15+$0x6060] =	vst v54;
	v6 =	vld.idx.msk [tilespmem:v6+s3+$0x0], $0xffff  }
0x84: {  	v63 =	vld.idx.msk [tilespmem:v62+s3+$0x0], $0xffff;
	[tilespmem:s7+$0x0] =	vst v3  }
0x85: {  	v5 =	vld.idx.msk [tilespmem:v57+s3+$0x0], $0xffff;
	[tilespmem:s7+$0x50] =	vst v9  }
0x86: {  	v3 =	vld.idx.msk [tilespmem:v8+s3+$0x0], $0xffff;
	[tilespmem:s7+$0x70] =	vst v10  }
0x87: {  	[tilespmem:s7+$0x30] =	vst v2;
	v2 =	vld.idx.msk [tilespmem:v4+s3+$0x0], $0xffff  }
0x88: {  	[tilespmem:s6+$0x10] =	vst v6  }
0x89: {  	[tilespmem:s15+$0x6030] =	vst v63  }
0x8a: {  	[tilespmem:s15+$0x6070] =	vst v5  }
0x8b: {  	[tilespmem:s15+$0x6050] =	vst v3;
	s15 =	sshll.u32 s14, $0xA  }
0x8c: {  	s18 =	simm.s32 $0x6000;
	s6 =	sadd.s32 s4, s15;
	[tilespmem:s7+$0x10] =	vst v2  }
0x8d: {  	[hbm4b:s6+s3] =	stream.linear.scatter [tilespmem:s18], [sflag:$0x3], $0x400, $0x38;
	[tilespmem:$0xE000] =	vst v63  }
0x8e: {  	s20 =	simm.s32 $0x6800;
	s19 =	sadd.s32 $0x80, s6  }
0x8f: {  	[hbm4b:s19+s3] =	stream.linear.scatter [tilespmem:s20], [sflag:$0x3], $0x400, $0x38;
	[tilespmem:$0xE000] =	vst v63  }
0x90: {  	s22 =	simm.s32 $0x7000;
	s21 =	sadd.s32 $0x100, s6  }
0x91: {  	[hbm4b:s21+s3] =	stream.linear.scatter [tilespmem:s22], [sflag:$0x3], $0x400, $0x38;
	[tilespmem:$0xE000] =	vst v63  }
0x92: {  	s15 =	sadd.s32 $0x180, s6;
	s18 =	simm.s32 $0x7800  }
0x93: {  	[hbm4b:s15+s3] =	stream.linear.scatter [tilespmem:s18], [sflag:$0x3], $0x400, $0x38;
	[tilespmem:$0xE000] =	vst v63  }
0x94: {  	s19 =	sadd.s32 $0x200, s6;
	s20 =	simm.s32 $0x8000  }
0x95: {  	[hbm4b:s19+s3] =	stream.linear.scatter [tilespmem:s20], [sflag:$0x3], $0x400, $0x38;
	[tilespmem:$0xE000] =	vst v63  }
0x96: {  	s21 =	sadd.s32 $0x280, s6  }
0x97: {  	[hbm4b:s21+s3] =	stream.linear.scatter [tilespmem:s23], [sflag:$0x3], $0x400, $0x38;
	[tilespmem:$0xE000] =	vst v63  }
0x98: {  	s22 =	sadd.s32 $0x300, s6  }
0x99: {  	[hbm4b:s22+s3] =	stream.linear.scatter [tilespmem:s24], [sflag:$0x3], $0x400, $0x38;
	[tilespmem:$0xE000] =	vst v63  }
0x9a: {  	s6 =	sadd.s32 $0x380, s6  }
0x9b: {  	[hbm4b:s6+s3] =	stream.linear.scatter [tilespmem:s25], [sflag:$0x3], $0x400, $0x38;
	[tilespmem:$0xE000] =	vst v63  }
.LBB2_6:
0x9c: {  	s6 =	sadd.s32 s11, s12  }
0x9d: {  	p4 =	sgt.u32 s6, $0xF41  }
0x9e: {  	s6 =	sshll.u32 @!p4 s6, $0x8  }
0x9f: {  	s7 =	simm.s32 @!p4 $0x0;
	s6 =	sadd.s32 @!p4 s1, s6  }
0xa0: {  	[tilespmem:s7], [sflag:$0x1] =	stream.linear.gather @!p4 [hbm4b:s6+s7], $0x800, $0x38;
	[tilespmem:$0xE000] =	vst v63  }
0xa1: {  	s14 =	simm.s32 @!p4 $0xC00;
	s12 =	sadd.s32 @!p4 $0xF4280, s6  }
0xa2: {  	[tilespmem:s14], [sflag:$0x1] =	stream.linear.gather @!p4 [hbm4b:s12+s7], $0x800, $0x38;
	[tilespmem:$0xE000] =	vst v63  }
0xa3: {  	s12 =	sadd.s32 @!p4 $0x1E8500, s6;
	s14 =	simm.s32 @!p4 $0x1800  }
0xa4: {  	[tilespmem:s14], [sflag:$0x1] =	stream.linear.gather @!p4 [hbm4b:s12+s7], $0x800, $0x38;
	[tilespmem:$0xE000] =	vst v63  }
0xa5: {  	s6 =	sadd.s32 @!p4 $0x2DC780, s6;
	s12 =	simm.s32 @!p4 $0x2400  }
0xa6: {  	[tilespmem:s12], [sflag:$0x1] =	stream.linear.gather @!p4 [hbm4b:s6+s7], $0x800, $0x38;
	[tilespmem:$0xE000] =	vst v63  }
.Ltmp6:
0xa7: {  	_ = 	snop;
	(pc) =	sbr.rel @p2 .LBB2_10-.Ltmp6, $4  }
0xa8: {  	s6 =	simm.s32 @!p3 $0x4  }
0xa9: {  	_ =	swait.ge @!p3 [sflag:s6], $0x2000  }
0xaa: {  	[sflag:s6] =	ssyncset.done @!p3 $0x0  }
0xab: {  	[sflag:s6] =	ssyncadd.s32 @!p3 $0xFFFFE000  }
0xac: {  	s6 =	simm.s32 $0x0;
	s21 =	simm.s32 $0x1;
	s7 =	simm.s32 $0x2  }
0xad: {  	s12 =	simm.s32 $0x3;
	s22 =	simm.s32 $0x4;
	s14 =	simm.s32 $0x5;
	v2 =	vmov s6;
	v4 =	vmov s21;
	v5 =	vmov s7  }
0xae: {  	s15 =	simm.s32 $0x6;
	s18 =	simm.s32 $0x7;
	v6 =	vmov s12;
	v7 =	vmov s22;
	v8 =	vmov s14  }
0xaf: {  	v9 =	vmov s15;
	v16 =	vmov s18;
	v3 =	vand.u32 $0x78, v2  }
0xb0: {  	v2 =	vshll.u32 v2, $0x3;
	v10 =	vand.u32 $0x79, v4;
	v11 =	vand.u32 $0x7A, v5  }
0xb1: {  	v12 =	vand.u32 $0x7B, v6;
	v13 =	vand.u32 $0x7C, v7;
	v14 =	vand.u32 $0x7D, v8  }
0xb2: {  	v15 =	vand.u32 $0x7E, v9;
	v4 =	vshll.u32 v4, $0x3;
	v5 =	vshll.u32 v5, $0x3  }
0xb3: {  	v6 =	vshll.u32 v6, $0x3;
	v7 =	vshll.u32 v7, $0x3;
	v8 =	vshll.u32 v8, $0x3  }
0xb4: {  	v9 =	vshll.u32 v9, $0x3;
	v17 =	vshll.u32 v16, $0x3;
	v2 =	vand.u32 $0x400, v2  }
0xb5: {  	v7 =	vand.u32 $0x400, v7;
	v2 =	vor.u32 v3, v2;
	v3 =	vand.u32 $0x7F, v16  }
0xb6: {  	v16 =	vand.u32 $0x400, v17;
	v7 =	vor.u32 v13, v7;
	v17 =	vadd.s32 v0, v2  }
0xb7: {  	v8 =	vand.u32 $0x400, v8;
	v16 =	vor.u32 v3, v16;
	v20 =	vadd.s32 v0, v7  }
0xb8: {  	_ =	swait.ge [sflag:s26], $0x2000;
	v8 =	vor.u32 v14, v8;
	v3 =	vand.u32 $0x400, v4;
	v4 =	vadd.s32 v0, v16  }
0xb9: {  	[sflag:s26] =	ssyncset.done $0x0;
	v10 =	vor.u32 v10, v3;
	v3 =	vand.u32 $0x400, v5;
	v5 =	vadd.s32 v0, v8  }
0xba: {  	[sflag:s26] =	ssyncadd.s32 $0xFFFFE000;
	v14 =	vadd.s32 v0, v10;
	v11 =	vor.u32 v11, v3;
	v3 =	vand.u32 $0x400, v6  }
0xbb: {  	v9 =	vand.u32 $0x400, v9;
	v6 =	vadd.s32 v0, v11;
	v19 =	vor.u32 v12, v3;
	v3 =	vld.idx.msk [tilespmem:v17+s28+$0x0], $0xffff  }
0xbc: {  	s20 =	simm.s32 $0x9;
	v24 =	vor.u32 v15, v9;
	v28 =	vadd.s32 v1, v16;
	v17 =	vadd.s32 v0, v19;
	v16 =	vld.idx.msk [tilespmem:v20+s28+$0x0], $0xffff  }
0xbd: {  	s21 =	simm.s32 $0xA;
	v26 =	vmov s20;
	s22 =	simm.s32 $0xB;
	s15 =	simm.s32 $0xC;
	v23 =	vadd.s32 v0, v24;
	v22 =	vld.idx.msk [tilespmem:v4+s28+$0x0], $0xffff  }
0xbe: {  	s14 =	simm.s32 $0xE;
	v29 =	vmov s21;
	v30 =	vmov s22;
	v13 =	vmov s15;
	v25 =	vld.idx.msk [tilespmem:v5+s28+$0x0], $0xffff  }
0xbf: {  	s19 =	simm.s32 $0x8;
	s12 =	simm.s32 $0x100;
	s7 =	simm.s32 $0x80;
	v15 =	vmov s14;
	v9 =	vand.u32 $0x7A, v29;
	v32 =	vadd.s32 v1, v8;
	v27 =	vld.idx.msk [tilespmem:v14+s28+$0x0], $0xffff  }
0xc0: {  	s20 =	sand.u32 $0x3800, s12;
	s15 =	sand.u32 $0x380, s7;
	v24 =	vadd.s32 v1, v24;
	v33 =	vadd.s32 v1, v10;
	v12 =	vmov s19;
	s19 =	simm.s32 $0x0;
	v31 =	vld.idx.msk [tilespmem:v6+s28+$0x0], $0xffff  }
0xc1: {  	s6 =	sor.u32 s15, s20;
	v8 =	vand.u32 $0x7E, v15;
	v10 =	vand.u32 $0x7B, v30;
	v18 =	vadd.s32 v1, v11;
	s14 =	sand.u32 $0x3800, s19;
	s19 =	simm.s32 $0x0;
	v14 =	vld.idx.msk [tilespmem:v17+s28+$0x0], $0xffff  }
0xc2: {  	v11 =	vand.u32 $0x79, v26;
	v21 =	vadd.s32 v1, v19;
	s21 =	sand.u32 $0x300, s19;
	s22 =	sadd.s32 $0xA000, s14;
	v19 =	vshll.u32 v30, $0x3;
	v17 =	vld.idx.msk [tilespmem:v23+s28+$0x0], $0xffff;
	[tilespmem:s6+$0xA060] =	vst v22  }
0xc3: {  	s18 =	simm.s32 $0xD;
	v4 =	vand.u32 $0x78, v12;
	v5 =	vshll.u32 v12, $0x3;
	s14 =	sor.u32 s21, s22;
	v23 =	vadd.s32 v1, v7;
	[tilespmem:s6+$0xA020] =	vst v25;
	v20 =	vld.idx.msk [tilespmem:v28+s28+$0x0], $0xffff  }
0xc4: {  	v12 =	vmov s18;
	v5 =	vand.u32 $0x400, v5;
	v6 =	vand.u32 $0x7C, v13;
	[tilespmem:s14+$0x20] =	vst v27;
	v7 =	vld.idx.msk [tilespmem:v32+s28+$0x0], $0xffff  }
0xc5: {  	s19 =	simm.s32 $0xF;
	s18 =	sor.u32 s15, s22;
	s15 =	simm.s32 $0x10;
	v22 =	vand.u32 $0x7D, v12;
	v27 =	vshll.u32 v26, $0x3;
	v26 =	vshll.u32 v29, $0x3;
	v25 =	vld.idx.msk [tilespmem:v33+s28+$0x0], $0xffff;
	[tilespmem:s14+$0x40] =	vst v31  }
.LBB2_8:
0xc6: {  	p2 =	slt.u32 s15, $0xF8;
	v13 =	vshll.u32 v13, $0x3;
	v28 =	vmov s19;
	v29 =	vadd.s32 v1, v2;
	v18 =	vld.idx.msk [tilespmem:v18+s28+$0x0], $0xffff;
	[tilespmem:s14+$0x60] =	vst v14  }
0xc7: {  	v12 =	vshll.u32 v12, $0x3;
	v14 =	vshll.u32 v15, $0x3;
	v15 =	vshll.u32 v28, $0x3;
	v21 =	vld.idx.msk [tilespmem:v21+s28+$0x0], $0xffff;
	[tilespmem:s18+$0x0] =	vst v16  }
0xc8: {  	v2 =	vor.u32 v4, v5;
	v4 =	vand.u32 $0x7F, v28;
	v5 =	vand.u32 $0x400, v15;
	v15 =	vld.idx.msk [tilespmem:v23+s28+$0x0], $0xffff;
	[tilespmem:s6+$0xA040] =	vst v17  }
0xc9: {  	v16 =	vadd.s32 v0, v2;
	v12 =	vand.u32 $0x400, v12;
	v5 =	vor.u32 v4, v5;
	v17 =	vld.idx.msk [tilespmem:v24+s28+$0x0], $0xffff;
	[tilespmem:s6+$0xA070] =	vst v20  }
0xca: {  	v12 =	vor.u32 v22, v12;
	v4 =	vand.u32 $0x400, v27;
	v20 =	vadd.s32 v0, v5;
	[tilespmem:s14+$0x0] =	vst v3  }
0xcb: {  	v22 =	vadd.s32 v0, v12;
	v11 =	vor.u32 v11, v4;
	v3 =	vand.u32 $0x400, v26;
	v23 =	vld.idx.msk [tilespmem:v29+s28+$0x0], $0xffff;
	[tilespmem:s14+$0x30] =	vst v25  }
0xcc: {  	v24 =	vadd.s32 v0, v11;
	v9 =	vor.u32 v9, v3;
	v3 =	vand.u32 $0x400, v19;
	[tilespmem:s14+$0x50] =	vst v18  }
0xcd: {  	v4 =	vand.u32 $0x400, v13;
	v18 =	vadd.s32 v0, v9;
	v10 =	vor.u32 v10, v3;
	[tilespmem:s14+$0x70] =	vst v21  }
0xce: {  	v19 =	vor.u32 v6, v4;
	v4 =	vand.u32 $0x400, v14;
	v3 =	vld.idx.msk [tilespmem:v16+s28+$0x0], $0xffff;
	v16 =	vadd.s32 v0, v10;
	[tilespmem:s18+$0x10] =	vst v15  }
0xcf: {  	v6 =	vmov s15;
	v25 =	vor.u32 v8, v4;
	v21 =	vadd.s32 v0, v19;
	v8 =	vld.idx.msk [tilespmem:v20+s28+$0x0], $0xffff;
	[tilespmem:s6+$0xA030] =	vst v7  }
0xd0: {  	s19 =	sadd.s32 $0x2, s15;
	s20 =	sadd.s32 $0x5, s15;
	v4 =	vand.u32 $0x78, v6;
	s18 =	sadd.s32 $0x1, s15;
	v20 =	vadd.s32 v0, v25;
	v7 =	vld.idx.msk [tilespmem:v22+s28+$0x0], $0xffff;
	[tilespmem:s6+$0xA050] =	vst v17  }
0xd1: {  	s12 =	sadd.s32 $0x200, s12;
	v6 =	vshll.u32 v6, $0x3;
	v26 =	vmov s18;
	s18 =	sadd.s32 $0x4, s15;
	s6 =	sadd.s32 $0x3, s15;
	v22 =	vadd.s32 v1, v5;
	v24 =	vld.idx.msk [tilespmem:v24+s28+$0x0], $0xffff;
	[tilespmem:s14+$0x10] =	vst v23  }
0xd2: {  	s7 =	sadd.s32 $0x100, s7;
	v28 =	vmov s19;
	s19 =	sand.u32 $0x3800, s12;
	v27 =	vadd.s32 v1, v12;
	v29 =	vmov s6;
	s6 =	sadd.s32 $0x6, s15;
	v30 =	vld.idx.msk [tilespmem:v18+s28+$0x0], $0xffff  }
0xd3: {  	v12 =	vmov s20;
	s20 =	sadd.s32 $0xFFFFFF80, s7;
	v31 =	vadd.s32 v1, v11;
	v13 =	vmov s18;
	s18 =	sand.u32 $0x380, s7;
	s14 =	sadd.s32 $0xFFFFFF00, s12;
	v14 =	vld.idx.msk [tilespmem:v16+s28+$0x0], $0xffff  }
.Ltmp7:
0xd4: {  	v5 =	vand.u32 $0x400, v6;
	v15 =	vmov s6;
	s14 =	sand.u32 $0x3800, s14;
	v18 =	vadd.s32 v1, v9;
	s6 =	sor.u32 s18, s19;
	v16 =	vld.idx.msk [tilespmem:v21+s28+$0x0], $0xffff;
	(pc) =	sbr.rel @p2 .LBB2_8-.Ltmp7, $4  }
0xd5: {  	v11 =	vand.u32 $0x79, v26;
	v9 =	vand.u32 $0x7A, v28;
	s19 =	sand.u32 $0x300, s20;
	s20 =	sadd.s32 $0xA000, s14;
	v21 =	vadd.s32 v1, v10;
	v17 =	vld.idx.msk [tilespmem:v20+s28+$0x0], $0xffff;
	[tilespmem:s6+$0xA060] =	vst v8  }
0xd6: {  	v6 =	vand.u32 $0x7C, v13;
	v23 =	vadd.s32 v1, v19;
	v10 =	vand.u32 $0x7B, v29;
	s14 =	sor.u32 s19, s20;
	s18 =	sor.u32 s18, s20;
	[tilespmem:s6+$0xA020] =	vst v7;
	v20 =	vld.idx.msk [tilespmem:v22+s28+$0x0], $0xffff  }
0xd7: {  	v8 =	vand.u32 $0x7E, v15;
	v22 =	vand.u32 $0x7D, v12;
	[tilespmem:s14+$0x20] =	vst v24;
	v7 =	vld.idx.msk [tilespmem:v27+s28+$0x0], $0xffff;
	v24 =	vadd.s32 v1, v25  }
0xd8: {  	v19 =	vshll.u32 v29, $0x3;
	s19 =	sadd.s32 $0x7, s15;
	s15 =	sadd.s32 $0x8, s15;
	v27 =	vshll.u32 v26, $0x3;
	v26 =	vshll.u32 v28, $0x3;
	v25 =	vld.idx.msk [tilespmem:v31+s28+$0x0], $0xffff;
	[tilespmem:s14+$0x40] =	vst v30  }
0xd9: {  	v28 =	vmov s19  }
0xda: {  	v13 =	vshll.u32 v13, $0x3;
	v2 =	vadd.s32 v1, v2;
	v12 =	vshll.u32 v12, $0x3  }
0xdb: {  	[tilespmem:s14+$0x60] =	vst v14;
	v15 =	vshll.u32 v15, $0x3;
	v44 =	vand.u32 $0x400, v27;
	v47 =	vand.u32 $0x400, v26  }
0xdc: {  	[tilespmem:s18+$0x0] =	vst v16;
	v49 =	vand.u32 $0x400, v19;
	v29 =	vshll.u32 v28, $0x3;
	v11 =	vor.u32 v11, v44  }
0xdd: {  	v18 =	vld.idx.msk [tilespmem:v18+s28+$0x0], $0xffff;
	[tilespmem:s14+$0x0] =	vst v3;
	v41 =	vand.u32 $0x7F, v28;
	v9 =	vor.u32 v9, v47;
	v3 =	vadd.s32 v0, v11  }
0xde: {  	v12 =	vand.u32 $0x400, v12;
	v43 =	vld.idx.msk [tilespmem:v21+s28+$0x0], $0xffff;
	[tilespmem:s6+$0xA040] =	vst v17;
	v10 =	vor.u32 v10, v49;
	v51 =	vadd.s32 v0, v9  }
0xdf: {  	v13 =	vand.u32 $0x400, v13;
	v12 =	vor.u32 v22, v12;
	[tilespmem:s6+$0xA070] =	vst v20;
	v50 =	vld.idx.msk [tilespmem:v24+s28+$0x0], $0xffff;
	v17 =	vadd.s32 v0, v10  }
0xe0: {  	v46 =	vld.idx.msk [tilespmem:v23+s28+$0x0], $0xffff;
	v52 =	vand.u32 $0x400, v15;
	v6 =	vor.u32 v6, v13;
	v48 =	vadd.s32 v0, v12;
	[tilespmem:s6+$0xA030] =	vst v7  }
0xe1: {  	v42 =	vand.u32 $0x400, v29;
	v8 =	vor.u32 v8, v52;
	v53 =	vadd.s32 v0, v6;
	[tilespmem:s14+$0x30] =	vst v25;
	v2 =	vld.idx.msk [tilespmem:v2+s28+$0x0], $0xffff  }
0xe2: {  	s12 =	sadd.s32 $0x200, s12;
	v14 =	vor.u32 v41, v42;
	v56 =	vadd.s32 v0, v8;
	[tilespmem:s14+$0x50] =	vst v18;
	v3 =	vld.idx.msk [tilespmem:v3+s28+$0x0], $0xffff  }
0xe3: {  	v4 =	vor.u32 v4, v5;
	s7 =	sadd.s32 $0x100, s7;
	s22 =	sadd.s32 $0xFFFFFF00, s12;
	v45 =	vadd.s32 v0, v14;
	[tilespmem:s14+$0x70] =	vst v43;
	v59 =	vld.idx.msk [tilespmem:v51+s28+$0x0], $0xffff  }
0xe4: {  	v58 =	vadd.s32 v0, v4;
	s15 =	sand.u32 $0x380, s7;
	s7 =	sadd.s32 $0xFFFFFF80, s7;
	[tilespmem:s6+$0xA050] =	vst v50;
	v60 =	vld.idx.msk [tilespmem:v17+s28+$0x0], $0xffff;
	s6 =	sand.u32 $0x3800, s22  }
0xe5: {  	v9 =	vadd.s32 v1, v9;
	s7 =	sand.u32 $0x300, s7;
	[tilespmem:s18+$0x10] =	vst v46;
	v55 =	vld.idx.msk [tilespmem:v48+s28+$0x0], $0xffff;
	s6 =	sadd.s32 $0xA000, s6  }
0xe6: {  	v10 =	vadd.s32 v1, v10;
	v15 =	vld.idx.msk [tilespmem:v53+s28+$0x0], $0xffff;
	s7 =	sor.u32 s7, s6;
	[tilespmem:s14+$0x10] =	vst v2  }
0xe7: {  	v61 =	vld.idx.msk [tilespmem:v56+s28+$0x0], $0xffff;
	v2 =	vadd.s32 v1, v11;
	[tilespmem:s7+$0x20] =	vst v3  }
0xe8: {  	s12 =	sand.u32 $0x3800, s12;
	v6 =	vadd.s32 v1, v6;
	v54 =	vld.idx.msk [tilespmem:v45+s28+$0x0], $0xffff;
	[tilespmem:s7+$0x40] =	vst v59  }
0xe9: {  	s12 =	sor.u32 s15, s12;
	v62 =	vadd.s32 v1, v12;
	v3 =	vld.idx.msk [tilespmem:v58+s28+$0x0], $0xffff;
	[tilespmem:s7+$0x60] =	vst v60  }
0xea: {  	v57 =	vadd.s32 v1, v14;
	s6 =	sor.u32 s15, s6;
	[tilespmem:s12+$0xA020] =	vst v55;
	v9 =	vld.idx.msk [tilespmem:v9+s28+$0x0], $0xffff  }
0xeb: {  	v8 =	vadd.s32 v1, v8;
	[tilespmem:s6+$0x0] =	vst v15;
	v10 =	vld.idx.msk [tilespmem:v10+s28+$0x0], $0xffff  }
0xec: {  	v4 =	vadd.s32 v1, v4;
	[tilespmem:s12+$0xA040] =	vst v61;
	v2 =	vld.idx.msk [tilespmem:v2+s28+$0x0], $0xffff  }
0xed: {  	[tilespmem:s12+$0xA060] =	vst v54;
	v6 =	vld.idx.msk [tilespmem:v6+s28+$0x0], $0xffff  }
0xee: {  	v63 =	vld.idx.msk [tilespmem:v62+s28+$0x0], $0xffff;
	[tilespmem:s7+$0x0] =	vst v3  }
0xef: {  	v5 =	vld.idx.msk [tilespmem:v57+s28+$0x0], $0xffff;
	[tilespmem:s7+$0x50] =	vst v9  }
0xf0: {  	v3 =	vld.idx.msk [tilespmem:v8+s28+$0x0], $0xffff;
	[tilespmem:s7+$0x70] =	vst v10  }
0xf1: {  	[tilespmem:s7+$0x30] =	vst v2;
	v2 =	vld.idx.msk [tilespmem:v4+s28+$0x0], $0xffff  }
0xf2: {  	[tilespmem:s6+$0x10] =	vst v6  }
0xf3: {  	[tilespmem:s12+$0xA030] =	vst v63  }
0xf4: {  	[tilespmem:s12+$0xA070] =	vst v5  }
0xf5: {  	s14 =	sshll.u32 s9, $0xA;
	[tilespmem:s12+$0xA050] =	vst v3  }
0xf6: {  	s6 =	sadd.s32 s4, s14;
	[tilespmem:s7+$0x10] =	vst v2  }
0xf7: {  	[hbm4b:s6+s3] =	stream.linear.scatter [tilespmem:s29], [sflag:$0x4], $0x400, $0x38;
	[tilespmem:$0xE000] =	vst v63  }
0xf8: {  	s15 =	sadd.s32 $0x80, s6  }
0xf9: {  	[hbm4b:s15+s3] =	stream.linear.scatter [tilespmem:s30], [sflag:$0x4], $0x400, $0x38;
	[tilespmem:$0xE000] =	vst v63  }
0xfa: {  	s18 =	sadd.s32 $0x100, s6  }
0xfb: {  	[hbm4b:s18+s3] =	stream.linear.scatter [tilespmem:s31], [sflag:$0x4], $0x400, $0x38;
	[tilespmem:$0xE000] =	vst v63  }
0xfc: {  	s19 =	sadd.s32 $0x180, s6  }
0xfd: {  	[hbm4b:s19+s3] =	stream.linear.scatter [tilespmem:s0], [sflag:$0x4], $0x400, $0x38;
	[tilespmem:$0xE000] =	vst v63  }
0xfe: {  	s20 =	sadd.s32 $0x200, s6  }
0xff: {  	[hbm4b:s20+s3] =	stream.linear.scatter [tilespmem:s2], [sflag:$0x4], $0x400, $0x38;
	[tilespmem:$0xE000] =	vst v63  }
0x100: {  	s21 =	sadd.s32 $0x280, s6  }
0x101: {  	[hbm4b:s21+s3] =	stream.linear.scatter [tilespmem:s10], [sflag:$0x4], $0x400, $0x38;
	[tilespmem:$0xE000] =	vst v63  }
.Ltmp8:
0x102: {  	_ = 	snop;
	(pc) =	sbr.rel .LBB2_10-.Ltmp8, $4  }
0x103: {  	s22 =	sadd.s32 $0x300, s6  }
0x104: {  	[hbm4b:s22+s3] =	stream.linear.scatter [tilespmem:s13], [sflag:$0x4], $0x400, $0x38;
	[tilespmem:$0xE000] =	vst v63  }
0x105: {  	s6 =	sadd.s32 $0x380, s6  }
0x106: {  	[hbm4b:s6+s3] =	stream.linear.scatter [tilespmem:s16], [sflag:$0x4], $0x400, $0x38;
	[tilespmem:$0xE000] =	vst v63  }
.LBB2_12:
0x107: {  	_ =	sfence.sel $0x180000  }
0x108: {  	[bflag:$0x0] =	sbarrier.arrive $0xFFFF  }
0x109: {  	_ =	strace $0x90000047  }
0x10a: {  	[bflag:$0x2] =	sbarrier.arrive $0xFFFF  }
0x10b: {  	s0 =	rddreg [dreg:$0x3]  }
0x10c: {  	s0 =	sadd.s32 @!p1 $0x100000, s0  }
0x10d: {  	[sflag:s0] =	ssyncadd.tile.s32 @!p1 $0x1;
	_ =	shalt  }
.Lfunc_end2:
_tile_overlayer_lowered:
.L_overlay_start_2:
0x10e: {  	(tag) =	ssettag $0x2  }
0x10f: {  	s0 =	rddreg [dreg:$0x0];
	s2 =	stileid.u32  }
0x110: {  	s1 =	rddreg [dreg:$0x1];
	p0 =	sne.s32 s2, $0x0  }
0x111: {  	s3 =	rddreg [dreg:$0x2];
	[bflag:$0x3] =	sbarrier.arrive $0xFFFF;
	s2 =	simm.s32 @!p0 $0x1C05  }
0x112: {  	[timem:s3], [sflag:s2] =	dma.local @!p0 [hbm:s0], s1  }
0x113: {  	s0 =	simm.s32 @!p0 $0x5  }
0x114: {  	_ =	swait.ge @!p0 [sflag:s0], s1  }
0x115: {  	s1 =	ssub.s32 @!p0 $0x0, s1;
	[sflag:s0] =	ssyncset.done @!p0 $0x0  }
0x116: {  	[sflag:s0] =	ssyncadd.s32 @!p0 s1  }
0x117: {  	[bflag:$0x3] =	sbarrier.arrive $0xFFFF  }
0x118: {  	_ =	shalt  }

// kernel: kernel.7.cloned.1.call-start
scs
__scs_entry_jumppad:
0x0: {  	(pc) =	sbr.rel $0x88, $3  }
0x1: {  	(tag) =	ssettag $0x0;
	lr =	simm.s32 $0x1  }
0x2: {  	[smem:$0x3F9E] =	sst lr;
	_ =	strace $0xD0000000  }
0x3: {  	_ = 	snop  }
0x4: {  	_ = 	snop  }
0x5: {  	_ = 	snop  }
0x6: {  	_ = 	snop  }
0x7: {  	_ = 	snop  }
__scs_overlays_trampoline_lowered:
0x8: {  	[smem:$0x3FAD] =	sst s0  }
0x9: {  	[smem:$0x3FAE] =	sst s1  }
0xa: {  	[smem:$0x3FAF] =	sst s2  }
0xb: {  	[smem:$0x3FB0] =	sst s3  }
0xc: {  	[smem:$0x3FB1] =	sst s4  }
0xd: {  	[smem:$0x3FB2] =	sst s5  }
0xe: {  	[smem:$0x3FB3] =	sst s6  }
0xf: {  	[smem:$0x3FB4] =	sst s7  }
0x10: {  	[smem:$0x3FB5] =	sst s8  }
0x11: {  	[smem:$0x3FB6] =	sst s9;
	s0 =	simm.s32 @!p0 $0x0  }
0x12: {  	s1 =	sld [smem:$0x3F9C];
	s0 =	simm.s32 @p0 $0x1  }
0x13: {  	[smem:$0x3FB7] =	sst s0;
	s0 =	simm.s32 @!p1 $0x0  }
0x14: {  	s2 =	sld [smem:$0x3F9B];
	s0 =	simm.s32 @p1 $0x1  }
0x15: {  	[smem:$0x3FB8] =	sst s0;
	s0 =	simm.s32 @!p2 $0x0  }
0x16: {  	s3 =	sld [smem:$0x3FDB];
	s0 =	simm.s32 @p2 $0x1  }
0x17: {  	s4 =	simm.s32 $0x1BF5;
	[smem:$0x3FBA] =	sst s0  }
0x18: {  	s0 =	sld [smem:$0x3F9D];
	_ =	swait.ge [sflag:s4], $0x0  }
0x19: {  	s7 =	sld [smem:$0x3F9E]  }
0x1a: {  	s8 =	sadd.s32 $0xFFFFE003, lr  }
0x1b: {  	s9 =	sadd.s32 $0xFFFFFEF7, lr;
	s5 =	simm.s32 $0xFFFFFFFF;
	p2 =	slt.u32 s8, $0xFFFFF086  }
0x1c: {  	p1 =	slt.u32 s9, $0xF7A;
	s5 =	simm.s32 @!p2 $0x0  }
0x1d: {  	s5 =	simm.s32 @p1 $0x1;
	p0 =	seq.s32 s7, s2  }
0x1e: {  	s7 =	smul.u32 @!p0 $0xF7A, s2;
	p2 =	seq.s32 @!p0 s5, $0x0  }
0x1f: {  	s9 =	smul.u32 $0xF7A, s1;
	s8 =	simm.s32 @!p0 $0x1BF5;
	p2 =	por !p2, p0  }
0x20: {  	[sflag:s8] =	ssyncset.s32 @!p0 $0xFFFFF086;
	s6 =	sadd.s32 @!p0 s3, s7;
	s7 =	simm.s32 @!p0 $0x108  }
0x21: {  	s3 =	sadd.s32 s3, s9;
	s6 =	sadd.s32 @!p0 $0x88, s6;
	s7 =	simm.s32 @p2 $0x1082  }
0x22: {  	[simem:s7], [sflag:s8] =	dma.local @!p0 [hbm:s6], $0xF7A  }
0x23: {  	s9 =	sor.u32 $0xD0000000, s2;
	s6 =	simm.s32 $0x108;
	_ =	swait.ge @!p0 [sflag:s8], $0x0  }
0x24: {  	s3 =	sadd.s32 $0x88, s3;
	s6 =	simm.s32 @!p1 $0x1082;
	[sflag:s4] =	ssyncset.s32 $0xFFFFF086  }
0x25: {  	[simem:s6], [sflag:s4] =	dma.local [hbm:s3], $0xF7A  }
0x26: {  	[smem:$0x3F9E] =	sst s1;
	(tag) =	ssettag s2;
	_ =	strace s9  }
0x27: {  	s1 =	sld [smem:$0x3FAE]  }
0x28: {  	s2 =	sld [smem:$0x3FAF]  }
0x29: {  	s4 =	sld [smem:$0x3FB1]  }
0x2a: {  	p0 =	seq.s32 s5, $0x0;
	s5 =	sld [smem:$0x3FB2]  }
0x2b: {  	s6 =	sld [smem:$0x3FB3]  }
0x2c: {  	s7 =	sld [smem:$0x3FB4]  }
0x2d: {  	s3 =	simm.s32 $0x108;
	s8 =	sld [smem:$0x3FB5]  }
0x2e: {  	s3 =	simm.s32 @!p0 $0x1082;
	s9 =	sld [smem:$0x3FB6]  }
0x2f: {  	lr =	sadd.s32 s0, s3;
	s0 =	sld [smem:$0x3FAD]  }
0x30: {  	s3 =	sld [smem:$0x3FB0]  }
0x31: {  	[smem:$0x3FB9] =	sst s10  }
0x32: {  	s10 =	sld [smem:$0x3FB7];
	_ =	sdelay $0x3  }
0x33: {  	p0 =	seq.s32 s10, $0x1;
	s10 =	sld [smem:$0x3FB9];
	_ =	sdelay $0x3  }
0x34: {  	[smem:$0x3FB9] =	sst s10  }
0x35: {  	s10 =	sld [smem:$0x3FB8];
	_ =	sdelay $0x3  }
0x36: {  	p1 =	seq.s32 s10, $0x1;
	s10 =	sld [smem:$0x3FB9];
	_ =	sdelay $0x3  }
0x37: {  	[smem:$0x3FB9] =	sst s10  }
0x38: {  	s10 =	sld [smem:$0x3FBA]  }
0x39: {  	_ = 	snop;
	(pc) =	sbr.ind lr, $3  }
0x3a: {  	_ = 	snop  }
0x3b: {  	_ = 	snop  }
0x3c: {  	p2 =	seq.s32 s10, $0x1;
	s10 =	sld [smem:$0x3FB9]  }
0x3d: {  	_ =	shalt  }
0x3e: {  	_ =	shalt  }
0x3f: {  	_ =	shalt  }
0x40: {  	_ =	shalt  }
0x41: {  	_ =	shalt  }
0x42: {  	_ =	shalt  }
0x43: {  	_ =	shalt  }
0x44: {  	_ =	shalt  }
0x45: {  	_ =	shalt  }
0x46: {  	_ =	shalt  }
0x47: {  	_ =	shalt  }
0x48: {  	_ =	shalt  }
0x49: {  	_ =	shalt  }
0x4a: {  	_ =	shalt  }
0x4b: {  	_ =	shalt  }
0x4c: {  	_ =	shalt  }
0x4d: {  	_ =	shalt  }
0x4e: {  	_ =	shalt  }
0x4f: {  	_ =	shalt  }
0x50: {  	_ =	shalt  }
0x51: {  	_ =	shalt  }
0x52: {  	_ =	shalt  }
0x53: {  	_ =	shalt  }
0x54: {  	_ =	shalt  }
0x55: {  	_ =	shalt  }
0x56: {  	_ =	shalt  }
0x57: {  	_ =	shalt  }
0x58: {  	_ =	shalt  }
0x59: {  	_ =	shalt  }
0x5a: {  	_ =	shalt  }
0x5b: {  	_ =	shalt  }
0x5c: {  	_ =	shalt  }
0x5d: {  	_ =	shalt  }
0x5e: {  	_ =	shalt  }
0x5f: {  	_ =	shalt  }
0x60: {  	_ =	shalt  }
0x61: {  	_ =	shalt  }
0x62: {  	_ =	shalt  }
0x63: {  	_ =	shalt  }
0x64: {  	_ =	shalt  }
0x65: {  	_ =	shalt  }
0x66: {  	_ =	shalt  }
0x67: {  	_ =	shalt  }
0x68: {  	_ =	shalt  }
0x69: {  	_ =	shalt  }
0x6a: {  	_ =	shalt  }
0x6b: {  	_ =	shalt  }
0x6c: {  	_ =	shalt  }
0x6d: {  	_ =	shalt  }
0x6e: {  	_ =	shalt  }
0x6f: {  	_ =	shalt  }
0x70: {  	_ =	shalt  }
0x71: {  	_ =	shalt  }
0x72: {  	_ =	shalt  }
0x73: {  	_ =	shalt  }
0x74: {  	_ =	shalt  }
0x75: {  	_ =	shalt  }
0x76: {  	_ =	shalt  }
0x77: {  	_ =	shalt  }
0x78: {  	_ =	shalt  }
0x79: {  	_ =	shalt  }
0x7a: {  	_ =	shalt  }
0x7b: {  	_ =	shalt  }
0x7c: {  	_ =	shalt  }
0x7d: {  	_ =	shalt  }
0x7e: {  	_ =	shalt  }
0x7f: {  	_ =	shalt  }
0x80: {  	_ =	shalt  }
0x81: {  	_ =	shalt  }
0x82: {  	_ =	shalt  }
0x83: {  	_ =	shalt  }
0x84: {  	_ =	shalt  }
0x85: {  	_ =	shalt  }
0x86: {  	_ =	shalt  }
0x87: {  	_ =	shalt  }
.Lfunc_end0:
.L_simem_size_0:
called_computation.1_lowered:
.L_overlay_start_0:
0x88: {  	s2 =	sld [smem:$0x3FD9]  }
0x89: {  	s3 =	sld [smem:$0x3FFE];
	_ =	sdelay $0x1  }
0x8a: {  	s1 =	srdreg.scid  }
0x8b: {  	s0 =	sand.u32 $0x1, s1  }
0x8c: {  	s17 =	sshll.u32 s0, $0xA;
	s2 =	sadd.s32 s3, s2  }
0x8d: {  	s2 =	sadd.s32 s2, s17  }
0x8e: {  	[smem:$0x3FC5] =	sst s2  }
0x8f: {  	_ = 	snop  }
0x90: {  	s2 =	sld [smem:$0x3FC9]  }
0x91: {  	s18 =	sld [smem:$0x3FD0];
	(tm) =	ssettm $0x1  }
0x92: {  	s4 =	sld [smem:$0x3FFB];
	_ =	sdelay $0x3  }
0x93: {  	_ =	strace s4  }
0x94: {  	s4 =	sld [smem:$0x3FFC];
	_ =	sdelay $0x3  }
0x95: {  	_ =	strace s4  }
0x96: {  	s4 =	sld [smem:$0x3FFD];
	_ =	sdelay $0x3  }
0x97: {  	_ =	strace s4  }
0x98: {  	_ =	strace $0x8FFFFFFF  }
0x99: {  	s19 =	sld [smem:$0x3FDB];
	_ =	sdelay $0x1  }
0x9a: {  	s5 =	simm.s32 $_scs_section_size  }
0x9b: {  	s6 =	simm.s32 $_size__tile_overlayer_lowered;
	s7 =	simm.s32 $_tile_overlayer_lowered  }
0x9c: {  	s22 =	simm.s32 $0x1BFF;
	s21 =	sshll.u32 s7, $0x1;
	s4 =	sadd.s32 s5, s19  }
0x9d: {  	s8 =	simm.s32 $0x0;
	s20 =	sshll.u32 s6, $0x1;
	s6 =	sadd.s32 s21, s4  }
0x9e: {  	[timem:s8], [sflag:s22] =	dma.local [hbm:s6], s20  }
0x9f: {  	_ =	swait.ge [sflag:s22], s20  }
0xa0: {  	s5 =	ssub.s32 $0x0, s20;
	[sflag:s22] =	ssyncset.done $0x0  }
0xa1: {  	[sflag:s22] =	ssyncadd.s32 s5;
	_ =	sdelay $0x1  }
0xa2: {  	s23 =	simm.s32 $0x1B8B  }
0xa3: {  	_ =	swait.ge [sflag:s23], $0x1  }
0xa4: {  	[sflag:s23] =	ssyncset.done $0x0  }
0xa5: {  	s25 =	simm.s32 $0x1B8E;
	s24 =	sld [smem:$0x3FFE];
	[sflag:s23] =	ssyncadd.s32 $0xFFFFFFFF  }
0xa6: {  	s26 =	simm.s32 $execute0_lowered;
	[smem:$0x3FD2] =	sst s25  }
0xa7: {  	s6 =	sshll.u32 s26, $0x1;
	_ =	strace $0x80000049;
	[dreg:$0x1] =	wrdreg $0xFFFFFFFF  }
0xa8: {  	s28 =	simm.s32 $_size_execute0_lowered;
	s4 =	sadd.s32 s4, s6;
	[dreg:$0x0] =	wrdreg $0x0  }
0xa9: {  	s6 =	sshll.u32 s28, $0x1;
	[dreg:$0x2] =	wrdreg s4  }
0xaa: {  	[dreg:$0x3] =	wrdreg s6  }
0xab: {  	[dreg:$0x4] =	wrdreg $0xC0  }
0xac: {  	_ =	task [dreg:s8], $0x5FFFF  }
0xad: {  	[dreg:$0x1] =	wrdreg $0xFFFFFFFF  }
0xae: {  	[dreg:$0x0] =	wrdreg $0x60  }
0xaf: {  	[dreg:$0x2] =	wrdreg s2  }
0xb0: {  	[dreg:$0x3] =	wrdreg s24  }
0xb1: {  	[dreg:$0x4] =	wrdreg s18  }
0xb2: {  	[dreg:$0x5] =	wrdreg $0x9  }
0xb3: {  	_ =	task.clear_ibuf [dreg:s8], $0x6FFFF;
	_ =	strace $0x90000049  }
0xb4: {  	s29 =	simm.s32 $0x9;
	_ =	strace $0x8000004B  }
0xb5: {  	_ =	swait.ge [sflag:s29], $0x1  }
0xb6: {  	[sflag:s29] =	ssyncadd.s32 $0xFFFFFFFF  }
0xb7: {  	_ =	strace $0x9000004B  }
0xb8: {  	_ =	sfence  }
0xb9: {  	s30 =	sld [smem:$0x0];
	_ =	sdelay $0x2  }
0xba: {  	s31 =	sshll.u32 s1, $0xD;
	s1 =	sshrl.u32 s1, $0x2  }
0xbb: {  	s3 =	sand.u32 $0x4000, s31;
	s1 =	sadd.s32 s1, s30  }
0xbc: {  	s0 =	sor.u32 s3, s0;
	s1 =	sshll.u32 s1, $0x11  }
0xbd: {  	s0 =	sor.u32 s1, s0  }
0xbe: {  	s0 =	sadd.s32 $0x8F2B, s0  }
0xbf: {  	[sflag:s0] =	ssyncadd.remote.s32 $0x1  }
0xc0: {  	_ =	sfence.sel $0xFFFF  }
0xc1: {  	[dreg:$0x0] =	wrdreg $0xFFFFFFFF;
	(pc) =	sbr.abs _section_cstart, $3  }
0xc2: {  	[dreg:$0x1] =	wrdreg $0xFFFFFFFF  }
0xc3: {  	_ =	task.clear_ibuf [dreg:s8], $0x2FFFF;
	_ =	strace $0x9FFFFFFF  }
0xc4: {  	(tm) =	ssettm $0x7FFFFFFF  }
0xc5: {  	_ =	shalt  }
tec
execute0_lowered:
.L_overlay_start_1:
0x0: {  	(tag) =	ssettag $0x1  }
0x1: {  	s0 =	rddreg [dreg:$0x0]  }
0x2: {  	s2 =	rddreg [dreg:$0x1]  }
0x3: {  	s1 =	rddreg [dreg:$0x2];
	s3 =	simm.s32 $0x0  }
0x4: {  	s4 =	srdreg.scid;
	s5 =	stileid.u32;
	s19 =	simm.s32 $0x1  }
0x5: {  	s20 =	simm.s32 $0xA400;
	s28 =	simm.s32 $0x2;
	s29 =	simm.s32 $0x6  }
0x6: {  	s30 =	simm.s32 $0xB500;
	s31 =	simm.s32 $0xC138;
	s9 =	simm.s32 $0xC2D0  }
0x7: {  	s11 =	simm.s32 $0xC358;
	s12 =	simm.s32 $0xC3E0;
	s15 =	simm.s32 $0xC468  }
0x8: {  	s16 =	simm.s32 $0xC4F0;
	s17 =	simm.s32 $0xC578;
	s8 =	simm.s32 $0x4  }
0x9: {  	v0 =	vlaneseq.u32;
	s13 =	simm.s32 $0x0;
	[smem:$0x7FF] =	sst s3;
	s4 =	sand.u32 $0x1, s4  }
0xa: {  	v1 =	vimm.s32 $0x0;
	vm0 =	vcmask $0x300;
	s5 =	sshll.u32 s5, $0xB;
	v0 =	vmul.u32 $0x88, v0;
	s6 =	ssub.s32 $0x2, s4;
	s4 =	sshll.u32 s4, $0xA  }
0xb: {  	v1 =	vsel vm0, $0x3, v1;
	_ =	strace $0x8000004A;
	s7 =	sshrl.u32 s6, $0x1;
	s4 =	sor.u32 s4, s5  }
0xc: {  	s5 =	sadd.s32 $0xA00, s2;
	s2 =	sadd.s32 $0x3D1400, s2;
	v2 =	vadd.s32 $0x880, v0;
	v3 =	vor.u32 $0x1, v0;
	v4 =	vadd.s32 $0x881, v0;
	s6 =	ssub.s32 s6, s7  }
0xd: {  	v5 =	vor.u32 $0x2, v0;
	v6 =	vadd.s32 $0x882, v0;
	v7 =	vor.u32 $0x3, v0;
	s25 =	sshrl.u32 s4, $0x3;
	[dreg:$0x4] =	wrdreg s2;
	s2 =	simm.s32 $0xC248  }
0xe: {  	v8 =	vadd.s32 $0x883, v0;
	v9 =	vor.u32 $0x4, v0;
	v10 =	vadd.s32 $0x884, v0;
	s7 =	simm.s32 $0x5;
	s0 =	sadd.s32 s0, s25;
	s26 =	smax.u32 s6, $0x1  }
0xf: {  	v11 =	vor.u32 $0x5, v0;
	v12 =	vadd.s32 $0x885, v0;
	v13 =	vor.u32 $0x6, v0;
	s25 =	simm.s32 $0xA488;
	s6 =	simm.s32 $0x3;
	[dreg:$0x5] =	wrdreg s0  }
0x10: {  	v14 =	vadd.s32 $0x886, v0;
	v15 =	vor.u32 $0x7, v0;
	v16 =	vadd.s32 $0x887, v0;
	[dreg:$0x6] =	wrdreg s26;
	s26 =	simm.s32 $0xC0B0;
	s0 =	simm.s32 $0xC1C0  }
.LBB2_1:
0x11: {  	[dreg:$0x7] =	wrdreg s13  }
0x12: {  	s10 =	rddreg [dreg:$0x4];
	s22 =	simm.s32 $0xC600;
	s23 =	simm.s32 $0x7  }
0x13: {  	[tilespmem:s22], [sflag:$0x7] =	stream.linear.gather [hbm4b:s10+s3], $0x1900, $0x38;
	[tilespmem:$0xDF00] =	vst v63  }
0x14: {  	_ =	swait.ge [sflag:s23], $0x1900  }
0x15: {  	s14 =	simm.s32 $0x400;
	[sflag:s23] =	ssyncset.done $0x0  }
0x16: {  	s18 =	simm.s32 $0x8000;
	s24 =	rddreg [dreg:$0x5];
	[sflag:s23] =	ssyncadd.s32 $0xFFFFE700  }
0x17: {  	[tilespmem:s3], [sflag:$0x7] =	stream.strided.gather [hbm4b:s24+s14], $0x6400, s18, s14, $0x38;
	[tilespmem:$0xDF00] =	vst v63  }
0x18: {  	_ =	swait.ge [sflag:s23], $0x6400  }
0x19: {  	[sflag:s23] =	ssyncset.done $0x0  }
0x1a: {  	s21 =	simm.s32 $0x6400;
	s18 =	simm.s32 $0x80;
	[sflag:s23] =	ssyncadd.s32 $0xFFFF9C00  }
0x1b: {  	[tilespmem:s21], [sflag:$0x1] =	stream.indirect.gather [hbm4b:s5+s18], $0x20, s3, s18, $0xb8;
	[tilespmem:$0xDF00] =	vst v63  }
0x1c: {  	s22 =	simm.s32 $0x7400  }
0x1d: {  	[tilespmem:s22], [sflag:$0x2] =	stream.indirect.gather [hbm4b:s5+s18], $0x20, s18, s18, $0xb8;
	[tilespmem:$0xDF00] =	vst v63  }
0x1e: {  	s10 =	simm.s32 $0x0;
	s24 =	simm.s32 $0x8400;
	s23 =	simm.s32 $0x100  }
0x1f: {  	[tilespmem:s24], [sflag:$0x3] =	stream.indirect.gather [hbm4b:s5+s18], $0x20, s23, s18, $0xb8;
	[tilespmem:$0xDF00] =	vst v63  }
.LBB2_2:
0x20: {  	s14 =	sshllo.u32 s10, $0x2  }
0x21: {  	s13 =	sshll.u32 s10, $0x9;
	s18 =	sshll.u32 s14, $0x7  }
0x22: {  	s24 =	simm.s32 $0x80;
	s21 =	sand.u32 $0x7C00, s13;
	s22 =	sand.u32 $0x380, s18  }
0x23: {  	s23 =	simm.s32 $0x9400;
	p0 =	seq.s32 s10, $0x0;
	s21 =	sor.u32 s22, s21  }
0x24: {  	[tilespmem:s23], [sflag:$0x4] =	stream.indirect.gather [hbm4b:s5+s24], $0x20, s21, s24, $0xb8;
	[tilespmem:$0xDF00] =	vst v63  }
0x25: {  	s22 =	simm.s32 $0x1;
	s23 =	simm.s32 $0x0;
	_ =	swait.ge [sflag:s19], $0x1000  }
0x26: {  	s24 =	simm.s32 $0x3;
	v18 =	vmov s22;
	s22 =	simm.s32 $0x4;
	[sflag:s19] =	ssyncset.done $0x0  }
0x27: {  	s21 =	simm.s32 @!p0 $0x5;
	v17 =	vmov s23;
	s23 =	simm.s32 $0x2;
	v20 =	vmov s24;
	v21 =	vmov s22;
	[sflag:s19] =	ssyncadd.s32 $0xFFFFF000  }
0x28: {  	s24 =	simm.s32 $0x6;
	v25 =	vshrl.u32 v18, $0x3;
	v17 =	vshrl.u32 v17, $0x3;
	v19 =	vmov s23;
	_ =	swait.ge @!p0 [sflag:s21], $0x1000  }
0x29: {  	s23 =	simm.s32 $0x5;
	v23 =	vmov s24;
	s24 =	simm.s32 $0x7;
	v20 =	vshrl.u32 v20, $0x3;
	v21 =	vshrl.u32 v21, $0x3;
	[sflag:s21] =	ssyncset.done @!p0 $0x0  }
0x2a: {  	v22 =	vmov s23;
	s23 =	sshrl.u32 s13, $0x2;
	v24 =	vshll.u32 v17, v1;
	v17 =	vmov s24;
	[sflag:s21] =	ssyncadd.s32 @!p0 $0xFFFFF000  }
0x2b: {  	v25 =	vshll.u32 v25, v1;
	v19 =	vshrl.u32 v19, $0x3;
	v26 =	vshrl.u32 v17, $0x3;
	v18 =	vld [tilespmem:s23+$0xC600]  }
0x2c: {  	s22 =	simm.s32 $0x6480;
	v23 =	vshrl.u32 v23, $0x3;
	v20 =	vshll.u32 v20, v1;
	v26 =	vshll.u32 v26, v1;
	v17 =	vld [tilespmem:s23+$0xC610]  }
0x2d: {  	v25 =	vbroadcast v25, $0x0;
	v21 =	vshll.u32 v21, v1;
	v26 =	vbroadcast v26, $0x0;
	v27 =	vld [tilespmem:s22+$0x60]  }
0x2e: {  	v22 =	vshrl.u32 v22, $0x3;
	v24 =	vbroadcast v24, $0x0;
	v19 =	vshll.u32 v19, v1;
	v28 =	vld [tilespmem:s22+$0xFFFFFF80]  }
0x2f: {  	v20 =	vbroadcast v20, $0x0;
	v23 =	vshll.u32 v23, v1;
	v29 =	vld [tilespmem:s22+$0xFFFFFFA0];
	v30 =	vadd.s32 v15, v26  }
0x30: {  	v21 =	vbroadcast v21, $0x0;
	v19 =	vbroadcast v19, $0x0;
	v31 =	vadd.s32 v0, v24;
	v32 =	vld [tilespmem:s22+$0xFFFFFFC0]  }
0x31: {  	v22 =	vshll.u32 v22, v1;
	v33 =	vadd.s32 v3, v25;
	v60 =	vadd.s32 v4, v25;
	v34 =	vld [tilespmem:s22+$0xFFFFFFE0]  }
0x32: {  	v37 =	vadd.s32 v7, v20;
	v35 =	vadd.s32 v5, v19;
	v36 =	vld [tilespmem:s22+$0x0];
	v27 =	vadd.f32 v27, v18  }
0x33: {  	v39 =	vbroadcast v22, $0x0;
	v58 =	vadd.s32 v2, v24;
	v38 =	vld [tilespmem:s22+$0x20];
	v28 =	vadd.f32 v28, v18  }
0x34: {  	v41 =	vbroadcast v23, $0x0;
	v40 =	vld [tilespmem:s22+$0x40];
	v22 =	vadd.f32 v29, v18;
	v29 =	vadd.s32 v9, v21;
	[tilespmem:v30+s20+$0x0] =	vst.idx.msk $0xffff, v27  }
0x35: {  	v23 =	vadd.f32 v32, v18;
	[tilespmem:v31+s20+$0x0] =	vst.idx.msk $0xffff, v28;
	v27 =	vadd.s32 v11, v39;
	v28 =	vld [tilespmem:s22+$0x70]  }
0x36: {  	[tilespmem:v33+s20+$0x0] =	vst.idx.msk $0xffff, v22;
	v22 =	vadd.f32 v34, v18;
	v31 =	vadd.s32 v13, v41;
	v30 =	vld [tilespmem:s22+$0xFFFFFF90]  }
0x37: {  	v26 =	vadd.s32 v16, v26;
	[tilespmem:v35+s20+$0x0] =	vst.idx.msk $0xffff, v23;
	v23 =	vadd.f32 v36, v18;
	v33 =	vld [tilespmem:s22+$0xFFFFFFB0]  }
0x38: {  	s24 =	simm.s32 $0x8;
	v62 =	vadd.s32 v6, v19;
	v24 =	vadd.f32 v38, v18;
	v35 =	vld [tilespmem:s22+$0xFFFFFFD0];
	[tilespmem:v37+s20+$0x0] =	vst.idx.msk $0xffff, v22  }
0x39: {  	v57 =	vmov s24;
	s23 =	simm.s32 $0x9;
	v19 =	vadd.s32 v8, v20;
	v61 =	vld [tilespmem:s22+$0xFFFFFFF0];
	[tilespmem:v29+s20+$0x0] =	vst.idx.msk $0xffff, v23;
	v23 =	vadd.f32 v40, v18  }
0x3a: {  	v20 =	vadd.s32 v10, v21;
	v59 =	vmov s23;
	v42 =	vld [tilespmem:s22+$0x10];
	[tilespmem:v27+s20+$0x0] =	vst.idx.msk $0xffff, v24;
	v27 =	vadd.f32 v28, v17  }
0x3b: {  	s24 =	simm.s32 $0xA;
	v32 =	vshrl.u32 v57, $0x3;
	v21 =	vadd.s32 v14, v41;
	[tilespmem:v31+s20+$0x0] =	vst.idx.msk $0xffff, v23;
	v28 =	vadd.f32 v30, v17;
	v29 =	vld [tilespmem:s22+$0x30]  }
0x3c: {  	s23 =	simm.s32 $0xB;
	v32 =	vshll.u32 v32, v1;
	v22 =	vmov s24;
	v30 =	vadd.f32 v33, v17;
	v31 =	vld [tilespmem:s22+$0x50];
	[tilespmem:v26+s20+$0x0] =	vst.idx.msk $0xffff, v27  }
0x3d: {  	s24 =	simm.s32 $0xC;
	v24 =	vmov s23;
	s23 =	simm.s32 $0xD;
	v23 =	vadd.s32 v12, v39;
	v63 =	vadd.f32 v35, v17;
	[tilespmem:v58+s20+$0x0] =	vst.idx.msk $0xffff, v28  }
0x3e: {  	v25 =	vmov s24;
	s24 =	simm.s32 $0xE;
	v26 =	vmov s23;
	[tilespmem:v60+s20+$0x0] =	vst.idx.msk $0xffff, v30;
	v30 =	vadd.f32 v61, v17  }
0x3f: {  	s21 =	sshll.u32 s10, $0x2;
	v27 =	vmov s24;
	v28 =	vshrl.u32 v59, $0x3;
	s24 =	simm.s32 $0xF;
	s23 =	simm.s32 $0x10;
	[tilespmem:v62+s20+$0x0] =	vst.idx.msk $0xffff, v63;
	v33 =	vadd.f32 v42, v17  }
.LBB2_3:
0x40: {  	p1 =	slt.u32 s23, $0x78;
	v22 =	vshrl.u32 v22, $0x3;
	v34 =	vmov s24;
	[tilespmem:v19+s20+$0x0] =	vst.idx.msk $0xffff, v30;
	v19 =	vadd.f32 v29, v17  }
0x41: {  	v24 =	vshrl.u32 v24, $0x3;
	v29 =	vshrl.u32 v34, $0x3;
	[tilespmem:v20+s20+$0x0] =	vst.idx.msk $0xffff, v33;
	v20 =	vadd.f32 v31, v17  }
0x42: {  	v25 =	vshrl.u32 v25, $0x3;
	v26 =	vshrl.u32 v26, $0x3;
	s22 =	sadd.s32 $0x100, s22;
	v29 =	vshll.u32 v29, v1;
	[tilespmem:v23+s20+$0x0] =	vst.idx.msk $0xffff, v19  }
0x43: {  	v19 =	vbroadcast v32, $0x0;
	v23 =	vshrl.u32 v27, $0x3;
	v27 =	vld [tilespmem:s22+$0x60];
	v29 =	vbroadcast v29, $0x0;
	[tilespmem:v21+s20+$0x0] =	vst.idx.msk $0xffff, v20  }
0x44: {  	v22 =	vshll.u32 v22, v1;
	v24 =	vshll.u32 v24, v1;
	v21 =	vshll.u32 v28, v1;
	v20 =	vld [tilespmem:s22+$0xFFFFFF80]  }
0x45: {  	v25 =	vshll.u32 v25, v1;
	v21 =	vbroadcast v21, $0x0;
	v28 =	vld [tilespmem:s22+$0xFFFFFFA0];
	v30 =	vadd.s32 v15, v29  }
0x46: {  	v33 =	vbroadcast v22, $0x0;
	v22 =	vshll.u32 v26, v1;
	v31 =	vadd.s32 v0, v19;
	v32 =	vld [tilespmem:s22+$0xFFFFFFC0]  }
0x47: {  	v35 =	vbroadcast v24, $0x0;
	v23 =	vshll.u32 v23, v1;
	v26 =	vadd.s32 v3, v21;
	v34 =	vld [tilespmem:s22+$0xFFFFFFE0]  }
0x48: {  	v37 =	vbroadcast v25, $0x0;
	v24 =	vadd.s32 v5, v33;
	v36 =	vld [tilespmem:s22+$0x0];
	v25 =	vadd.f32 v27, v18  }
0x49: {  	v39 =	vbroadcast v22, $0x0;
	v27 =	vadd.s32 v7, v35;
	v20 =	vadd.f32 v20, v18;
	v38 =	vld [tilespmem:s22+$0x20]  }
0x4a: {  	v41 =	vbroadcast v23, $0x0;
	v22 =	vadd.f32 v28, v18;
	v28 =	vadd.s32 v9, v37;
	v40 =	vld [tilespmem:s22+$0x40];
	[tilespmem:v30+s20+$0x0] =	vst.idx.msk $0xffff, v25  }
0x4b: {  	v23 =	vadd.s32 v11, v39;
	[tilespmem:v31+s20+$0x0] =	vst.idx.msk $0xffff, v20;
	v20 =	vadd.f32 v32, v18;
	v25 =	vld [tilespmem:s22+$0x70]  }
0x4c: {  	v30 =	vld [tilespmem:s22+$0xFFFFFF90];
	[tilespmem:v26+s20+$0x0] =	vst.idx.msk $0xffff, v22;
	v22 =	vadd.f32 v34, v18;
	v26 =	vadd.s32 v13, v41  }
0x4d: {  	v31 =	vmov s23;
	v34 =	vadd.s32 v16, v29;
	v32 =	vld [tilespmem:s22+$0xFFFFFFB0];
	[tilespmem:v24+s20+$0x0] =	vst.idx.msk $0xffff, v20;
	v20 =	vadd.f32 v36, v18  }
0x4e: {  	s24 =	sadd.s32 $0x1, s23;
	v42 =	vadd.s32 v2, v19;
	v36 =	vshrl.u32 v31, $0x3;
	v43 =	vld [tilespmem:s22+$0xFFFFFFD0];
	[tilespmem:v27+s20+$0x0] =	vst.idx.msk $0xffff, v22;
	v19 =	vadd.f32 v38, v18  }
0x4f: {  	v21 =	vadd.s32 v4, v21;
	v38 =	vmov s24;
	s24 =	sadd.s32 $0x2, s23;
	v44 =	vld [tilespmem:s22+$0xFFFFFFF0];
	[tilespmem:v28+s20+$0x0] =	vst.idx.msk $0xffff, v20;
	v20 =	vadd.f32 v40, v18  }
0x50: {  	v33 =	vadd.s32 v6, v33;
	v22 =	vmov s24;
	s24 =	sadd.s32 $0x3, s23;
	v40 =	vld [tilespmem:s22+$0x10];
	[tilespmem:v23+s20+$0x0] =	vst.idx.msk $0xffff, v19;
	v23 =	vadd.f32 v25, v17  }
.Ltmp0:
0x51: {  	v24 =	vmov s24;
	s24 =	sadd.s32 $0x4, s23;
	v19 =	vadd.s32 v8, v35;
	v27 =	vadd.f32 v30, v17;
	v29 =	vld [tilespmem:s22+$0x30];
	[tilespmem:v26+s20+$0x0] =	vst.idx.msk $0xffff, v20;
	(pc) =	sbr.rel @p1 .LBB2_3-.Ltmp0, $4  }
0x52: {  	v25 =	vmov s24;
	s24 =	sadd.s32 $0x5, s23;
	v20 =	vadd.s32 v10, v37;
	v28 =	vadd.f32 v32, v17;
	v31 =	vld [tilespmem:s22+$0x50];
	[tilespmem:v34+s20+$0x0] =	vst.idx.msk $0xffff, v23  }
0x53: {  	v26 =	vmov s24;
	s24 =	sadd.s32 $0x6, s23;
	v23 =	vadd.s32 v12, v39;
	[tilespmem:v42+s20+$0x0] =	vst.idx.msk $0xffff, v27;
	v34 =	vadd.f32 v43, v17  }
0x54: {  	v27 =	vmov s24;
	[tilespmem:v21+s20+$0x0] =	vst.idx.msk $0xffff, v28;
	v30 =	vadd.f32 v44, v17;
	v21 =	vadd.s32 v14, v41  }
0x55: {  	v32 =	vshll.u32 v36, v1;
	s24 =	sadd.s32 $0x7, s23;
	s23 =	sadd.s32 $0x8, s23;
	v28 =	vshrl.u32 v38, $0x3;
	[tilespmem:v33+s20+$0x0] =	vst.idx.msk $0xffff, v34;
	v33 =	vadd.f32 v40, v17  }
0x56: {  	v22 =	vshrl.u32 v22, $0x3;
	v34 =	vmov s24;
	v29 =	vadd.f32 v29, v17  }
0x57: {  	v24 =	vshrl.u32 v24, $0x3;
	v25 =	vshrl.u32 v25, $0x3;
	v26 =	vshrl.u32 v26, $0x3  }
0x58: {  	s22 =	sadd.s32 $0x100, s22;
	v32 =	vbroadcast v32, $0x0;
	v27 =	vshrl.u32 v27, $0x3;
	v28 =	vshll.u32 v28, v1  }
0x59: {  	v34 =	vshrl.u32 v34, $0x3;
	v31 =	vadd.f32 v31, v17;
	v36 =	vld [tilespmem:s22+$0xFFFFFF80];
	v22 =	vshll.u32 v22, v1  }
0x5a: {  	v24 =	vshll.u32 v24, v1;
	v37 =	vld [tilespmem:s22+$0xFFFFFFA0];
	v28 =	vbroadcast v28, $0x0;
	v34 =	vshll.u32 v34, v1  }
0x5b: {  	[tilespmem:v19+s20+$0x0] =	vst.idx.msk $0xffff, v30;
	v35 =	vld [tilespmem:s22+$0x60];
	v25 =	vshll.u32 v25, v1;
	v19 =	vadd.s32 v0, v32;
	v34 =	vbroadcast v34, $0x0  }
0x5c: {  	v60 =	vld [tilespmem:s22+$0xFFFFFFC0];
	v26 =	vshll.u32 v26, v1;
	v22 =	vbroadcast v22, $0x0;
	v61 =	vadd.s32 v3, v28  }
0x5d: {  	[tilespmem:v20+s20+$0x0] =	vst.idx.msk $0xffff, v33;
	v62 =	vld [tilespmem:s22+$0xFFFFFFE0];
	v27 =	vshll.u32 v27, v1;
	v24 =	vbroadcast v24, $0x0;
	v38 =	vadd.s32 v15, v34  }
0x5e: {  	v44 =	vld [tilespmem:s22+$0x0];
	[tilespmem:v23+s20+$0x0] =	vst.idx.msk $0xffff, v29;
	v25 =	vbroadcast v25, $0x0;
	v63 =	vadd.s32 v5, v22;
	v45 =	vadd.f32 v36, v18  }
0x5f: {  	v47 =	vld [tilespmem:s22+$0x20];
	v26 =	vbroadcast v26, $0x0;
	[tilespmem:v21+s20+$0x0] =	vst.idx.msk $0xffff, v31;
	v46 =	vadd.s32 v7, v24;
	v37 =	vadd.f32 v37, v18  }
0x60: {  	v40 =	vld [tilespmem:s22+$0x40];
	v27 =	vbroadcast v27, $0x0;
	v39 =	vadd.s32 v9, v25;
	v35 =	vadd.f32 v35, v18;
	[tilespmem:v19+s20+$0x0] =	vst.idx.msk $0xffff, v45  }
0x61: {  	v48 =	vadd.s32 v11, v26;
	v19 =	vadd.f32 v60, v18;
	[tilespmem:v61+s20+$0x0] =	vst.idx.msk $0xffff, v37;
	v50 =	vld [tilespmem:s22+$0xFFFFFF90]  }
0x62: {  	v52 =	vadd.s32 v13, v27;
	v51 =	vadd.f32 v62, v18;
	v37 =	vld [tilespmem:s22+$0xFFFFFFB0];
	[tilespmem:v38+s20+$0x0] =	vst.idx.msk $0xffff, v35  }
0x63: {  	v54 =	vadd.s32 v2, v32;
	[tilespmem:v63+s20+$0x0] =	vst.idx.msk $0xffff, v19;
	v19 =	vadd.f32 v44, v18;
	v49 =	vld [tilespmem:s22+$0x70]  }
0x64: {  	v28 =	vadd.s32 v4, v28;
	v56 =	vadd.f32 v47, v18;
	[tilespmem:v46+s20+$0x0] =	vst.idx.msk $0xffff, v51;
	v55 =	vld [tilespmem:s22+$0xFFFFFFD0]  }
0x65: {  	v53 =	vadd.s32 v16, v34;
	v31 =	vld [tilespmem:s22+$0xFFFFFFF0];
	v18 =	vadd.f32 v40, v18;
	[tilespmem:v39+s20+$0x0] =	vst.idx.msk $0xffff, v19  }
0x66: {  	[tilespmem:v48+s20+$0x0] =	vst.idx.msk $0xffff, v56;
	v19 =	vadd.s32 v6, v22;
	v57 =	vld [tilespmem:s22+$0x10];
	v59 =	vadd.f32 v50, v17  }
0x67: {  	v24 =	vadd.s32 v8, v24;
	v60 =	vld [tilespmem:s22+$0x30];
	[tilespmem:v52+s20+$0x0] =	vst.idx.msk $0xffff, v18;
	v18 =	vadd.f32 v37, v17  }
0x68: {  	v25 =	vadd.s32 v10, v25;
	v33 =	vld [tilespmem:s22+$0x50];
	v58 =	vadd.f32 v49, v17;
	[tilespmem:v54+s20+$0x0] =	vst.idx.msk $0xffff, v59  }
0x69: {  	v62 =	vadd.s32 v12, v26;
	v61 =	vadd.f32 v55, v17;
	[tilespmem:v28+s20+$0x0] =	vst.idx.msk $0xffff, v18  }
0x6a: {  	v63 =	vadd.s32 v14, v27;
	v18 =	vadd.f32 v31, v17;
	[tilespmem:v53+s20+$0x0] =	vst.idx.msk $0xffff, v58  }
0x6b: {  	[tilespmem:v19+s20+$0x0] =	vst.idx.msk $0xffff, v61;
	v19 =	vadd.f32 v57, v17  }
0x6c: {  	s23 =	sshll.u32 s10, $0x13;
	[tilespmem:v24+s20+$0x0] =	vst.idx.msk $0xffff, v18;
	v18 =	vadd.f32 v60, v17  }
0x6d: {  	s22 =	sor.u32 s4, s23;
	v17 =	vadd.f32 v33, v17;
	[tilespmem:v25+s20+$0x0] =	vst.idx.msk $0xffff, v19  }
0x6e: {  	s22 =	sshrl.u32 s22, $0x3;
	[tilespmem:v62+s20+$0x0] =	vst.idx.msk $0xffff, v18  }
0x6f: {  	s22 =	sadd.s32 s1, s22;
	[tilespmem:v63+s20+$0x0] =	vst.idx.msk $0xffff, v17  }
0x70: {  	[hbm4b:s22+s3] =	stream.linear.scatter [tilespmem:s20], [sflag:$0x5], $0x80, $0x38;
	[tilespmem:$0xDF00] =	vst v63  }
0x71: {  	s23 =	sadd.s32 $0x10, s22  }
0x72: {  	[hbm4b:s23+s3] =	stream.linear.scatter [tilespmem:s25], [sflag:$0x5], $0x80, $0x38;
	[tilespmem:$0xDF00] =	vst v63  }
0x73: {  	s24 =	sadd.s32 $0x20, s22;
	s25 =	simm.s32 $0xA510  }
0x74: {  	[hbm4b:s24+s3] =	stream.linear.scatter [tilespmem:s25], [sflag:$0x5], $0x80, $0x38;
	[tilespmem:$0xDF00] =	vst v63  }
0x75: {  	s24 =	sadd.s32 $0x30, s22;
	s25 =	simm.s32 $0xA598  }
0x76: {  	[hbm4b:s24+s3] =	stream.linear.scatter [tilespmem:s25], [sflag:$0x5], $0x80, $0x38;
	[tilespmem:$0xDF00] =	vst v63  }
0x77: {  	s24 =	sadd.s32 $0x40, s22;
	s25 =	simm.s32 $0xA620  }
0x78: {  	[hbm4b:s24+s3] =	stream.linear.scatter [tilespmem:s25], [sflag:$0x5], $0x80, $0x38;
	[tilespmem:$0xDF00] =	vst v63  }
0x79: {  	s24 =	sadd.s32 $0x50, s22;
	s25 =	simm.s32 $0xA6A8  }
0x7a: {  	[hbm4b:s24+s3] =	stream.linear.scatter [tilespmem:s25], [sflag:$0x5], $0x80, $0x38;
	[tilespmem:$0xDF00] =	vst v63  }
0x7b: {  	s24 =	sadd.s32 $0x60, s22;
	s25 =	simm.s32 $0xA730  }
0x7c: {  	[hbm4b:s24+s3] =	stream.linear.scatter [tilespmem:s25], [sflag:$0x5], $0x80, $0x38;
	[tilespmem:$0xDF00] =	vst v63  }
0x7d: {  	s24 =	sadd.s32 $0x70, s22;
	s25 =	simm.s32 $0xA7B8  }
0x7e: {  	[hbm4b:s24+s3] =	stream.linear.scatter [tilespmem:s25], [sflag:$0x5], $0x80, $0x38;
	[tilespmem:$0xDF00] =	vst v63  }
0x7f: {  	s24 =	sadd.s32 $0x1000, s22;
	s25 =	simm.s32 $0xA840  }
0x80: {  	[hbm4b:s24+s3] =	stream.linear.scatter [tilespmem:s25], [sflag:$0x5], $0x80, $0x38;
	[tilespmem:$0xDF00] =	vst v63  }
0x81: {  	s24 =	sadd.s32 $0x1010, s22;
	s25 =	simm.s32 $0xA8C8  }
0x82: {  	[hbm4b:s24+s3] =	stream.linear.scatter [tilespmem:s25], [sflag:$0x5], $0x80, $0x38;
	[tilespmem:$0xDF00] =	vst v63  }
0x83: {  	s24 =	sadd.s32 $0x1020, s22;
	s25 =	simm.s32 $0xA950  }
0x84: {  	[hbm4b:s24+s3] =	stream.linear.scatter [tilespmem:s25], [sflag:$0x5], $0x80, $0x38;
	[tilespmem:$0xDF00] =	vst v63  }
0x85: {  	s24 =	sadd.s32 $0x1030, s22;
	s25 =	simm.s32 $0xA9D8  }
0x86: {  	[hbm4b:s24+s3] =	stream.linear.scatter [tilespmem:s25], [sflag:$0x5], $0x80, $0x38;
	[tilespmem:$0xDF00] =	vst v63  }
0x87: {  	s24 =	sadd.s32 $0x1040, s22;
	s25 =	simm.s32 $0xAA60  }
0x88: {  	[hbm4b:s24+s3] =	stream.linear.scatter [tilespmem:s25], [sflag:$0x5], $0x80, $0x38;
	[tilespmem:$0xDF00] =	vst v63  }
0x89: {  	s24 =	sadd.s32 $0x1050, s22;
	s25 =	simm.s32 $0xAAE8  }
0x8a: {  	[hbm4b:s24+s3] =	stream.linear.scatter [tilespmem:s25], [sflag:$0x5], $0x80, $0x38;
	[tilespmem:$0xDF00] =	vst v63  }
0x8b: {  	s24 =	sadd.s32 $0x1060, s22;
	s25 =	simm.s32 $0xAB70  }
0x8c: {  	[hbm4b:s24+s3] =	stream.linear.scatter [tilespmem:s25], [sflag:$0x5], $0x80, $0x38;
	[tilespmem:$0xDF00] =	vst v63  }
0x8d: {  	s24 =	sadd.s32 $0x1070, s22;
	s25 =	simm.s32 $0xABF8  }
0x8e: {  	[hbm4b:s24+s3] =	stream.linear.scatter [tilespmem:s25], [sflag:$0x5], $0x80, $0x38;
	[tilespmem:$0xDF00] =	vst v63  }
0x8f: {  	s24 =	sadd.s32 $0x2000, s22;
	s25 =	simm.s32 $0xAC80  }
0x90: {  	[hbm4b:s24+s3] =	stream.linear.scatter [tilespmem:s25], [sflag:$0x5], $0x80, $0x38;
	[tilespmem:$0xDF00] =	vst v63  }
0x91: {  	s24 =	sadd.s32 $0x2010, s22;
	s25 =	simm.s32 $0xAD08  }
0x92: {  	[hbm4b:s24+s3] =	stream.linear.scatter [tilespmem:s25], [sflag:$0x5], $0x80, $0x38;
	[tilespmem:$0xDF00] =	vst v63  }
0x93: {  	s24 =	sadd.s32 $0x2020, s22;
	s25 =	simm.s32 $0xAD90  }
0x94: {  	[hbm4b:s24+s3] =	stream.linear.scatter [tilespmem:s25], [sflag:$0x5], $0x80, $0x38;
	[tilespmem:$0xDF00] =	vst v63  }
0x95: {  	s24 =	sadd.s32 $0x2030, s22;
	s25 =	simm.s32 $0xAE18  }
0x96: {  	[hbm4b:s24+s3] =	stream.linear.scatter [tilespmem:s25], [sflag:$0x5], $0x80, $0x38;
	[tilespmem:$0xDF00] =	vst v63  }
0x97: {  	s24 =	sadd.s32 $0x2040, s22;
	s25 =	simm.s32 $0xAEA0  }
0x98: {  	[hbm4b:s24+s3] =	stream.linear.scatter [tilespmem:s25], [sflag:$0x5], $0x80, $0x38;
	[tilespmem:$0xDF00] =	vst v63  }
0x99: {  	s24 =	sadd.s32 $0x2050, s22;
	s25 =	simm.s32 $0xAF28  }
0x9a: {  	[hbm4b:s24+s3] =	stream.linear.scatter [tilespmem:s25], [sflag:$0x5], $0x80, $0x38;
	[tilespmem:$0xDF00] =	vst v63  }
0x9b: {  	s24 =	sadd.s32 $0x2060, s22;
	s25 =	simm.s32 $0xAFB0  }
0x9c: {  	[hbm4b:s24+s3] =	stream.linear.scatter [tilespmem:s25], [sflag:$0x5], $0x80, $0x38;
	[tilespmem:$0xDF00] =	vst v63  }
0x9d: {  	s24 =	sadd.s32 $0x2070, s22;
	s25 =	simm.s32 $0xB038  }
0x9e: {  	[hbm4b:s24+s3] =	stream.linear.scatter [tilespmem:s25], [sflag:$0x5], $0x80, $0x38;
	[tilespmem:$0xDF00] =	vst v63  }
0x9f: {  	s24 =	sadd.s32 $0x3000, s22;
	s25 =	simm.s32 $0xB0C0  }
0xa0: {  	[hbm4b:s24+s3] =	stream.linear.scatter [tilespmem:s25], [sflag:$0x5], $0x80, $0x38;
	[tilespmem:$0xDF00] =	vst v63  }
0xa1: {  	s24 =	sadd.s32 $0x3010, s22;
	s25 =	simm.s32 $0xB148  }
0xa2: {  	[hbm4b:s24+s3] =	stream.linear.scatter [tilespmem:s25], [sflag:$0x5], $0x80, $0x38;
	[tilespmem:$0xDF00] =	vst v63  }
0xa3: {  	s24 =	sadd.s32 $0x3020, s22;
	s25 =	simm.s32 $0xB1D0  }
0xa4: {  	[hbm4b:s24+s3] =	stream.linear.scatter [tilespmem:s25], [sflag:$0x5], $0x80, $0x38;
	[tilespmem:$0xDF00] =	vst v63  }
0xa5: {  	s24 =	sadd.s32 $0x3030, s22;
	s25 =	simm.s32 $0xB258  }
0xa6: {  	[hbm4b:s24+s3] =	stream.linear.scatter [tilespmem:s25], [sflag:$0x5], $0x80, $0x38;
	[tilespmem:$0xDF00] =	vst v63  }
0xa7: {  	s24 =	sadd.s32 $0x3040, s22;
	s25 =	simm.s32 $0xB2E0  }
0xa8: {  	[hbm4b:s24+s3] =	stream.linear.scatter [tilespmem:s25], [sflag:$0x5], $0x80, $0x38;
	[tilespmem:$0xDF00] =	vst v63  }
0xa9: {  	p1 =	sne.s32 s10, $0x31;
	s24 =	sadd.s32 $0x3050, s22;
	s25 =	simm.s32 $0xB368  }
0xaa: {  	[hbm4b:s24+s3] =	stream.linear.scatter [tilespmem:s25], [sflag:$0x5], $0x80, $0x38;
	[tilespmem:$0xDF00] =	vst v63  }
.Ltmp1:
0xab: {  	_ = 	snop;
	(pc) =	sbr.rel @p1 .LBB2_6-.Ltmp1, $4  }
0xac: {  	s24 =	sadd.s32 $0x3060, s22;
	s25 =	simm.s32 $0xB3F0  }
0xad: {  	[hbm4b:s24+s3] =	stream.linear.scatter [tilespmem:s25], [sflag:$0x5], $0x80, $0x38;
	[tilespmem:$0xDF00] =	vst v63  }
0xae: {  	s22 =	sadd.s32 $0x3070, s22;
	s25 =	simm.s32 $0xB478  }
0xaf: {  	[hbm4b:s22+s3] =	stream.linear.scatter [tilespmem:s25], [sflag:$0x5], $0x80, $0x38;
	[tilespmem:$0xDF00] =	vst v63  }
.Ltmp2:
0xb0: {  	(pc) =	sbr.rel .LBB2_7-.Ltmp2, $4  }
0xb1: {  	_ = 	snop  }
0xb2: {  	_ =	swait.ge [sflag:s28], $0x1000  }
0xb3: {  	[sflag:s28] =	ssyncset.done $0x0  }
0xb4: {  	[sflag:s28] =	ssyncadd.s32 $0xFFFFF000  }
.LBB2_6:
0xb5: {  	s22 =	sadd.s32 $0x200, s13;
	s23 =	simm.s32 $0x80  }
.Ltmp3:
0xb6: {  	s24 =	simm.s32 $0x6400;
	s22 =	sand.u32 $0xFE00, s22;
	(pc) =	sbr.rel @p0 .LBB2_8-.Ltmp3, $4  }
0xb7: {  	[tilespmem:s24], [sflag:$0x1] =	stream.indirect.gather [hbm4b:s5+s23], $0x20, s22, s23, $0xb8;
	[tilespmem:$0xDF00] =	vst v63  }
0xb8: {  	_ =	swait.ge [sflag:s28], $0x1000  }
0xb9: {  	[sflag:s28] =	ssyncset.done $0x0  }
0xba: {  	[sflag:s28] =	ssyncadd.s32 $0xFFFFF000  }
.LBB2_7:
0xbb: {  	_ =	swait.ge [sflag:s29], $0x1000  }
0xbc: {  	[sflag:s29] =	ssyncset.done $0x0  }
0xbd: {  	[sflag:s29] =	ssyncadd.s32 $0xFFFFF000  }
.LBB2_8:
0xbe: {  	s22 =	simm.s32 $0x0;
	s23 =	simm.s32 $0x1  }
0xbf: {  	s24 =	simm.s32 $0x3;
	s25 =	simm.s32 $0x4;
	v17 =	vmov s22;
	v18 =	vmov s23;
	s23 =	simm.s32 $0x2  }
0xc0: {  	s22 =	sor.u32 $0x1, s21;
	v20 =	vmov s24;
	v21 =	vmov s25;
	s24 =	simm.s32 $0x6;
	v19 =	vmov s23  }
0xc1: {  	s23 =	simm.s32 $0x5;
	s25 =	sshll.u32 s22, $0x5;
	v17 =	vshrl.u32 v17, $0x3;
	v23 =	vmov s24;
	v25 =	vshrl.u32 v18, $0x3  }
0xc2: {  	s24 =	simm.s32 $0x7;
	v20 =	vshrl.u32 v20, $0x3;
	v21 =	vshrl.u32 v21, $0x3;
	v22 =	vmov s23;
	s25 =	sand.u32 $0x3FFFFFE0, s25  }
0xc3: {  	v24 =	vshll.u32 v17, v1;
	v17 =	vmov s24;
	v19 =	vshrl.u32 v19, $0x3;
	v18 =	vld [tilespmem:s25+$0xC600]  }
0xc4: {  	s23 =	simm.s32 $0x7480;
	v23 =	vshrl.u32 v23, $0x3;
	v25 =	vshll.u32 v25, v1;
	v26 =	vshrl.u32 v17, $0x3;
	v17 =	vld [tilespmem:s25+$0xC610]  }
0xc5: {  	v20 =	vshll.u32 v20, v1;
	v19 =	vshll.u32 v19, v1;
	v29 =	vld [tilespmem:s23+$0xFFFFFFA0];
	v25 =	vbroadcast v25, $0x0  }
0xc6: {  	v21 =	vshll.u32 v21, v1;
	v32 =	vld [tilespmem:s23+$0xFFFFFFC0];
	v26 =	vshll.u32 v26, v1;
	v19 =	vbroadcast v19, $0x0  }
0xc7: {  	v22 =	vshrl.u32 v22, $0x3;
	v27 =	vld [tilespmem:s23+$0x60];
	v26 =	vbroadcast v26, $0x0;
	v33 =	vadd.s32 v3, v25  }
0xc8: {  	v24 =	vbroadcast v24, $0x0;
	v28 =	vld [tilespmem:s23+$0xFFFFFF80];
	v20 =	vbroadcast v20, $0x0;
	v35 =	vadd.s32 v5, v19  }
0xc9: {  	v34 =	vld [tilespmem:s23+$0xFFFFFFE0];
	v23 =	vshll.u32 v23, v1;
	v22 =	vshll.u32 v22, v1;
	v30 =	vadd.s32 v15, v26  }
0xca: {  	v36 =	vld [tilespmem:s23+$0x0];
	v31 =	vadd.s32 v0, v24;
	v39 =	vbroadcast v22, $0x0;
	v22 =	vadd.f32 v29, v18  }
0xcb: {  	v21 =	vbroadcast v21, $0x0;
	v38 =	vld [tilespmem:s23+$0x20];
	v41 =	vbroadcast v23, $0x0;
	v23 =	vadd.f32 v32, v18  }
0xcc: {  	v40 =	vld [tilespmem:s23+$0x40];
	v37 =	vadd.s32 v7, v20;
	v27 =	vadd.f32 v27, v18;
	[tilespmem:v33+s30+$0x0] =	vst.idx.msk $0xffff, v22  }
0xcd: {  	v28 =	vadd.f32 v28, v18;
	v29 =	vadd.s32 v9, v21;
	v33 =	vld [tilespmem:s23+$0xFFFFFFB0];
	[tilespmem:v35+s30+$0x0] =	vst.idx.msk $0xffff, v23  }
0xce: {  	v58 =	vadd.s32 v2, v24;
	[tilespmem:v30+s30+$0x0] =	vst.idx.msk $0xffff, v27;
	v27 =	vadd.s32 v11, v39;
	v35 =	vld [tilespmem:s23+$0xFFFFFFD0]  }
0xcf: {  	[tilespmem:v31+s30+$0x0] =	vst.idx.msk $0xffff, v28;
	v22 =	vadd.f32 v34, v18;
	v31 =	vadd.s32 v13, v41;
	v28 =	vld [tilespmem:s23+$0x70]  }
0xd0: {  	v60 =	vadd.s32 v4, v25;
	v62 =	vadd.s32 v6, v19;
	v23 =	vadd.f32 v36, v18;
	v30 =	vld [tilespmem:s23+$0xFFFFFF90]  }
0xd1: {  	s25 =	simm.s32 $0x8;
	v26 =	vadd.s32 v16, v26;
	v24 =	vadd.f32 v38, v18;
	[tilespmem:v37+s30+$0x0] =	vst.idx.msk $0xffff, v22  }
0xd2: {  	v57 =	vmov s25;
	s25 =	simm.s32 $0x9;
	v19 =	vadd.s32 v8, v20;
	v61 =	vld [tilespmem:s23+$0xFFFFFFF0];
	[tilespmem:v29+s30+$0x0] =	vst.idx.msk $0xffff, v23;
	v23 =	vadd.f32 v40, v18  }
0xd3: {  	v59 =	vmov s25;
	s25 =	simm.s32 $0xA;
	v20 =	vadd.s32 v10, v21;
	v42 =	vld [tilespmem:s23+$0x10];
	[tilespmem:v27+s30+$0x0] =	vst.idx.msk $0xffff, v24;
	v63 =	vadd.f32 v35, v17  }
0xd4: {  	v32 =	vshrl.u32 v57, $0x3;
	v22 =	vmov s25;
	s25 =	simm.s32 $0xB;
	[tilespmem:v31+s30+$0x0] =	vst.idx.msk $0xffff, v23;
	v27 =	vadd.f32 v28, v17;
	v29 =	vld [tilespmem:s23+$0x30]  }
0xd5: {  	v31 =	vld [tilespmem:s23+$0x50];
	v24 =	vmov s25;
	s25 =	simm.s32 $0xC;
	v28 =	vadd.f32 v30, v17;
	v30 =	vadd.f32 v33, v17;
	[tilespmem:v62+s30+$0x0] =	vst.idx.msk $0xffff, v63  }
0xd6: {  	v21 =	vadd.s32 v14, v41;
	v23 =	vadd.s32 v12, v39;
	v25 =	vmov s25;
	s25 =	simm.s32 $0xD;
	[tilespmem:v26+s30+$0x0] =	vst.idx.msk $0xffff, v27  }
0xd7: {  	v32 =	vshll.u32 v32, v1;
	v26 =	vmov s25;
	s25 =	simm.s32 $0xE;
	[tilespmem:v60+s30+$0x0] =	vst.idx.msk $0xffff, v30;
	v30 =	vadd.f32 v61, v17  }
0xd8: {  	s24 =	simm.s32 $0x10;
	v33 =	vadd.f32 v42, v17;
	[tilespmem:v58+s30+$0x0] =	vst.idx.msk $0xffff, v28;
	v28 =	vshrl.u32 v59, $0x3;
	v27 =	vmov s25;
	s25 =	simm.s32 $0xF  }
.LBB2_9:
0xd9: {  	p0 =	slt.u32 s24, $0x78;
	v22 =	vshrl.u32 v22, $0x3;
	v34 =	vmov s25;
	[tilespmem:v19+s30+$0x0] =	vst.idx.msk $0xffff, v30;
	v19 =	vadd.f32 v29, v17  }
0xda: {  	v24 =	vshrl.u32 v24, $0x3;
	v29 =	vshrl.u32 v34, $0x3;
	[tilespmem:v20+s30+$0x0] =	vst.idx.msk $0xffff, v33;
	v20 =	vadd.f32 v31, v17  }
0xdb: {  	v25 =	vshrl.u32 v25, $0x3;
	v26 =	vshrl.u32 v26, $0x3;
	s23 =	sadd.s32 $0x100, s23;
	v29 =	vshll.u32 v29, v1;
	[tilespmem:v23+s30+$0x0] =	vst.idx.msk $0xffff, v19  }
0xdc: {  	v19 =	vbroadcast v32, $0x0;
	v23 =	vshrl.u32 v27, $0x3;
	v27 =	vld [tilespmem:s23+$0x60];
	v29 =	vbroadcast v29, $0x0;
	[tilespmem:v21+s30+$0x0] =	vst.idx.msk $0xffff, v20  }
0xdd: {  	v22 =	vshll.u32 v22, v1;
	v24 =	vshll.u32 v24, v1;
	v21 =	vshll.u32 v28, v1;
	v20 =	vld [tilespmem:s23+$0xFFFFFF80]  }
0xde: {  	v25 =	vshll.u32 v25, v1;
	v21 =	vbroadcast v21, $0x0;
	v28 =	vld [tilespmem:s23+$0xFFFFFFA0];
	v30 =	vadd.s32 v15, v29  }
0xdf: {  	v33 =	vbroadcast v22, $0x0;
	v22 =	vshll.u32 v26, v1;
	v31 =	vadd.s32 v0, v19;
	v32 =	vld [tilespmem:s23+$0xFFFFFFC0]  }
0xe0: {  	v35 =	vbroadcast v24, $0x0;
	v23 =	vshll.u32 v23, v1;
	v26 =	vadd.s32 v3, v21;
	v34 =	vld [tilespmem:s23+$0xFFFFFFE0]  }
0xe1: {  	v37 =	vbroadcast v25, $0x0;
	v24 =	vadd.s32 v5, v33;
	v36 =	vld [tilespmem:s23+$0x0];
	v25 =	vadd.f32 v27, v18  }
0xe2: {  	v39 =	vbroadcast v22, $0x0;
	v27 =	vadd.s32 v7, v35;
	v20 =	vadd.f32 v20, v18;
	v38 =	vld [tilespmem:s23+$0x20]  }
0xe3: {  	v41 =	vbroadcast v23, $0x0;
	v22 =	vadd.f32 v28, v18;
	v28 =	vadd.s32 v9, v37;
	v40 =	vld [tilespmem:s23+$0x40];
	[tilespmem:v30+s30+$0x0] =	vst.idx.msk $0xffff, v25  }
0xe4: {  	v23 =	vadd.s32 v11, v39;
	[tilespmem:v31+s30+$0x0] =	vst.idx.msk $0xffff, v20;
	v20 =	vadd.f32 v32, v18;
	v25 =	vld [tilespmem:s23+$0x70]  }
0xe5: {  	v30 =	vld [tilespmem:s23+$0xFFFFFF90];
	[tilespmem:v26+s30+$0x0] =	vst.idx.msk $0xffff, v22;
	v22 =	vadd.f32 v34, v18;
	v26 =	vadd.s32 v13, v41  }
0xe6: {  	v31 =	vmov s24;
	v34 =	vadd.s32 v16, v29;
	v32 =	vld [tilespmem:s23+$0xFFFFFFB0];
	[tilespmem:v24+s30+$0x0] =	vst.idx.msk $0xffff, v20;
	v20 =	vadd.f32 v36, v18  }
0xe7: {  	s25 =	sadd.s32 $0x1, s24;
	v42 =	vadd.s32 v2, v19;
	v36 =	vshrl.u32 v31, $0x3;
	v43 =	vld [tilespmem:s23+$0xFFFFFFD0];
	[tilespmem:v27+s30+$0x0] =	vst.idx.msk $0xffff, v22;
	v19 =	vadd.f32 v38, v18  }
0xe8: {  	v21 =	vadd.s32 v4, v21;
	v38 =	vmov s25;
	s25 =	sadd.s32 $0x2, s24;
	v44 =	vld [tilespmem:s23+$0xFFFFFFF0];
	[tilespmem:v28+s30+$0x0] =	vst.idx.msk $0xffff, v20;
	v20 =	vadd.f32 v40, v18  }
0xe9: {  	v33 =	vadd.s32 v6, v33;
	v22 =	vmov s25;
	s25 =	sadd.s32 $0x3, s24;
	v40 =	vld [tilespmem:s23+$0x10];
	[tilespmem:v23+s30+$0x0] =	vst.idx.msk $0xffff, v19;
	v23 =	vadd.f32 v25, v17  }
.Ltmp4:
0xea: {  	v24 =	vmov s25;
	s25 =	sadd.s32 $0x4, s24;
	v19 =	vadd.s32 v8, v35;
	v27 =	vadd.f32 v30, v17;
	v29 =	vld [tilespmem:s23+$0x30];
	[tilespmem:v26+s30+$0x0] =	vst.idx.msk $0xffff, v20;
	(pc) =	sbr.rel @p0 .LBB2_9-.Ltmp4, $4  }
0xeb: {  	v25 =	vmov s25;
	s25 =	sadd.s32 $0x5, s24;
	v20 =	vadd.s32 v10, v37;
	v28 =	vadd.f32 v32, v17;
	v31 =	vld [tilespmem:s23+$0x50];
	[tilespmem:v34+s30+$0x0] =	vst.idx.msk $0xffff, v23  }
0xec: {  	v26 =	vmov s25;
	s25 =	sadd.s32 $0x6, s24;
	v23 =	vadd.s32 v12, v39;
	[tilespmem:v42+s30+$0x0] =	vst.idx.msk $0xffff, v27;
	v34 =	vadd.f32 v43, v17  }
0xed: {  	v27 =	vmov s25;
	[tilespmem:v21+s30+$0x0] =	vst.idx.msk $0xffff, v28;
	v30 =	vadd.f32 v44, v17;
	v21 =	vadd.s32 v14, v41  }
0xee: {  	v32 =	vshll.u32 v36, v1;
	s25 =	sadd.s32 $0x7, s24;
	s24 =	sadd.s32 $0x8, s24;
	v28 =	vshrl.u32 v38, $0x3;
	[tilespmem:v33+s30+$0x0] =	vst.idx.msk $0xffff, v34;
	v33 =	vadd.f32 v40, v17  }
0xef: {  	v22 =	vshrl.u32 v22, $0x3;
	v34 =	vmov s25;
	v29 =	vadd.f32 v29, v17  }
0xf0: {  	v24 =	vshrl.u32 v24, $0x3;
	v25 =	vshrl.u32 v25, $0x3;
	v26 =	vshrl.u32 v26, $0x3  }
0xf1: {  	s23 =	sadd.s32 $0x100, s23;
	v32 =	vbroadcast v32, $0x0;
	v27 =	vshrl.u32 v27, $0x3;
	v34 =	vshrl.u32 v34, $0x3  }
0xf2: {  	v28 =	vshll.u32 v28, v1;
	v31 =	vadd.f32 v31, v17;
	v36 =	vld [tilespmem:s23+$0xFFFFFF80];
	v34 =	vshll.u32 v34, v1  }
0xf3: {  	v35 =	vld [tilespmem:s23+$0x60];
	v22 =	vshll.u32 v22, v1;
	v24 =	vshll.u32 v24, v1;
	v34 =	vbroadcast v34, $0x0  }
0xf4: {  	[tilespmem:v19+s30+$0x0] =	vst.idx.msk $0xffff, v30;
	v37 =	vld [tilespmem:s23+$0xFFFFFFA0];
	v28 =	vbroadcast v28, $0x0;
	v25 =	vshll.u32 v25, v1;
	v19 =	vadd.s32 v0, v32  }
0xf5: {  	v30 =	vld [tilespmem:s23+$0xFFFFFFC0];
	v26 =	vshll.u32 v26, v1;
	[tilespmem:v20+s30+$0x0] =	vst.idx.msk $0xffff, v33;
	v22 =	vbroadcast v22, $0x0;
	v38 =	vadd.s32 v15, v34  }
0xf6: {  	v63 =	vld [tilespmem:s23+$0xFFFFFFE0];
	v27 =	vshll.u32 v27, v1;
	v24 =	vbroadcast v24, $0x0;
	[tilespmem:v23+s30+$0x0] =	vst.idx.msk $0xffff, v29;
	v20 =	vadd.s32 v3, v28  }
0xf7: {  	v29 =	vld [tilespmem:s23+$0x0];
	v25 =	vbroadcast v25, $0x0;
	[tilespmem:v21+s30+$0x0] =	vst.idx.msk $0xffff, v31;
	v23 =	vadd.s32 v5, v22;
	v21 =	vadd.f32 v36, v18  }
0xf8: {  	v44 =	vld [tilespmem:s23+$0x20];
	v26 =	vbroadcast v26, $0x0;
	v31 =	vadd.s32 v7, v24;
	v35 =	vadd.f32 v35, v18  }
0xf9: {  	v40 =	vld [tilespmem:s23+$0x40];
	v27 =	vbroadcast v27, $0x0;
	v39 =	vadd.s32 v9, v25;
	v37 =	vadd.f32 v37, v18;
	[tilespmem:v19+s30+$0x0] =	vst.idx.msk $0xffff, v21  }
0xfa: {  	v19 =	vadd.f32 v30, v18;
	v21 =	vadd.s32 v11, v26;
	v45 =	vld [tilespmem:s23+$0xFFFFFF90];
	[tilespmem:v38+s30+$0x0] =	vst.idx.msk $0xffff, v35  }
0xfb: {  	v46 =	vadd.s32 v13, v27;
	[tilespmem:v20+s30+$0x0] =	vst.idx.msk $0xffff, v37;
	v20 =	vadd.f32 v63, v18;
	v30 =	vld [tilespmem:s23+$0x70]  }
0xfc: {  	v37 =	vld [tilespmem:s23+$0xFFFFFFB0];
	[tilespmem:v23+s30+$0x0] =	vst.idx.msk $0xffff, v19;
	v19 =	vadd.f32 v29, v18;
	v29 =	vadd.s32 v2, v32  }
0xfd: {  	v23 =	vadd.s32 v16, v34;
	[tilespmem:v31+s30+$0x0] =	vst.idx.msk $0xffff, v20;
	v20 =	vadd.f32 v44, v18;
	v47 =	vld [tilespmem:s23+$0xFFFFFFD0]  }
0xfe: {  	v28 =	vadd.s32 v4, v28;
	v18 =	vadd.f32 v40, v18;
	v31 =	vld [tilespmem:s23+$0xFFFFFFF0];
	[tilespmem:v39+s30+$0x0] =	vst.idx.msk $0xffff, v19  }
0xff: {  	v19 =	vadd.s32 v6, v22;
	v22 =	vld [tilespmem:s23+$0x10];
	[tilespmem:v21+s30+$0x0] =	vst.idx.msk $0xffff, v20;
	v21 =	vadd.f32 v45, v17  }
0x100: {  	v24 =	vadd.s32 v8, v24;
	[tilespmem:v46+s30+$0x0] =	vst.idx.msk $0xffff, v18;
	v20 =	vadd.f32 v30, v17;
	v30 =	vld [tilespmem:s23+$0x30]  }
0x101: {  	v25 =	vadd.s32 v10, v25;
	v33 =	vld [tilespmem:s23+$0x50];
	v18 =	vadd.f32 v37, v17;
	[tilespmem:v29+s30+$0x0] =	vst.idx.msk $0xffff, v21  }
0x102: {  	v21 =	vadd.s32 v12, v26;
	[tilespmem:v23+s30+$0x0] =	vst.idx.msk $0xffff, v20;
	v20 =	vadd.f32 v47, v17  }
0x103: {  	[tilespmem:v28+s30+$0x0] =	vst.idx.msk $0xffff, v18;
	v18 =	vadd.f32 v31, v17;
	v23 =	vadd.s32 v14, v27  }
0x104: {  	[tilespmem:v19+s30+$0x0] =	vst.idx.msk $0xffff, v20;
	v19 =	vadd.f32 v22, v17  }
0x105: {  	s22 =	sshll.u32 s22, $0x11;
	[tilespmem:v24+s30+$0x0] =	vst.idx.msk $0xffff, v18;
	v18 =	vadd.f32 v30, v17  }
0x106: {  	s22 =	sor.u32 s4, s22;
	v17 =	vadd.f32 v33, v17;
	[tilespmem:v25+s30+$0x0] =	vst.idx.msk $0xffff, v19  }
0x107: {  	s22 =	sshrl.u32 s22, $0x3;
	[tilespmem:v21+s30+$0x0] =	vst.idx.msk $0xffff, v18  }
0x108: {  	s22 =	sadd.s32 s1, s22;
	[tilespmem:v23+s30+$0x0] =	vst.idx.msk $0xffff, v17  }
0x109: {  	[hbm4b:s22+s3] =	stream.linear.scatter [tilespmem:s30], [sflag:$0x6], $0x80, $0x38;
	[tilespmem:$0xDF00] =	vst v63  }
0x10a: {  	s24 =	simm.s32 $0xB588;
	s25 =	sadd.s32 $0x10, s22  }
0x10b: {  	[hbm4b:s25+s3] =	stream.linear.scatter [tilespmem:s24], [sflag:$0x6], $0x80, $0x38;
	[tilespmem:$0xDF00] =	vst v63  }
0x10c: {  	s24 =	sadd.s32 $0x20, s22;
	s25 =	simm.s32 $0xB610  }
0x10d: {  	[hbm4b:s24+s3] =	stream.linear.scatter [tilespmem:s25], [sflag:$0x6], $0x80, $0x38;
	[tilespmem:$0xDF00] =	vst v63  }
0x10e: {  	s24 =	sadd.s32 $0x30, s22;
	s25 =	simm.s32 $0xB698  }
0x10f: {  	[hbm4b:s24+s3] =	stream.linear.scatter [tilespmem:s25], [sflag:$0x6], $0x80, $0x38;
	[tilespmem:$0xDF00] =	vst v63  }
0x110: {  	s24 =	sadd.s32 $0x40, s22;
	s25 =	simm.s32 $0xB720  }
0x111: {  	[hbm4b:s24+s3] =	stream.linear.scatter [tilespmem:s25], [sflag:$0x6], $0x80, $0x38;
	[tilespmem:$0xDF00] =	vst v63  }
0x112: {  	s24 =	sadd.s32 $0x50, s22;
	s25 =	simm.s32 $0xB7A8  }
0x113: {  	[hbm4b:s24+s3] =	stream.linear.scatter [tilespmem:s25], [sflag:$0x6], $0x80, $0x38;
	[tilespmem:$0xDF00] =	vst v63  }
0x114: {  	s24 =	sadd.s32 $0x60, s22;
	s25 =	simm.s32 $0xB830  }
0x115: {  	[hbm4b:s24+s3] =	stream.linear.scatter [tilespmem:s25], [sflag:$0x6], $0x80, $0x38;
	[tilespmem:$0xDF00] =	vst v63  }
0x116: {  	s24 =	sadd.s32 $0x70, s22;
	s25 =	simm.s32 $0xB8B8  }
0x117: {  	[hbm4b:s24+s3] =	stream.linear.scatter [tilespmem:s25], [sflag:$0x6], $0x80, $0x38;
	[tilespmem:$0xDF00] =	vst v63  }
0x118: {  	s24 =	sadd.s32 $0x1000, s22;
	s25 =	simm.s32 $0xB940  }
0x119: {  	[hbm4b:s24+s3] =	stream.linear.scatter [tilespmem:s25], [sflag:$0x6], $0x80, $0x38;
	[tilespmem:$0xDF00] =	vst v63  }
0x11a: {  	s24 =	sadd.s32 $0x1010, s22;
	s25 =	simm.s32 $0xB9C8  }
0x11b: {  	[hbm4b:s24+s3] =	stream.linear.scatter [tilespmem:s25], [sflag:$0x6], $0x80, $0x38;
	[tilespmem:$0xDF00] =	vst v63  }
0x11c: {  	s24 =	sadd.s32 $0x1020, s22;
	s25 =	simm.s32 $0xBA50  }
0x11d: {  	[hbm4b:s24+s3] =	stream.linear.scatter [tilespmem:s25], [sflag:$0x6], $0x80, $0x38;
	[tilespmem:$0xDF00] =	vst v63  }
0x11e: {  	s24 =	sadd.s32 $0x1030, s22;
	s25 =	simm.s32 $0xBAD8  }
0x11f: {  	[hbm4b:s24+s3] =	stream.linear.scatter [tilespmem:s25], [sflag:$0x6], $0x80, $0x38;
	[tilespmem:$0xDF00] =	vst v63  }
0x120: {  	s24 =	sadd.s32 $0x1040, s22;
	s25 =	simm.s32 $0xBB60  }
0x121: {  	[hbm4b:s24+s3] =	stream.linear.scatter [tilespmem:s25], [sflag:$0x6], $0x80, $0x38;
	[tilespmem:$0xDF00] =	vst v63  }
0x122: {  	s24 =	sadd.s32 $0x1050, s22;
	s25 =	simm.s32 $0xBBE8  }
0x123: {  	[hbm4b:s24+s3] =	stream.linear.scatter [tilespmem:s25], [sflag:$0x6], $0x80, $0x38;
	[tilespmem:$0xDF00] =	vst v63  }
0x124: {  	s24 =	sadd.s32 $0x1060, s22;
	s25 =	simm.s32 $0xBC70  }
0x125: {  	[hbm4b:s24+s3] =	stream.linear.scatter [tilespmem:s25], [sflag:$0x6], $0x80, $0x38;
	[tilespmem:$0xDF00] =	vst v63  }
0x126: {  	s24 =	sadd.s32 $0x1070, s22;
	s25 =	simm.s32 $0xBCF8  }
0x127: {  	[hbm4b:s24+s3] =	stream.linear.scatter [tilespmem:s25], [sflag:$0x6], $0x80, $0x38;
	[tilespmem:$0xDF00] =	vst v63  }
0x128: {  	s24 =	sadd.s32 $0x2000, s22;
	s25 =	simm.s32 $0xBD80  }
0x129: {  	[hbm4b:s24+s3] =	stream.linear.scatter [tilespmem:s25], [sflag:$0x6], $0x80, $0x38;
	[tilespmem:$0xDF00] =	vst v63  }
0x12a: {  	s24 =	sadd.s32 $0x2010, s22;
	s25 =	simm.s32 $0xBE08  }
0x12b: {  	[hbm4b:s24+s3] =	stream.linear.scatter [tilespmem:s25], [sflag:$0x6], $0x80, $0x38;
	[tilespmem:$0xDF00] =	vst v63  }
0x12c: {  	s24 =	sadd.s32 $0x2020, s22;
	s25 =	simm.s32 $0xBE90  }
0x12d: {  	[hbm4b:s24+s3] =	stream.linear.scatter [tilespmem:s25], [sflag:$0x6], $0x80, $0x38;
	[tilespmem:$0xDF00] =	vst v63  }
0x12e: {  	s24 =	sadd.s32 $0x2030, s22;
	s25 =	simm.s32 $0xBF18  }
0x12f: {  	[hbm4b:s24+s3] =	stream.linear.scatter [tilespmem:s25], [sflag:$0x6], $0x80, $0x38;
	[tilespmem:$0xDF00] =	vst v63  }
0x130: {  	s24 =	sadd.s32 $0x2040, s22;
	s25 =	simm.s32 $0xBFA0  }
0x131: {  	[hbm4b:s24+s3] =	stream.linear.scatter [tilespmem:s25], [sflag:$0x6], $0x80, $0x38;
	[tilespmem:$0xDF00] =	vst v63  }
0x132: {  	s24 =	sadd.s32 $0x2050, s22;
	s25 =	simm.s32 $0xC028  }
0x133: {  	[hbm4b:s24+s3] =	stream.linear.scatter [tilespmem:s25], [sflag:$0x6], $0x80, $0x38;
	[tilespmem:$0xDF00] =	vst v63  }
0x134: {  	s25 =	sadd.s32 $0x2060, s22  }
0x135: {  	[hbm4b:s25+s3] =	stream.linear.scatter [tilespmem:s26], [sflag:$0x6], $0x80, $0x38;
	[tilespmem:$0xDF00] =	vst v63  }
0x136: {  	s24 =	sadd.s32 $0x2070, s22  }
0x137: {  	[hbm4b:s24+s3] =	stream.linear.scatter [tilespmem:s31], [sflag:$0x6], $0x80, $0x38;
	[tilespmem:$0xDF00] =	vst v63  }
0x138: {  	s25 =	sadd.s32 $0x3000, s22  }
0x139: {  	[hbm4b:s25+s3] =	stream.linear.scatter [tilespmem:s0], [sflag:$0x6], $0x80, $0x38;
	[tilespmem:$0xDF00] =	vst v63  }
0x13a: {  	s24 =	sadd.s32 $0x3010, s22  }
0x13b: {  	[hbm4b:s24+s3] =	stream.linear.scatter [tilespmem:s2], [sflag:$0x6], $0x80, $0x38;
	[tilespmem:$0xDF00] =	vst v63  }
0x13c: {  	s25 =	sadd.s32 $0x3020, s22  }
0x13d: {  	[hbm4b:s25+s3] =	stream.linear.scatter [tilespmem:s9], [sflag:$0x6], $0x80, $0x38;
	[tilespmem:$0xDF00] =	vst v63  }
0x13e: {  	s24 =	sadd.s32 $0x3030, s22  }
0x13f: {  	[hbm4b:s24+s3] =	stream.linear.scatter [tilespmem:s11], [sflag:$0x6], $0x80, $0x38;
	[tilespmem:$0xDF00] =	vst v63  }
0x140: {  	s25 =	sadd.s32 $0x3040, s22  }
0x141: {  	[hbm4b:s25+s3] =	stream.linear.scatter [tilespmem:s12], [sflag:$0x6], $0x80, $0x38;
	[tilespmem:$0xDF00] =	vst v63  }
0x142: {  	s24 =	sadd.s32 $0x3050, s22  }
0x143: {  	[hbm4b:s24+s3] =	stream.linear.scatter [tilespmem:s15], [sflag:$0x6], $0x80, $0x38;
	[tilespmem:$0xDF00] =	vst v63  }
0x144: {  	s25 =	sadd.s32 $0x3060, s22  }
0x145: {  	[hbm4b:s25+s3] =	stream.linear.scatter [tilespmem:s16], [sflag:$0x6], $0x80, $0x38;
	[tilespmem:$0xDF00] =	vst v63  }
0x146: {  	p0 =	seq.s32 s10, $0x31;
	s22 =	sadd.s32 $0x3070, s22  }
0x147: {  	[hbm4b:s22+s3] =	stream.linear.scatter [tilespmem:s17], [sflag:$0x6], $0x80, $0x38;
	[tilespmem:$0xDF00] =	vst v63  }
0x148: {  	s23 =	simm.s32 @!p0 $0x80;
	s22 =	sadd.s32 @!p0 $0x280, s13  }
0x149: {  	s24 =	simm.s32 @!p0 $0x7400;
	s25 =	simm.s32 $0x1;
	s22 =	sand.u32 @!p0 $0xFE80, s22  }
0x14a: {  	[tilespmem:s24], [sflag:$0x2] =	stream.indirect.gather @!p0 [hbm4b:s5+s23], $0x20, s22, s23, $0xb8;
	[tilespmem:$0xDF00] =	vst v63  }
0x14b: {  	s21 =	sor.u32 $0x2, s21;
	v18 =	vmov s25;
	s25 =	simm.s32 $0x4;
	_ =	swait.ge [sflag:s6], $0x1000  }
0x14c: {  	v21 =	vmov s25;
	s25 =	sshll.u32 s21, $0x5;
	[sflag:s6] =	ssyncset.done $0x0  }
0x14d: {  	v25 =	vshrl.u32 v18, $0x3;
	v21 =	vshrl.u32 v21, $0x3;
	s24 =	simm.s32 $0x0;
	s23 =	simm.s32 $0x2;
	[sflag:s6] =	ssyncadd.s32 $0xFFFFF000  }
0x14e: {  	v25 =	vshll.u32 v25, v1;
	v17 =	vmov s24;
	s24 =	simm.s32 $0x3;
	v19 =	vmov s23;
	s23 =	simm.s32 $0x5;
	_ =	swait.ge [sflag:s7], $0x1000  }
0x14f: {  	v20 =	vmov s24;
	s24 =	simm.s32 $0x6;
	v17 =	vshrl.u32 v17, $0x3;
	v22 =	vmov s23;
	s23 =	simm.s32 $0x7;
	[sflag:s7] =	ssyncset.done $0x0  }
0x150: {  	v23 =	vmov s24;
	s24 =	sand.u32 $0x3FFFFFE0, s25;
	v24 =	vshll.u32 v17, v1;
	v17 =	vmov s23;
	[sflag:s7] =	ssyncadd.s32 $0xFFFFF000  }
0x151: {  	v25 =	vbroadcast v25, $0x0;
	v21 =	vshll.u32 v21, v1;
	v26 =	vshrl.u32 v17, $0x3;
	v18 =	vld [tilespmem:s24+$0xC600]  }
0x152: {  	s22 =	simm.s32 $0x8480;
	v21 =	vbroadcast v21, $0x0;
	v19 =	vshrl.u32 v19, $0x3;
	v26 =	vshll.u32 v26, v1;
	v17 =	vld [tilespmem:s24+$0xC610]  }
0x153: {  	v49 =	vadd.s32 v3, v25;
	v60 =	vadd.s32 v4, v25;
	v26 =	vbroadcast v26, $0x0;
	v27 =	vld [tilespmem:s22+$0x60]  }
0x154: {  	v20 =	vshrl.u32 v20, $0x3;
	v22 =	vshrl.u32 v22, $0x3;
	v24 =	vbroadcast v24, $0x0;
	v28 =	vld [tilespmem:s22+$0xFFFFFF80]  }
0x155: {  	v19 =	vshll.u32 v19, v1;
	v23 =	vshrl.u32 v23, $0x3;
	v29 =	vld [tilespmem:s22+$0xFFFFFFA0];
	v30 =	vadd.s32 v15, v26  }
0x156: {  	v20 =	vshll.u32 v20, v1;
	v19 =	vbroadcast v19, $0x0;
	v31 =	vadd.s32 v0, v24;
	v48 =	vld [tilespmem:s22+$0xFFFFFFC0]  }
0x157: {  	v22 =	vshll.u32 v22, v1;
	v20 =	vbroadcast v20, $0x0;
	v23 =	vshll.u32 v23, v1;
	v50 =	vld [tilespmem:s22+$0xFFFFFFE0]  }
0x158: {  	v55 =	vbroadcast v22, $0x0;
	v51 =	vadd.s32 v5, v19;
	v52 =	vld [tilespmem:s22+$0x0];
	v27 =	vadd.f32 v27, v18  }
0x159: {  	v58 =	vadd.s32 v2, v24;
	v53 =	vadd.s32 v7, v20;
	v54 =	vld [tilespmem:s22+$0x20];
	v28 =	vadd.f32 v28, v18  }
0x15a: {  	v41 =	vbroadcast v23, $0x0;
	v56 =	vld [tilespmem:s22+$0x40];
	v22 =	vadd.f32 v29, v18;
	v29 =	vadd.s32 v9, v21;
	[tilespmem:v30+s20+$0x0] =	vst.idx.msk $0xffff, v27  }
0x15b: {  	v23 =	vadd.f32 v48, v18;
	[tilespmem:v31+s20+$0x0] =	vst.idx.msk $0xffff, v28;
	v27 =	vadd.s32 v11, v55;
	v28 =	vld [tilespmem:s22+$0x70]  }
0x15c: {  	s25 =	simm.s32 $0x8;
	[tilespmem:v49+s20+$0x0] =	vst.idx.msk $0xffff, v22;
	v22 =	vadd.f32 v50, v18;
	v31 =	vadd.s32 v13, v41;
	v30 =	vld [tilespmem:s22+$0xFFFFFF90]  }
0x15d: {  	v57 =	vmov s25;
	v26 =	vadd.s32 v16, v26;
	[tilespmem:v51+s20+$0x0] =	vst.idx.msk $0xffff, v23;
	v23 =	vadd.f32 v52, v18;
	v33 =	vld [tilespmem:s22+$0xFFFFFFB0]  }
0x15e: {  	v32 =	vshrl.u32 v57, $0x3;
	v62 =	vadd.s32 v6, v19;
	v24 =	vadd.f32 v54, v18;
	v35 =	vld [tilespmem:s22+$0xFFFFFFD0];
	[tilespmem:v53+s20+$0x0] =	vst.idx.msk $0xffff, v22  }
0x15f: {  	v32 =	vshll.u32 v32, v1;
	v61 =	vld [tilespmem:s22+$0xFFFFFFF0];
	[tilespmem:v29+s20+$0x0] =	vst.idx.msk $0xffff, v23;
	v23 =	vadd.f32 v56, v18  }
0x160: {  	s24 =	simm.s32 $0x9;
	v19 =	vadd.s32 v8, v20;
	v42 =	vld [tilespmem:s22+$0x10];
	[tilespmem:v27+s20+$0x0] =	vst.idx.msk $0xffff, v24;
	v27 =	vadd.f32 v28, v17  }
0x161: {  	s25 =	simm.s32 $0xA;
	v20 =	vadd.s32 v10, v21;
	v59 =	vmov s24;
	[tilespmem:v31+s20+$0x0] =	vst.idx.msk $0xffff, v23;
	v28 =	vadd.f32 v30, v17;
	v29 =	vld [tilespmem:s22+$0x30]  }
0x162: {  	s24 =	simm.s32 $0xB;
	v21 =	vadd.s32 v14, v41;
	v22 =	vmov s25;
	v30 =	vadd.f32 v33, v17;
	v31 =	vld [tilespmem:s22+$0x50];
	[tilespmem:v26+s20+$0x0] =	vst.idx.msk $0xffff, v27  }
0x163: {  	s25 =	simm.s32 $0xC;
	v24 =	vmov s24;
	s24 =	simm.s32 $0xD;
	v23 =	vadd.s32 v12, v55;
	v63 =	vadd.f32 v35, v17;
	[tilespmem:v58+s20+$0x0] =	vst.idx.msk $0xffff, v28  }
0x164: {  	v25 =	vmov s25;
	s25 =	simm.s32 $0xE;
	v26 =	vmov s24;
	[tilespmem:v60+s20+$0x0] =	vst.idx.msk $0xffff, v30;
	v30 =	vadd.f32 v61, v17  }
0x165: {  	s23 =	simm.s32 $0x10;
	v27 =	vmov s25;
	v28 =	vshrl.u32 v59, $0x3;
	s24 =	simm.s32 $0xF;
	[tilespmem:v62+s20+$0x0] =	vst.idx.msk $0xffff, v63;
	v33 =	vadd.f32 v42, v17  }
.LBB2_11:
0x166: {  	p1 =	slt.u32 s23, $0x78;
	v22 =	vshrl.u32 v22, $0x3;
	v34 =	vmov s24;
	[tilespmem:v19+s20+$0x0] =	vst.idx.msk $0xffff, v30;
	v19 =	vadd.f32 v29, v17  }
0x167: {  	v24 =	vshrl.u32 v24, $0x3;
	v29 =	vshrl.u32 v34, $0x3;
	[tilespmem:v20+s20+$0x0] =	vst.idx.msk $0xffff, v33;
	v20 =	vadd.f32 v31, v17  }
0x168: {  	v25 =	vshrl.u32 v25, $0x3;
	v26 =	vshrl.u32 v26, $0x3;
	s22 =	sadd.s32 $0x100, s22;
	v29 =	vshll.u32 v29, v1;
	[tilespmem:v23+s20+$0x0] =	vst.idx.msk $0xffff, v19  }
0x169: {  	v19 =	vbroadcast v32, $0x0;
	v23 =	vshrl.u32 v27, $0x3;
	v27 =	vld [tilespmem:s22+$0x60];
	v29 =	vbroadcast v29, $0x0;
	[tilespmem:v21+s20+$0x0] =	vst.idx.msk $0xffff, v20  }
0x16a: {  	v22 =	vshll.u32 v22, v1;
	v24 =	vshll.u32 v24, v1;
	v21 =	vshll.u32 v28, v1;
	v20 =	vld [tilespmem:s22+$0xFFFFFF80]  }
0x16b: {  	v25 =	vshll.u32 v25, v1;
	v21 =	vbroadcast v21, $0x0;
	v28 =	vld [tilespmem:s22+$0xFFFFFFA0];
	v30 =	vadd.s32 v15, v29  }
0x16c: {  	v33 =	vbroadcast v22, $0x0;
	v22 =	vshll.u32 v26, v1;
	v31 =	vadd.s32 v0, v19;
	v32 =	vld [tilespmem:s22+$0xFFFFFFC0]  }
0x16d: {  	v35 =	vbroadcast v24, $0x0;
	v23 =	vshll.u32 v23, v1;
	v26 =	vadd.s32 v3, v21;
	v34 =	vld [tilespmem:s22+$0xFFFFFFE0]  }
0x16e: {  	v37 =	vbroadcast v25, $0x0;
	v24 =	vadd.s32 v5, v33;
	v36 =	vld [tilespmem:s22+$0x0];
	v25 =	vadd.f32 v27, v18  }
0x16f: {  	v39 =	vbroadcast v22, $0x0;
	v27 =	vadd.s32 v7, v35;
	v20 =	vadd.f32 v20, v18;
	v38 =	vld [tilespmem:s22+$0x20]  }
0x170: {  	v41 =	vbroadcast v23, $0x0;
	v22 =	vadd.f32 v28, v18;
	v28 =	vadd.s32 v9, v37;
	v40 =	vld [tilespmem:s22+$0x40];
	[tilespmem:v30+s20+$0x0] =	vst.idx.msk $0xffff, v25  }
0x171: {  	v23 =	vadd.s32 v11, v39;
	[tilespmem:v31+s20+$0x0] =	vst.idx.msk $0xffff, v20;
	v20 =	vadd.f32 v32, v18;
	v25 =	vld [tilespmem:s22+$0x70]  }
0x172: {  	v30 =	vld [tilespmem:s22+$0xFFFFFF90];
	[tilespmem:v26+s20+$0x0] =	vst.idx.msk $0xffff, v22;
	v22 =	vadd.f32 v34, v18;
	v26 =	vadd.s32 v13, v41  }
0x173: {  	v31 =	vmov s23;
	v34 =	vadd.s32 v16, v29;
	v32 =	vld [tilespmem:s22+$0xFFFFFFB0];
	[tilespmem:v24+s20+$0x0] =	vst.idx.msk $0xffff, v20;
	v20 =	vadd.f32 v36, v18  }
0x174: {  	s24 =	sadd.s32 $0x1, s23;
	v42 =	vadd.s32 v2, v19;
	v36 =	vshrl.u32 v31, $0x3;
	v43 =	vld [tilespmem:s22+$0xFFFFFFD0];
	[tilespmem:v27+s20+$0x0] =	vst.idx.msk $0xffff, v22;
	v19 =	vadd.f32 v38, v18  }
0x175: {  	v21 =	vadd.s32 v4, v21;
	v38 =	vmov s24;
	s24 =	sadd.s32 $0x2, s23;
	v44 =	vld [tilespmem:s22+$0xFFFFFFF0];
	[tilespmem:v28+s20+$0x0] =	vst.idx.msk $0xffff, v20;
	v20 =	vadd.f32 v40, v18  }
0x176: {  	v33 =	vadd.s32 v6, v33;
	v22 =	vmov s24;
	s24 =	sadd.s32 $0x3, s23;
	v40 =	vld [tilespmem:s22+$0x10];
	[tilespmem:v23+s20+$0x0] =	vst.idx.msk $0xffff, v19;
	v23 =	vadd.f32 v25, v17  }
.Ltmp5:
0x177: {  	v24 =	vmov s24;
	s24 =	sadd.s32 $0x4, s23;
	v19 =	vadd.s32 v8, v35;
	v27 =	vadd.f32 v30, v17;
	v29 =	vld [tilespmem:s22+$0x30];
	[tilespmem:v26+s20+$0x0] =	vst.idx.msk $0xffff, v20;
	(pc) =	sbr.rel @p1 .LBB2_11-.Ltmp5, $4  }
0x178: {  	v25 =	vmov s24;
	s24 =	sadd.s32 $0x5, s23;
	v20 =	vadd.s32 v10, v37;
	v28 =	vadd.f32 v32, v17;
	v31 =	vld [tilespmem:s22+$0x50];
	[tilespmem:v34+s20+$0x0] =	vst.idx.msk $0xffff, v23  }
0x179: {  	v26 =	vmov s24;
	s24 =	sadd.s32 $0x6, s23;
	v23 =	vadd.s32 v12, v39;
	[tilespmem:v42+s20+$0x0] =	vst.idx.msk $0xffff, v27;
	v34 =	vadd.f32 v43, v17  }
0x17a: {  	v27 =	vmov s24;
	[tilespmem:v21+s20+$0x0] =	vst.idx.msk $0xffff, v28;
	v30 =	vadd.f32 v44, v17;
	v21 =	vadd.s32 v14, v41  }
0x17b: {  	v32 =	vshll.u32 v36, v1;
	s24 =	sadd.s32 $0x7, s23;
	s23 =	sadd.s32 $0x8, s23;
	v28 =	vshrl.u32 v38, $0x3;
	[tilespmem:v33+s20+$0x0] =	vst.idx.msk $0xffff, v34;
	v33 =	vadd.f32 v40, v17  }
0x17c: {  	v34 =	vmov s24;
	v22 =	vshrl.u32 v22, $0x3;
	v29 =	vadd.f32 v29, v17  }
0x17d: {  	v24 =	vshrl.u32 v24, $0x3;
	v25 =	vshrl.u32 v25, $0x3;
	v26 =	vshrl.u32 v26, $0x3  }
0x17e: {  	s22 =	sadd.s32 $0x100, s22;
	v32 =	vbroadcast v32, $0x0;
	v27 =	vshrl.u32 v27, $0x3;
	v34 =	vshrl.u32 v34, $0x3  }
0x17f: {  	v28 =	vshll.u32 v28, v1;
	v31 =	vadd.f32 v31, v17;
	v36 =	vld [tilespmem:s22+$0xFFFFFF80];
	v34 =	vshll.u32 v34, v1  }
0x180: {  	v35 =	vld [tilespmem:s22+$0x60];
	v22 =	vshll.u32 v22, v1;
	v24 =	vshll.u32 v24, v1;
	v34 =	vbroadcast v34, $0x0  }
0x181: {  	[tilespmem:v19+s20+$0x0] =	vst.idx.msk $0xffff, v30;
	v37 =	vld [tilespmem:s22+$0xFFFFFFA0];
	v28 =	vbroadcast v28, $0x0;
	v25 =	vshll.u32 v25, v1;
	v19 =	vadd.s32 v0, v32  }
0x182: {  	v30 =	vld [tilespmem:s22+$0xFFFFFFC0];
	v26 =	vshll.u32 v26, v1;
	[tilespmem:v20+s20+$0x0] =	vst.idx.msk $0xffff, v33;
	v22 =	vbroadcast v22, $0x0;
	v38 =	vadd.s32 v15, v34  }
0x183: {  	v63 =	vld [tilespmem:s22+$0xFFFFFFE0];
	v27 =	vshll.u32 v27, v1;
	v24 =	vbroadcast v24, $0x0;
	[tilespmem:v23+s20+$0x0] =	vst.idx.msk $0xffff, v29;
	v20 =	vadd.s32 v3, v28  }
0x184: {  	v29 =	vld [tilespmem:s22+$0x0];
	v25 =	vbroadcast v25, $0x0;
	[tilespmem:v21+s20+$0x0] =	vst.idx.msk $0xffff, v31;
	v23 =	vadd.s32 v5, v22;
	v21 =	vadd.f32 v36, v18  }
0x185: {  	v44 =	vld [tilespmem:s22+$0x20];
	v26 =	vbroadcast v26, $0x0;
	v31 =	vadd.s32 v7, v24;
	v35 =	vadd.f32 v35, v18  }
0x186: {  	v40 =	vld [tilespmem:s22+$0x40];
	v27 =	vbroadcast v27, $0x0;
	v39 =	vadd.s32 v9, v25;
	v37 =	vadd.f32 v37, v18;
	[tilespmem:v19+s20+$0x0] =	vst.idx.msk $0xffff, v21  }
0x187: {  	v19 =	vadd.f32 v30, v18;
	v21 =	vadd.s32 v11, v26;
	v45 =	vld [tilespmem:s22+$0xFFFFFF90];
	[tilespmem:v38+s20+$0x0] =	vst.idx.msk $0xffff, v35  }
0x188: {  	v46 =	vadd.s32 v13, v27;
	[tilespmem:v20+s20+$0x0] =	vst.idx.msk $0xffff, v37;
	v20 =	vadd.f32 v63, v18;
	v30 =	vld [tilespmem:s22+$0x70]  }
0x189: {  	v37 =	vld [tilespmem:s22+$0xFFFFFFB0];
	[tilespmem:v23+s20+$0x0] =	vst.idx.msk $0xffff, v19;
	v19 =	vadd.f32 v29, v18;
	v29 =	vadd.s32 v2, v32  }
0x18a: {  	v23 =	vadd.s32 v16, v34;
	[tilespmem:v31+s20+$0x0] =	vst.idx.msk $0xffff, v20;
	v20 =	vadd.f32 v44, v18;
	v47 =	vld [tilespmem:s22+$0xFFFFFFD0]  }
0x18b: {  	v28 =	vadd.s32 v4, v28;
	v18 =	vadd.f32 v40, v18;
	v31 =	vld [tilespmem:s22+$0xFFFFFFF0];
	[tilespmem:v39+s20+$0x0] =	vst.idx.msk $0xffff, v19  }
0x18c: {  	v19 =	vadd.s32 v6, v22;
	v22 =	vld [tilespmem:s22+$0x10];
	[tilespmem:v21+s20+$0x0] =	vst.idx.msk $0xffff, v20;
	v21 =	vadd.f32 v45, v17  }
0x18d: {  	v24 =	vadd.s32 v8, v24;
	[tilespmem:v46+s20+$0x0] =	vst.idx.msk $0xffff, v18;
	v20 =	vadd.f32 v30, v17;
	v30 =	vld [tilespmem:s22+$0x30]  }
0x18e: {  	v25 =	vadd.s32 v10, v25;
	v33 =	vld [tilespmem:s22+$0x50];
	v18 =	vadd.f32 v37, v17;
	[tilespmem:v29+s20+$0x0] =	vst.idx.msk $0xffff, v21  }
0x18f: {  	v21 =	vadd.s32 v12, v26;
	[tilespmem:v23+s20+$0x0] =	vst.idx.msk $0xffff, v20;
	v20 =	vadd.f32 v47, v17  }
0x190: {  	[tilespmem:v28+s20+$0x0] =	vst.idx.msk $0xffff, v18;
	v18 =	vadd.f32 v31, v17;
	v23 =	vadd.s32 v14, v27  }
0x191: {  	[tilespmem:v19+s20+$0x0] =	vst.idx.msk $0xffff, v20;
	v19 =	vadd.f32 v22, v17  }
0x192: {  	s21 =	sshll.u32 s21, $0x11;
	[tilespmem:v24+s20+$0x0] =	vst.idx.msk $0xffff, v18;
	v18 =	vadd.f32 v30, v17  }
0x193: {  	s21 =	sor.u32 s4, s21;
	v17 =	vadd.f32 v33, v17;
	[tilespmem:v25+s20+$0x0] =	vst.idx.msk $0xffff, v19  }
0x194: {  	s21 =	sshrl.u32 s21, $0x3;
	[tilespmem:v21+s20+$0x0] =	vst.idx.msk $0xffff, v18  }
0x195: {  	s21 =	sadd.s32 s1, s21;
	[tilespmem:v23+s20+$0x0] =	vst.idx.msk $0xffff, v17  }
0x196: {  	[hbm4b:s21+s3] =	stream.linear.scatter [tilespmem:s20], [sflag:$0x5], $0x80, $0x38;
	[tilespmem:$0xDF00] =	vst v63  }
0x197: {  	s25 =	simm.s32 $0xA488;
	s23 =	sadd.s32 $0x10, s21  }
0x198: {  	[hbm4b:s23+s3] =	stream.linear.scatter [tilespmem:s25], [sflag:$0x5], $0x80, $0x38;
	[tilespmem:$0xDF00] =	vst v63  }
0x199: {  	s24 =	sadd.s32 $0x20, s21;
	s23 =	simm.s32 $0xA510  }
0x19a: {  	[hbm4b:s24+s3] =	stream.linear.scatter [tilespmem:s23], [sflag:$0x5], $0x80, $0x38;
	[tilespmem:$0xDF00] =	vst v63  }
0x19b: {  	s23 =	sadd.s32 $0x30, s21;
	s24 =	simm.s32 $0xA598  }
0x19c: {  	[hbm4b:s23+s3] =	stream.linear.scatter [tilespmem:s24], [sflag:$0x5], $0x80, $0x38;
	[tilespmem:$0xDF00] =	vst v63  }
0x19d: {  	s23 =	sadd.s32 $0x40, s21;
	s24 =	simm.s32 $0xA620  }
0x19e: {  	[hbm4b:s23+s3] =	stream.linear.scatter [tilespmem:s24], [sflag:$0x5], $0x80, $0x38;
	[tilespmem:$0xDF00] =	vst v63  }
0x19f: {  	s23 =	sadd.s32 $0x50, s21;
	s24 =	simm.s32 $0xA6A8  }
0x1a0: {  	[hbm4b:s23+s3] =	stream.linear.scatter [tilespmem:s24], [sflag:$0x5], $0x80, $0x38;
	[tilespmem:$0xDF00] =	vst v63  }
0x1a1: {  	s23 =	sadd.s32 $0x60, s21;
	s24 =	simm.s32 $0xA730  }
0x1a2: {  	[hbm4b:s23+s3] =	stream.linear.scatter [tilespmem:s24], [sflag:$0x5], $0x80, $0x38;
	[tilespmem:$0xDF00] =	vst v63  }
0x1a3: {  	s23 =	sadd.s32 $0x70, s21;
	s24 =	simm.s32 $0xA7B8  }
0x1a4: {  	[hbm4b:s23+s3] =	stream.linear.scatter [tilespmem:s24], [sflag:$0x5], $0x80, $0x38;
	[tilespmem:$0xDF00] =	vst v63  }
0x1a5: {  	s23 =	sadd.s32 $0x1000, s21;
	s24 =	simm.s32 $0xA840  }
0x1a6: {  	[hbm4b:s23+s3] =	stream.linear.scatter [tilespmem:s24], [sflag:$0x5], $0x80, $0x38;
	[tilespmem:$0xDF00] =	vst v63  }
0x1a7: {  	s23 =	sadd.s32 $0x1010, s21;
	s24 =	simm.s32 $0xA8C8  }
0x1a8: {  	[hbm4b:s23+s3] =	stream.linear.scatter [tilespmem:s24], [sflag:$0x5], $0x80, $0x38;
	[tilespmem:$0xDF00] =	vst v63  }
0x1a9: {  	s23 =	sadd.s32 $0x1020, s21;
	s24 =	simm.s32 $0xA950  }
0x1aa: {  	[hbm4b:s23+s3] =	stream.linear.scatter [tilespmem:s24], [sflag:$0x5], $0x80, $0x38;
	[tilespmem:$0xDF00] =	vst v63  }
0x1ab: {  	s23 =	sadd.s32 $0x1030, s21;
	s24 =	simm.s32 $0xA9D8  }
0x1ac: {  	[hbm4b:s23+s3] =	stream.linear.scatter [tilespmem:s24], [sflag:$0x5], $0x80, $0x38;
	[tilespmem:$0xDF00] =	vst v63  }
0x1ad: {  	s23 =	sadd.s32 $0x1040, s21;
	s24 =	simm.s32 $0xAA60  }
0x1ae: {  	[hbm4b:s23+s3] =	stream.linear.scatter [tilespmem:s24], [sflag:$0x5], $0x80, $0x38;
	[tilespmem:$0xDF00] =	vst v63  }
0x1af: {  	s23 =	sadd.s32 $0x1050, s21;
	s24 =	simm.s32 $0xAAE8  }
0x1b0: {  	[hbm4b:s23+s3] =	stream.linear.scatter [tilespmem:s24], [sflag:$0x5], $0x80, $0x38;
	[tilespmem:$0xDF00] =	vst v63  }
0x1b1: {  	s23 =	sadd.s32 $0x1060, s21;
	s24 =	simm.s32 $0xAB70  }
0x1b2: {  	[hbm4b:s23+s3] =	stream.linear.scatter [tilespmem:s24], [sflag:$0x5], $0x80, $0x38;
	[tilespmem:$0xDF00] =	vst v63  }
0x1b3: {  	s23 =	sadd.s32 $0x1070, s21;
	s24 =	simm.s32 $0xABF8  }
0x1b4: {  	[hbm4b:s23+s3] =	stream.linear.scatter [tilespmem:s24], [sflag:$0x5], $0x80, $0x38;
	[tilespmem:$0xDF00] =	vst v63  }
0x1b5: {  	s23 =	sadd.s32 $0x2000, s21;
	s24 =	simm.s32 $0xAC80  }
0x1b6: {  	[hbm4b:s23+s3] =	stream.linear.scatter [tilespmem:s24], [sflag:$0x5], $0x80, $0x38;
	[tilespmem:$0xDF00] =	vst v63  }
0x1b7: {  	s23 =	sadd.s32 $0x2010, s21;
	s24 =	simm.s32 $0xAD08  }
0x1b8: {  	[hbm4b:s23+s3] =	stream.linear.scatter [tilespmem:s24], [sflag:$0x5], $0x80, $0x38;
	[tilespmem:$0xDF00] =	vst v63  }
0x1b9: {  	s23 =	sadd.s32 $0x2020, s21;
	s24 =	simm.s32 $0xAD90  }
0x1ba: {  	[hbm4b:s23+s3] =	stream.linear.scatter [tilespmem:s24], [sflag:$0x5], $0x80, $0x38;
	[tilespmem:$0xDF00] =	vst v63  }
0x1bb: {  	s23 =	sadd.s32 $0x2030, s21;
	s24 =	simm.s32 $0xAE18  }
0x1bc: {  	[hbm4b:s23+s3] =	stream.linear.scatter [tilespmem:s24], [sflag:$0x5], $0x80, $0x38;
	[tilespmem:$0xDF00] =	vst v63  }
0x1bd: {  	s23 =	sadd.s32 $0x2040, s21;
	s24 =	simm.s32 $0xAEA0  }
0x1be: {  	[hbm4b:s23+s3] =	stream.linear.scatter [tilespmem:s24], [sflag:$0x5], $0x80, $0x38;
	[tilespmem:$0xDF00] =	vst v63  }
0x1bf: {  	s23 =	sadd.s32 $0x2050, s21;
	s24 =	simm.s32 $0xAF28  }
0x1c0: {  	[hbm4b:s23+s3] =	stream.linear.scatter [tilespmem:s24], [sflag:$0x5], $0x80, $0x38;
	[tilespmem:$0xDF00] =	vst v63  }
0x1c1: {  	s23 =	sadd.s32 $0x2060, s21;
	s24 =	simm.s32 $0xAFB0  }
0x1c2: {  	[hbm4b:s23+s3] =	stream.linear.scatter [tilespmem:s24], [sflag:$0x5], $0x80, $0x38;
	[tilespmem:$0xDF00] =	vst v63  }
0x1c3: {  	s23 =	sadd.s32 $0x2070, s21;
	s24 =	simm.s32 $0xB038  }
0x1c4: {  	[hbm4b:s23+s3] =	stream.linear.scatter [tilespmem:s24], [sflag:$0x5], $0x80, $0x38;
	[tilespmem:$0xDF00] =	vst v63  }
0x1c5: {  	s23 =	sadd.s32 $0x3000, s21;
	s24 =	simm.s32 $0xB0C0  }
0x1c6: {  	[hbm4b:s23+s3] =	stream.linear.scatter [tilespmem:s24], [sflag:$0x5], $0x80, $0x38;
	[tilespmem:$0xDF00] =	vst v63  }
0x1c7: {  	s23 =	sadd.s32 $0x3010, s21;
	s24 =	simm.s32 $0xB148  }
0x1c8: {  	[hbm4b:s23+s3] =	stream.linear.scatter [tilespmem:s24], [sflag:$0x5], $0x80, $0x38;
	[tilespmem:$0xDF00] =	vst v63  }
0x1c9: {  	s23 =	sadd.s32 $0x3020, s21;
	s24 =	simm.s32 $0xB1D0  }
0x1ca: {  	[hbm4b:s23+s3] =	stream.linear.scatter [tilespmem:s24], [sflag:$0x5], $0x80, $0x38;
	[tilespmem:$0xDF00] =	vst v63  }
0x1cb: {  	s23 =	sadd.s32 $0x3030, s21;
	s24 =	simm.s32 $0xB258  }
0x1cc: {  	[hbm4b:s23+s3] =	stream.linear.scatter [tilespmem:s24], [sflag:$0x5], $0x80, $0x38;
	[tilespmem:$0xDF00] =	vst v63  }
0x1cd: {  	s23 =	sadd.s32 $0x3040, s21;
	s24 =	simm.s32 $0xB2E0  }
0x1ce: {  	[hbm4b:s23+s3] =	stream.linear.scatter [tilespmem:s24], [sflag:$0x5], $0x80, $0x38;
	[tilespmem:$0xDF00] =	vst v63  }
0x1cf: {  	s23 =	sadd.s32 $0x3050, s21;
	s24 =	simm.s32 $0xB368  }
0x1d0: {  	[hbm4b:s23+s3] =	stream.linear.scatter [tilespmem:s24], [sflag:$0x5], $0x80, $0x38;
	[tilespmem:$0xDF00] =	vst v63  }
0x1d1: {  	s23 =	sadd.s32 $0x3060, s21;
	s24 =	simm.s32 $0xB3F0  }
0x1d2: {  	[hbm4b:s23+s3] =	stream.linear.scatter [tilespmem:s24], [sflag:$0x5], $0x80, $0x38;
	[tilespmem:$0xDF00] =	vst v63  }
0x1d3: {  	s13 =	sadd.s32 @!p0 $0x300, s13;
	s21 =	sadd.s32 $0x3070, s21;
	s24 =	simm.s32 $0xB478  }
0x1d4: {  	[hbm4b:s21+s3] =	stream.linear.scatter [tilespmem:s24], [sflag:$0x5], $0x80, $0x38;
	[tilespmem:$0xDF00] =	vst v63  }
0x1d5: {  	s13 =	sand.u32 @!p0 $0xFF00, s13;
	s22 =	simm.s32 @!p0 $0x8400;
	s21 =	simm.s32 @!p0 $0x80  }
0x1d6: {  	[tilespmem:s22], [sflag:$0x3] =	stream.indirect.gather @!p0 [hbm4b:s5+s21], $0x20, s13, s21, $0xb8;
	[tilespmem:$0xDF00] =	vst v63  }
0x1d7: {  	s23 =	simm.s32 $0x0;
	_ =	swait.ge [sflag:s8], $0x1000  }
0x1d8: {  	v17 =	vmov s23;
	s23 =	simm.s32 $0x3;
	s24 =	simm.s32 $0x1;
	[sflag:s8] =	ssyncset.done $0x0  }
0x1d9: {  	v20 =	vmov s23;
	s23 =	simm.s32 $0x5;
	v17 =	vshrl.u32 v17, $0x3;
	v18 =	vmov s24;
	[sflag:s8] =	ssyncadd.s32 $0xFFFFF000  }
0x1da: {  	s24 =	simm.s32 $0x4;
	v22 =	vmov s23;
	v24 =	vshll.u32 v17, v1;
	v20 =	vshrl.u32 v20, $0x3;
	_ =	swait.ge [sflag:s29], $0x1000  }
0x1db: {  	s18 =	sshrl.u32 s18, $0x2;
	v21 =	vmov s24;
	s21 =	simm.s32 $0x7;
	v25 =	vshrl.u32 v18, $0x3;
	v22 =	vshrl.u32 v22, $0x3;
	[sflag:s29] =	ssyncset.done $0x0  }
0x1dc: {  	s22 =	simm.s32 $0x2;
	s24 =	simm.s32 $0x6;
	v24 =	vbroadcast v24, $0x0;
	v20 =	vshll.u32 v20, v1;
	v17 =	vmov s21;
	[sflag:s29] =	ssyncadd.s32 $0xFFFFF000  }
0x1dd: {  	v19 =	vmov s22;
	v23 =	vmov s24;
	v26 =	vshrl.u32 v17, $0x3;
	v18 =	vld [tilespmem:s18+$0xC600]  }
0x1de: {  	s13 =	simm.s32 $0x9480;
	v21 =	vshrl.u32 v21, $0x3;
	v25 =	vshll.u32 v25, v1;
	v26 =	vshll.u32 v26, v1;
	v17 =	vld [tilespmem:s18+$0xC610]  }
0x1df: {  	v22 =	vshll.u32 v22, v1;
	v20 =	vbroadcast v20, $0x0;
	v26 =	vbroadcast v26, $0x0;
	v27 =	vld [tilespmem:s13+$0x60]  }
0x1e0: {  	v19 =	vshrl.u32 v19, $0x3;
	v23 =	vshrl.u32 v23, $0x3;
	v25 =	vbroadcast v25, $0x0;
	v28 =	vld [tilespmem:s13+$0xFFFFFF80]  }
0x1e1: {  	v21 =	vshll.u32 v21, v1;
	v19 =	vshll.u32 v19, v1;
	v30 =	vadd.s32 v15, v26;
	v29 =	vld [tilespmem:s13+$0xFFFFFFA0]  }
0x1e2: {  	v31 =	vadd.s32 v0, v24;
	v55 =	vbroadcast v22, $0x0;
	v19 =	vbroadcast v19, $0x0;
	v48 =	vld [tilespmem:s13+$0xFFFFFFC0]  }
0x1e3: {  	v58 =	vadd.s32 v2, v24;
	v23 =	vshll.u32 v23, v1;
	v49 =	vadd.s32 v3, v25;
	v50 =	vld [tilespmem:s13+$0xFFFFFFE0]  }
0x1e4: {  	v21 =	vbroadcast v21, $0x0;
	v51 =	vadd.s32 v5, v19;
	v52 =	vld [tilespmem:s13+$0x0];
	v27 =	vadd.f32 v27, v18  }
0x1e5: {  	v53 =	vadd.s32 v7, v20;
	v60 =	vadd.s32 v4, v25;
	v54 =	vld [tilespmem:s13+$0x20];
	v28 =	vadd.f32 v28, v18  }
0x1e6: {  	v41 =	vbroadcast v23, $0x0;
	v56 =	vld [tilespmem:s13+$0x40];
	v22 =	vadd.f32 v29, v18;
	v29 =	vadd.s32 v9, v21;
	[tilespmem:v30+s30+$0x0] =	vst.idx.msk $0xffff, v27  }
0x1e7: {  	s22 =	simm.s32 $0x8;
	v23 =	vadd.f32 v48, v18;
	[tilespmem:v31+s30+$0x0] =	vst.idx.msk $0xffff, v28;
	v27 =	vadd.s32 v11, v55;
	v28 =	vld [tilespmem:s13+$0x70]  }
0x1e8: {  	v57 =	vmov s22;
	[tilespmem:v49+s30+$0x0] =	vst.idx.msk $0xffff, v22;
	v22 =	vadd.f32 v50, v18;
	v31 =	vadd.s32 v13, v41;
	v30 =	vld [tilespmem:s13+$0xFFFFFF90]  }
0x1e9: {  	v32 =	vshrl.u32 v57, $0x3;
	v26 =	vadd.s32 v16, v26;
	[tilespmem:v51+s30+$0x0] =	vst.idx.msk $0xffff, v23;
	v23 =	vadd.f32 v52, v18;
	v33 =	vld [tilespmem:s13+$0xFFFFFFB0]  }
0x1ea: {  	v32 =	vshll.u32 v32, v1;
	v24 =	vadd.f32 v54, v18;
	v35 =	vld [tilespmem:s13+$0xFFFFFFD0];
	[tilespmem:v53+s30+$0x0] =	vst.idx.msk $0xffff, v22  }
0x1eb: {  	v62 =	vadd.s32 v6, v19;
	v61 =	vld [tilespmem:s13+$0xFFFFFFF0];
	[tilespmem:v29+s30+$0x0] =	vst.idx.msk $0xffff, v23;
	v23 =	vadd.f32 v56, v18  }
0x1ec: {  	s23 =	simm.s32 $0x9;
	v19 =	vadd.s32 v8, v20;
	v42 =	vld [tilespmem:s13+$0x10];
	[tilespmem:v27+s30+$0x0] =	vst.idx.msk $0xffff, v24;
	v27 =	vadd.f32 v28, v17  }
0x1ed: {  	v59 =	vmov s23;
	s22 =	simm.s32 $0xC;
	v20 =	vadd.s32 v10, v21;
	[tilespmem:v31+s30+$0x0] =	vst.idx.msk $0xffff, v23;
	v28 =	vadd.f32 v30, v17;
	v29 =	vld [tilespmem:s13+$0x30]  }
0x1ee: {  	s24 =	simm.s32 $0xA;
	v25 =	vmov s22;
	v21 =	vadd.s32 v14, v41;
	v30 =	vadd.f32 v33, v17;
	v31 =	vld [tilespmem:s13+$0x50];
	[tilespmem:v26+s30+$0x0] =	vst.idx.msk $0xffff, v27  }
0x1ef: {  	s23 =	simm.s32 $0xD;
	s21 =	simm.s32 $0xB;
	v22 =	vmov s24;
	v23 =	vadd.s32 v12, v55;
	v63 =	vadd.f32 v35, v17;
	[tilespmem:v58+s30+$0x0] =	vst.idx.msk $0xffff, v28  }
0x1f0: {  	s24 =	simm.s32 $0xE;
	v24 =	vmov s21;
	v26 =	vmov s23;
	[tilespmem:v60+s30+$0x0] =	vst.idx.msk $0xffff, v30;
	v30 =	vadd.f32 v61, v17  }
0x1f1: {  	s18 =	simm.s32 $0x10;
	s21 =	simm.s32 $0xF;
	v27 =	vmov s24;
	v28 =	vshrl.u32 v59, $0x3;
	[tilespmem:v62+s30+$0x0] =	vst.idx.msk $0xffff, v63;
	v33 =	vadd.f32 v42, v17  }
.LBB2_13:
0x1f2: {  	p0 =	slt.u32 s18, $0x78;
	v22 =	vshrl.u32 v22, $0x3;
	v34 =	vmov s21;
	[tilespmem:v19+s30+$0x0] =	vst.idx.msk $0xffff, v30;
	v19 =	vadd.f32 v29, v17  }
0x1f3: {  	v24 =	vshrl.u32 v24, $0x3;
	v29 =	vshrl.u32 v34, $0x3;
	[tilespmem:v20+s30+$0x0] =	vst.idx.msk $0xffff, v33;
	v20 =	vadd.f32 v31, v17  }
0x1f4: {  	v25 =	vshrl.u32 v25, $0x3;
	v26 =	vshrl.u32 v26, $0x3;
	s13 =	sadd.s32 $0x100, s13;
	v29 =	vshll.u32 v29, v1;
	[tilespmem:v23+s30+$0x0] =	vst.idx.msk $0xffff, v19  }
0x1f5: {  	v19 =	vbroadcast v32, $0x0;
	v23 =	vshrl.u32 v27, $0x3;
	v27 =	vld [tilespmem:s13+$0x60];
	v29 =	vbroadcast v29, $0x0;
	[tilespmem:v21+s30+$0x0] =	vst.idx.msk $0xffff, v20  }
0x1f6: {  	v22 =	vshll.u32 v22, v1;
	v24 =	vshll.u32 v24, v1;
	v21 =	vshll.u32 v28, v1;
	v20 =	vld [tilespmem:s13+$0xFFFFFF80]  }
0x1f7: {  	v25 =	vshll.u32 v25, v1;
	v21 =	vbroadcast v21, $0x0;
	v28 =	vld [tilespmem:s13+$0xFFFFFFA0];
	v30 =	vadd.s32 v15, v29  }
0x1f8: {  	v33 =	vbroadcast v22, $0x0;
	v22 =	vshll.u32 v26, v1;
	v31 =	vadd.s32 v0, v19;
	v32 =	vld [tilespmem:s13+$0xFFFFFFC0]  }
0x1f9: {  	v35 =	vbroadcast v24, $0x0;
	v23 =	vshll.u32 v23, v1;
	v26 =	vadd.s32 v3, v21;
	v34 =	vld [tilespmem:s13+$0xFFFFFFE0]  }
0x1fa: {  	v37 =	vbroadcast v25, $0x0;
	v24 =	vadd.s32 v5, v33;
	v36 =	vld [tilespmem:s13+$0x0];
	v25 =	vadd.f32 v27, v18  }
0x1fb: {  	v39 =	vbroadcast v22, $0x0;
	v27 =	vadd.s32 v7, v35;
	v20 =	vadd.f32 v20, v18;
	v38 =	vld [tilespmem:s13+$0x20]  }
0x1fc: {  	v41 =	vbroadcast v23, $0x0;
	v22 =	vadd.f32 v28, v18;
	v28 =	vadd.s32 v9, v37;
	v40 =	vld [tilespmem:s13+$0x40];
	[tilespmem:v30+s30+$0x0] =	vst.idx.msk $0xffff, v25  }
0x1fd: {  	v23 =	vadd.s32 v11, v39;
	[tilespmem:v31+s30+$0x0] =	vst.idx.msk $0xffff, v20;
	v20 =	vadd.f32 v32, v18;
	v25 =	vld [tilespmem:s13+$0x70]  }
0x1fe: {  	v30 =	vld [tilespmem:s13+$0xFFFFFF90];
	[tilespmem:v26+s30+$0x0] =	vst.idx.msk $0xffff, v22;
	v22 =	vadd.f32 v34, v18;
	v26 =	vadd.s32 v13, v41  }
0x1ff: {  	v31 =	vmov s18;
	v34 =	vadd.s32 v16, v29;
	v32 =	vld [tilespmem:s13+$0xFFFFFFB0];
	[tilespmem:v24+s30+$0x0] =	vst.idx.msk $0xffff, v20;
	v20 =	vadd.f32 v36, v18  }
0x200: {  	s21 =	sadd.s32 $0x1, s18;
	v42 =	vadd.s32 v2, v19;
	v36 =	vshrl.u32 v31, $0x3;
	v43 =	vld [tilespmem:s13+$0xFFFFFFD0];
	[tilespmem:v27+s30+$0x0] =	vst.idx.msk $0xffff, v22;
	v19 =	vadd.f32 v38, v18  }
0x201: {  	v21 =	vadd.s32 v4, v21;
	v38 =	vmov s21;
	s21 =	sadd.s32 $0x2, s18;
	v44 =	vld [tilespmem:s13+$0xFFFFFFF0];
	[tilespmem:v28+s30+$0x0] =	vst.idx.msk $0xffff, v20;
	v20 =	vadd.f32 v40, v18  }
0x202: {  	v33 =	vadd.s32 v6, v33;
	v22 =	vmov s21;
	s21 =	sadd.s32 $0x3, s18;
	v40 =	vld [tilespmem:s13+$0x10];
	[tilespmem:v23+s30+$0x0] =	vst.idx.msk $0xffff, v19;
	v23 =	vadd.f32 v25, v17  }
.Ltmp6:
0x203: {  	v24 =	vmov s21;
	s21 =	sadd.s32 $0x4, s18;
	v19 =	vadd.s32 v8, v35;
	v27 =	vadd.f32 v30, v17;
	v29 =	vld [tilespmem:s13+$0x30];
	[tilespmem:v26+s30+$0x0] =	vst.idx.msk $0xffff, v20;
	(pc) =	sbr.rel @p0 .LBB2_13-.Ltmp6, $4  }
0x204: {  	v25 =	vmov s21;
	s21 =	sadd.s32 $0x5, s18;
	v20 =	vadd.s32 v10, v37;
	v28 =	vadd.f32 v32, v17;
	v31 =	vld [tilespmem:s13+$0x50];
	[tilespmem:v34+s30+$0x0] =	vst.idx.msk $0xffff, v23  }
0x205: {  	v26 =	vmov s21;
	s21 =	sadd.s32 $0x6, s18;
	v23 =	vadd.s32 v12, v39;
	[tilespmem:v42+s30+$0x0] =	vst.idx.msk $0xffff, v27;
	v34 =	vadd.f32 v43, v17  }
0x206: {  	v27 =	vmov s21;
	[tilespmem:v21+s30+$0x0] =	vst.idx.msk $0xffff, v28;
	v30 =	vadd.f32 v44, v17;
	v21 =	vadd.s32 v14, v41  }
0x207: {  	v32 =	vshll.u32 v36, v1;
	s21 =	sadd.s32 $0x7, s18;
	s18 =	sadd.s32 $0x8, s18;
	v28 =	vshrl.u32 v38, $0x3;
	[tilespmem:v33+s30+$0x0] =	vst.idx.msk $0xffff, v34;
	v33 =	vadd.f32 v40, v17  }
0x208: {  	v34 =	vmov s21;
	v22 =	vshrl.u32 v22, $0x3;
	v29 =	vadd.f32 v29, v17  }
0x209: {  	v24 =	vshrl.u32 v24, $0x3;
	v25 =	vshrl.u32 v25, $0x3;
	v26 =	vshrl.u32 v26, $0x3  }
0x20a: {  	s13 =	sadd.s32 $0x100, s13;
	v32 =	vbroadcast v32, $0x0;
	v27 =	vshrl.u32 v27, $0x3;
	v28 =	vshll.u32 v28, v1  }
0x20b: {  	v34 =	vshrl.u32 v34, $0x3;
	v31 =	vadd.f32 v31, v17;
	v36 =	vld [tilespmem:s13+$0xFFFFFF80];
	v22 =	vshll.u32 v22, v1  }
0x20c: {  	v24 =	vshll.u32 v24, v1;
	v37 =	vld [tilespmem:s13+$0xFFFFFFA0];
	v28 =	vbroadcast v28, $0x0;
	v34 =	vshll.u32 v34, v1  }
0x20d: {  	[tilespmem:v19+s30+$0x0] =	vst.idx.msk $0xffff, v30;
	v35 =	vld [tilespmem:s13+$0x60];
	v25 =	vshll.u32 v25, v1;
	v19 =	vadd.s32 v0, v32;
	v34 =	vbroadcast v34, $0x0  }
0x20e: {  	v60 =	vld [tilespmem:s13+$0xFFFFFFC0];
	v26 =	vshll.u32 v26, v1;
	v22 =	vbroadcast v22, $0x0;
	v61 =	vadd.s32 v3, v28  }
0x20f: {  	[tilespmem:v20+s30+$0x0] =	vst.idx.msk $0xffff, v33;
	v62 =	vld [tilespmem:s13+$0xFFFFFFE0];
	v27 =	vshll.u32 v27, v1;
	v24 =	vbroadcast v24, $0x0;
	v38 =	vadd.s32 v15, v34  }
0x210: {  	v44 =	vld [tilespmem:s13+$0x0];
	[tilespmem:v23+s30+$0x0] =	vst.idx.msk $0xffff, v29;
	v25 =	vbroadcast v25, $0x0;
	v63 =	vadd.s32 v5, v22;
	v45 =	vadd.f32 v36, v18  }
0x211: {  	v47 =	vld [tilespmem:s13+$0x20];
	v26 =	vbroadcast v26, $0x0;
	[tilespmem:v21+s30+$0x0] =	vst.idx.msk $0xffff, v31;
	v46 =	vadd.s32 v7, v24;
	v37 =	vadd.f32 v37, v18  }
0x212: {  	v40 =	vld [tilespmem:s13+$0x40];
	v27 =	vbroadcast v27, $0x0;
	v39 =	vadd.s32 v9, v25;
	v35 =	vadd.f32 v35, v18;
	[tilespmem:v19+s30+$0x0] =	vst.idx.msk $0xffff, v45  }
0x213: {  	v48 =	vadd.s32 v11, v26;
	v19 =	vadd.f32 v60, v18;
	[tilespmem:v61+s30+$0x0] =	vst.idx.msk $0xffff, v37;
	v50 =	vld [tilespmem:s13+$0xFFFFFF90]  }
0x214: {  	v52 =	vadd.s32 v13, v27;
	v51 =	vadd.f32 v62, v18;
	v37 =	vld [tilespmem:s13+$0xFFFFFFB0];
	[tilespmem:v38+s30+$0x0] =	vst.idx.msk $0xffff, v35  }
0x215: {  	v54 =	vadd.s32 v2, v32;
	[tilespmem:v63+s30+$0x0] =	vst.idx.msk $0xffff, v19;
	v19 =	vadd.f32 v44, v18;
	v49 =	vld [tilespmem:s13+$0x70]  }
0x216: {  	v28 =	vadd.s32 v4, v28;
	v56 =	vadd.f32 v47, v18;
	[tilespmem:v46+s30+$0x0] =	vst.idx.msk $0xffff, v51;
	v55 =	vld [tilespmem:s13+$0xFFFFFFD0]  }
0x217: {  	v53 =	vadd.s32 v16, v34;
	v31 =	vld [tilespmem:s13+$0xFFFFFFF0];
	v18 =	vadd.f32 v40, v18;
	[tilespmem:v39+s30+$0x0] =	vst.idx.msk $0xffff, v19  }
0x218: {  	[tilespmem:v48+s30+$0x0] =	vst.idx.msk $0xffff, v56;
	v19 =	vadd.s32 v6, v22;
	v57 =	vld [tilespmem:s13+$0x10];
	v59 =	vadd.f32 v50, v17  }
0x219: {  	v24 =	vadd.s32 v8, v24;
	v60 =	vld [tilespmem:s13+$0x30];
	[tilespmem:v52+s30+$0x0] =	vst.idx.msk $0xffff, v18;
	v18 =	vadd.f32 v37, v17  }
0x21a: {  	v25 =	vadd.s32 v10, v25;
	v33 =	vld [tilespmem:s13+$0x50];
	v58 =	vadd.f32 v49, v17;
	[tilespmem:v54+s30+$0x0] =	vst.idx.msk $0xffff, v59  }
0x21b: {  	v62 =	vadd.s32 v12, v26;
	v61 =	vadd.f32 v55, v17;
	[tilespmem:v28+s30+$0x0] =	vst.idx.msk $0xffff, v18  }
0x21c: {  	v63 =	vadd.s32 v14, v27;
	v18 =	vadd.f32 v31, v17;
	[tilespmem:v53+s30+$0x0] =	vst.idx.msk $0xffff, v58  }
0x21d: {  	[tilespmem:v19+s30+$0x0] =	vst.idx.msk $0xffff, v61;
	v19 =	vadd.f32 v57, v17  }
0x21e: {  	s23 =	sshll.u32 s14, $0x11;
	[tilespmem:v24+s30+$0x0] =	vst.idx.msk $0xffff, v18;
	v18 =	vadd.f32 v60, v17  }
0x21f: {  	s13 =	sor.u32 s4, s23;
	v17 =	vadd.f32 v33, v17;
	[tilespmem:v25+s30+$0x0] =	vst.idx.msk $0xffff, v19  }
0x220: {  	s13 =	sshrl.u32 s13, $0x3;
	[tilespmem:v62+s30+$0x0] =	vst.idx.msk $0xffff, v18  }
0x221: {  	s13 =	sadd.s32 s1, s13;
	[tilespmem:v63+s30+$0x0] =	vst.idx.msk $0xffff, v17  }
0x222: {  	[hbm4b:s13+s3] =	stream.linear.scatter [tilespmem:s30], [sflag:$0x6], $0x80, $0x38;
	[tilespmem:$0xDF00] =	vst v63  }
0x223: {  	s18 =	simm.s32 $0xB588;
	s24 =	sadd.s32 $0x10, s13  }
0x224: {  	[hbm4b:s24+s3] =	stream.linear.scatter [tilespmem:s18], [sflag:$0x6], $0x80, $0x38;
	[tilespmem:$0xDF00] =	vst v63  }
0x225: {  	s22 =	simm.s32 $0xB610;
	s21 =	sadd.s32 $0x20, s13  }
0x226: {  	[hbm4b:s21+s3] =	stream.linear.scatter [tilespmem:s22], [sflag:$0x6], $0x80, $0x38;
	[tilespmem:$0xDF00] =	vst v63  }
0x227: {  	s23 =	sadd.s32 $0x30, s13;
	s24 =	simm.s32 $0xB698  }
0x228: {  	[hbm4b:s23+s3] =	stream.linear.scatter [tilespmem:s24], [sflag:$0x6], $0x80, $0x38;
	[tilespmem:$0xDF00] =	vst v63  }
0x229: {  	s21 =	sadd.s32 $0x40, s13;
	s22 =	simm.s32 $0xB720  }
0x22a: {  	[hbm4b:s21+s3] =	stream.linear.scatter [tilespmem:s22], [sflag:$0x6], $0x80, $0x38;
	[tilespmem:$0xDF00] =	vst v63  }
0x22b: {  	s23 =	sadd.s32 $0x50, s13;
	s24 =	simm.s32 $0xB7A8  }
0x22c: {  	[hbm4b:s23+s3] =	stream.linear.scatter [tilespmem:s24], [sflag:$0x6], $0x80, $0x38;
	[tilespmem:$0xDF00] =	vst v63  }
0x22d: {  	s21 =	sadd.s32 $0x60, s13;
	s22 =	simm.s32 $0xB830  }
0x22e: {  	[hbm4b:s21+s3] =	stream.linear.scatter [tilespmem:s22], [sflag:$0x6], $0x80, $0x38;
	[tilespmem:$0xDF00] =	vst v63  }
0x22f: {  	s23 =	sadd.s32 $0x70, s13;
	s24 =	simm.s32 $0xB8B8  }
0x230: {  	[hbm4b:s23+s3] =	stream.linear.scatter [tilespmem:s24], [sflag:$0x6], $0x80, $0x38;
	[tilespmem:$0xDF00] =	vst v63  }
0x231: {  	s21 =	sadd.s32 $0x1000, s13;
	s22 =	simm.s32 $0xB940  }
0x232: {  	[hbm4b:s21+s3] =	stream.linear.scatter [tilespmem:s22], [sflag:$0x6], $0x80, $0x38;
	[tilespmem:$0xDF00] =	vst v63  }
0x233: {  	s23 =	sadd.s32 $0x1010, s13;
	s24 =	simm.s32 $0xB9C8  }
0x234: {  	[hbm4b:s23+s3] =	stream.linear.scatter [tilespmem:s24], [sflag:$0x6], $0x80, $0x38;
	[tilespmem:$0xDF00] =	vst v63  }
0x235: {  	s21 =	sadd.s32 $0x1020, s13;
	s22 =	simm.s32 $0xBA50  }
0x236: {  	[hbm4b:s21+s3] =	stream.linear.scatter [tilespmem:s22], [sflag:$0x6], $0x80, $0x38;
	[tilespmem:$0xDF00] =	vst v63  }
0x237: {  	s23 =	sadd.s32 $0x1030, s13;
	s24 =	simm.s32 $0xBAD8  }
0x238: {  	[hbm4b:s23+s3] =	stream.linear.scatter [tilespmem:s24], [sflag:$0x6], $0x80, $0x38;
	[tilespmem:$0xDF00] =	vst v63  }
0x239: {  	s21 =	sadd.s32 $0x1040, s13;
	s22 =	simm.s32 $0xBB60  }
0x23a: {  	[hbm4b:s21+s3] =	stream.linear.scatter [tilespmem:s22], [sflag:$0x6], $0x80, $0x38;
	[tilespmem:$0xDF00] =	vst v63  }
0x23b: {  	s23 =	sadd.s32 $0x1050, s13;
	s24 =	simm.s32 $0xBBE8  }
0x23c: {  	[hbm4b:s23+s3] =	stream.linear.scatter [tilespmem:s24], [sflag:$0x6], $0x80, $0x38;
	[tilespmem:$0xDF00] =	vst v63  }
0x23d: {  	s21 =	sadd.s32 $0x1060, s13;
	s22 =	simm.s32 $0xBC70  }
0x23e: {  	[hbm4b:s21+s3] =	stream.linear.scatter [tilespmem:s22], [sflag:$0x6], $0x80, $0x38;
	[tilespmem:$0xDF00] =	vst v63  }
0x23f: {  	s23 =	sadd.s32 $0x1070, s13;
	s24 =	simm.s32 $0xBCF8  }
0x240: {  	[hbm4b:s23+s3] =	stream.linear.scatter [tilespmem:s24], [sflag:$0x6], $0x80, $0x38;
	[tilespmem:$0xDF00] =	vst v63  }
0x241: {  	s21 =	sadd.s32 $0x2000, s13;
	s22 =	simm.s32 $0xBD80  }
0x242: {  	[hbm4b:s21+s3] =	stream.linear.scatter [tilespmem:s22], [sflag:$0x6], $0x80, $0x38;
	[tilespmem:$0xDF00] =	vst v63  }
0x243: {  	s23 =	sadd.s32 $0x2010, s13;
	s24 =	simm.s32 $0xBE08  }
0x244: {  	[hbm4b:s23+s3] =	stream.linear.scatter [tilespmem:s24], [sflag:$0x6], $0x80, $0x38;
	[tilespmem:$0xDF00] =	vst v63  }
0x245: {  	s21 =	sadd.s32 $0x2020, s13;
	s22 =	simm.s32 $0xBE90  }
0x246: {  	[hbm4b:s21+s3] =	stream.linear.scatter [tilespmem:s22], [sflag:$0x6], $0x80, $0x38;
	[tilespmem:$0xDF00] =	vst v63  }
0x247: {  	s23 =	sadd.s32 $0x2030, s13;
	s24 =	simm.s32 $0xBF18  }
0x248: {  	[hbm4b:s23+s3] =	stream.linear.scatter [tilespmem:s24], [sflag:$0x6], $0x80, $0x38;
	[tilespmem:$0xDF00] =	vst v63  }
0x249: {  	s21 =	sadd.s32 $0x2040, s13;
	s22 =	simm.s32 $0xBFA0  }
0x24a: {  	[hbm4b:s21+s3] =	stream.linear.scatter [tilespmem:s22], [sflag:$0x6], $0x80, $0x38;
	[tilespmem:$0xDF00] =	vst v63  }
0x24b: {  	s23 =	sadd.s32 $0x2050, s13;
	s24 =	simm.s32 $0xC028  }
0x24c: {  	[hbm4b:s23+s3] =	stream.linear.scatter [tilespmem:s24], [sflag:$0x6], $0x80, $0x38;
	[tilespmem:$0xDF00] =	vst v63  }
0x24d: {  	s21 =	sadd.s32 $0x2060, s13  }
0x24e: {  	[hbm4b:s21+s3] =	stream.linear.scatter [tilespmem:s26], [sflag:$0x6], $0x80, $0x38;
	[tilespmem:$0xDF00] =	vst v63  }
0x24f: {  	s22 =	sadd.s32 $0x2070, s13  }
0x250: {  	[hbm4b:s22+s3] =	stream.linear.scatter [tilespmem:s31], [sflag:$0x6], $0x80, $0x38;
	[tilespmem:$0xDF00] =	vst v63  }
0x251: {  	s23 =	sadd.s32 $0x3000, s13  }
0x252: {  	[hbm4b:s23+s3] =	stream.linear.scatter [tilespmem:s0], [sflag:$0x6], $0x80, $0x38;
	[tilespmem:$0xDF00] =	vst v63  }
0x253: {  	s24 =	sadd.s32 $0x3010, s13  }
0x254: {  	[hbm4b:s24+s3] =	stream.linear.scatter [tilespmem:s2], [sflag:$0x6], $0x80, $0x38;
	[tilespmem:$0xDF00] =	vst v63  }
0x255: {  	s18 =	sadd.s32 $0x3020, s13  }
0x256: {  	[hbm4b:s18+s3] =	stream.linear.scatter [tilespmem:s9], [sflag:$0x6], $0x80, $0x38;
	[tilespmem:$0xDF00] =	vst v63  }
0x257: {  	s21 =	sadd.s32 $0x3030, s13  }
0x258: {  	[hbm4b:s21+s3] =	stream.linear.scatter [tilespmem:s11], [sflag:$0x6], $0x80, $0x38;
	[tilespmem:$0xDF00] =	vst v63  }
0x259: {  	s10 =	sadd.s32 $0x1, s10;
	s22 =	sadd.s32 $0x3040, s13  }
0x25a: {  	[hbm4b:s22+s3] =	stream.linear.scatter [tilespmem:s12], [sflag:$0x6], $0x80, $0x38;
	[tilespmem:$0xDF00] =	vst v63  }
0x25b: {  	p0 =	sne.s32 s10, $0x32;
	s23 =	sadd.s32 $0x3050, s13  }
0x25c: {  	[hbm4b:s23+s3] =	stream.linear.scatter [tilespmem:s15], [sflag:$0x6], $0x80, $0x38;
	[tilespmem:$0xDF00] =	vst v63  }
.Ltmp7:
0x25d: {  	_ = 	snop;
	(pc) =	sbr.rel @p0 .LBB2_2-.Ltmp7, $4  }
0x25e: {  	s24 =	sadd.s32 $0x3060, s13  }
0x25f: {  	[hbm4b:s24+s3] =	stream.linear.scatter [tilespmem:s16], [sflag:$0x6], $0x80, $0x38;
	[tilespmem:$0xDF00] =	vst v63  }
0x260: {  	s13 =	sadd.s32 $0x3070, s13  }
0x261: {  	[hbm4b:s13+s3] =	stream.linear.scatter [tilespmem:s17], [sflag:$0x6], $0x80, $0x38;
	[tilespmem:$0xDF00] =	vst v63  }
0x262: {  	_ =	swait.ge [sflag:s7], $0x1000  }
0x263: {  	[sflag:s7] =	ssyncset.done $0x0  }
0x264: {  	[sflag:s7] =	ssyncadd.s32 $0xFFFFF000  }
0x265: {  	_ =	swait.ge [sflag:s29], $0x1000  }
0x266: {  	s13 =	rddreg [dreg:$0x7]  }
0x267: {  	s10 =	rddreg [dreg:$0x6];
	s13 =	sadd.s32 $0x1, s13  }
0x268: {  	p0 =	sne.s32 s13, s10  }
.Ltmp8:
0x269: {  	_ = 	snop;
	(pc) =	sbr.rel @p0 .LBB2_1-.Ltmp8, $3  }
0x26a: {  	_ =	sdelay $0x1  }
0x26b: {  	[sflag:s29] =	ssyncset.done $0x0  }
0x26c: {  	[sflag:s29] =	ssyncadd.s32 $0xFFFFF000  }
0x26d: {  	_ =	sfence.sel $0x180000  }
0x26e: {  	[bflag:$0x0] =	sbarrier.arrive $0xFFFF  }
0x26f: {  	_ =	strace $0x9000004A  }
0x270: {  	s0 =	stileid.u32;
	[bflag:$0x2] =	sbarrier.arrive $0xFFFF  }
0x271: {  	p0 =	sne.s32 s0, $0x0;
	s0 =	rddreg [dreg:$0x3]  }
0x272: {  	s0 =	sadd.s32 @!p0 $0x100000, s0  }
0x273: {  	[sflag:s0] =	ssyncadd.tile.s32 @!p0 $0x1;
	_ =	shalt  }
.Lfunc_end2:
_tile_overlayer_lowered:
.L_overlay_start_2:
0x274: {  	(tag) =	ssettag $0x2  }
0x275: {  	s0 =	rddreg [dreg:$0x0];
	s2 =	stileid.u32  }
0x276: {  	s1 =	rddreg [dreg:$0x1];
	p0 =	sne.s32 s2, $0x0  }
0x277: {  	s3 =	rddreg [dreg:$0x2];
	[bflag:$0x3] =	sbarrier.arrive $0xFFFF;
	s2 =	simm.s32 @!p0 $0x1C07  }
0x278: {  	[timem:s3], [sflag:s2] =	dma.local @!p0 [hbm:s0], s1  }
0x279: {  	s0 =	simm.s32 @!p0 $0x7  }
0x27a: {  	_ =	swait.ge @!p0 [sflag:s0], s1  }
0x27b: {  	s1 =	ssub.s32 @!p0 $0x0, s1;
	[sflag:s0] =	ssyncset.done @!p0 $0x0  }
0x27c: {  	[sflag:s0] =	ssyncadd.s32 @!p0 s1  }
0x27d: {  	[bflag:$0x3] =	sbarrier.arrive $0xFFFF  }
0x27e: {  	_ =	shalt  }

</sc_bundles>
